<compile_context>
chip_gen: v7x
topology: tpu7x:2x2x1
jax: 0.10.2.dev20260603
libtpu: 0.0.44.dev20260713+nightly
codegen_flags: <defaults>
</compile_context>

<pallas_src>
import functools

import jax
import jax.numpy as jnp
from jax import lax
from jax.experimental import pallas as pl
from jax.experimental.pallas import tpu as pltpu
from jax.experimental.pallas import tpu_sc as plsc

_NC, _NS = 2, 16
_NW = _NC * _NS
_C = 128
_F32 = jnp.float32



@functools.lru_cache(maxsize=None)
def _make_gather(N, H, R):
    trips = pl.cdiv(R, _NW)
    mesh = plsc.VectorSubcoreMesh(core_axis_name="c", subcore_axis_name="s")

    @functools.partial(
        pl.kernel,
        mesh=mesh,
        out_type=(
            jax.ShapeDtypeStruct((R * _C, H), _F32),
            jax.ShapeDtypeStruct((R * _C, H), _F32),
        ),
        scratch_types=[
            pltpu.VMEM((_C,), jnp.int32),
            pltpu.VMEM((_C,), jnp.int32),
            pltpu.VMEM((_C, H), _F32),
            pltpu.VMEM((_C, H), _F32),
            pltpu.SemaphoreType.DMA,
            pltpu.SemaphoreType.DMA,
        ],
    )
    def gather_k(table, rows2d, cols2d, outr, outc,
                 idxr, idxc, bufr, bufc, semr, semc):
        wid = lax.axis_index("s") * _NC + lax.axis_index("c")

        def body(t, carry):
            r = t * _NW + wid

            @pl.when(r < R)
            def _():
                pltpu.sync_copy(rows2d.at[r], idxr)
                pltpu.sync_copy(cols2d.at[r], idxc)
                cr = pltpu.async_copy(table.at[idxr], bufr, semr)
                cc = pltpu.async_copy(table.at[idxc], bufc, semc)
                cr.wait()
                cc.wait()
                pltpu.sync_copy(bufr, outr.at[pl.ds(r * _C, _C)])
                pltpu.sync_copy(bufc, outc.at[pl.ds(r * _C, _C)])

            return carry

        lax.fori_loop(0, trips, body, 0)

    return gather_k


@functools.lru_cache(maxsize=None)
def _make_scatter(N, H, R):
    trips = pl.cdiv(R, _NW)
    Np = ((N + 127) // 128) * 128
    srows = Np // _NS
    mesh = plsc.VectorSubcoreMesh(core_axis_name="c", subcore_axis_name="s")

    @functools.partial(
        pl.kernel,
        mesh=mesh,
        out_type=jax.ShapeDtypeStruct((_NC, Np, H), _F32),
        scratch_types=[
            pltpu.VMEM_SHARED((Np, H), _F32),
            pltpu.VMEM((_C,), jnp.int32),
            pltpu.VMEM((_C, H), _F32),
        ],
    )
    def scatter_k(vals, cols2d, zeros, out, acc, idx, buf):
        cid = lax.axis_index("c")
        sid = lax.axis_index("s")
        wid = sid * _NC + cid

        pltpu.sync_copy(zeros.at[pl.ds(sid * srows, srows)],
                        acc.at[pl.ds(sid * srows, srows)])
        plsc.subcore_barrier()

        def body(t, carry):
            r = t * _NW + wid

            @pl.when(r < R)
            def _():
                pltpu.sync_copy(cols2d.at[r], idx)
                pltpu.sync_copy(vals.at[pl.ds(r * _C, _C)], buf)
                pltpu.sync_copy(buf, acc.at[idx], add=True)

            return carry

        lax.fori_loop(0, trips, body, 0)
        plsc.subcore_barrier()
        pltpu.sync_copy(acc.at[pl.ds(sid * srows, srows)],
                        out.at[cid].at[pl.ds(sid * srows, srows)])

    return scatter_k



def _enc_body(x, w1, b1, a, w2, b2, o_ref):
    h = jnp.dot(x[...], w1[...], preferred_element_type=_F32) + b1[...]
    h = jnp.where(h >= 0, h, a[...] * h)
    o_ref[...] = jnp.dot(h, w2[...], preferred_element_type=_F32) + b2[...]


@functools.lru_cache(maxsize=None)
def _make_enc(M, din, dmid, dout, blk):
    return pl.pallas_call(
        _enc_body,
        grid=(M // blk,),
        in_specs=[
            pl.BlockSpec((blk, din), lambda i: (i, 0)),
            pl.BlockSpec((din, dmid), lambda i: (0, 0)),
            pl.BlockSpec((1, dmid), lambda i: (0, 0)),
            pl.BlockSpec((1, 1), lambda i: (0, 0)),
            pl.BlockSpec((dmid, dout), lambda i: (0, 0)),
            pl.BlockSpec((1, dout), lambda i: (0, 0)),
        ],
        out_specs=pl.BlockSpec((blk, dout), lambda i: (i, 0)),
        out_shape=jax.ShapeDtypeStruct((M, dout), _F32),
    )


def _ln_prelu(h, lnw, lnb, a):
    m = jnp.mean(h, axis=1, keepdims=True)
    v = jnp.mean((h - m) ** 2, axis=1, keepdims=True)
    h = (h - m) * lax.rsqrt(v + 1e-5) * lnw + lnb
    return jnp.where(h >= 0, h, a * h)


def _edge_body(xr, xc, ea, w1r, w1c, w1e, b1, lnw, lnb, a, w2, b2,
               eo_ref, ean_ref):
    h = (jnp.dot(xr[...], w1r[...], preferred_element_type=_F32)
         + jnp.dot(xc[...], w1c[...], preferred_element_type=_F32)
         + jnp.dot(ea[...], w1e[...], preferred_element_type=_F32)
         + b1[...])
    h = _ln_prelu(h, lnw[...], lnb[...], a[...])
    eo = jnp.dot(h, w2[...], preferred_element_type=_F32) + b2[...]
    eo_ref[...] = eo
    ean_ref[...] = ea[...] + eo


@functools.lru_cache(maxsize=None)
def _make_edge_mlp(E, H, blk):
    row = lambda i: (i, 0)
    const = lambda i: (0, 0)
    return pl.pallas_call(
        _edge_body,
        grid=(E // blk,),
        in_specs=[
            pl.BlockSpec((blk, H), row),
            pl.BlockSpec((blk, H), row),
            pl.BlockSpec((blk, H), row),
            pl.BlockSpec((H, 2 * H), const),
            pl.BlockSpec((H, 2 * H), const),
            pl.BlockSpec((H, 2 * H), const),
            pl.BlockSpec((1, 2 * H), const),
            pl.BlockSpec((1, 2 * H), const),
            pl.BlockSpec((1, 2 * H), const),
            pl.BlockSpec((1, 1), const),
            pl.BlockSpec((2 * H, H), const),
            pl.BlockSpec((1, H), const),
        ],
        out_specs=(
            pl.BlockSpec((blk, H), row),
            pl.BlockSpec((blk, H), row),
        ),
        out_shape=(
            jax.ShapeDtypeStruct((E, H), _F32),
            jax.ShapeDtypeStruct((E, H), _F32),
        ),
    )


def _node_body(x, a0, a1, wx, wa, b1, lnw, lnb, a, w2, b2, o_ref):
    agg = a0[...] + a1[...]
    h = (jnp.dot(x[...], wx[...], preferred_element_type=_F32)
         + jnp.dot(agg, wa[...], preferred_element_type=_F32)
         + b1[...])
    h = _ln_prelu(h, lnw[...], lnb[...], a[...])
    o_ref[...] = x[...] + jnp.dot(h, w2[...], preferred_element_type=_F32) + b2[...]


@functools.lru_cache(maxsize=None)
def _make_node_mlp(N, H, blk):
    row = lambda i: (i, 0)
    const = lambda i: (0, 0)
    return pl.pallas_call(
        _node_body,
        grid=(N // blk,),
        in_specs=[
            pl.BlockSpec((blk, H), row),
            pl.BlockSpec((blk, H), row),
            pl.BlockSpec((blk, H), row),
            pl.BlockSpec((H, 2 * H), const),
            pl.BlockSpec((H, 2 * H), const),
            pl.BlockSpec((1, 2 * H), const),
            pl.BlockSpec((1, 2 * H), const),
            pl.BlockSpec((1, 2 * H), const),
            pl.BlockSpec((1, 1), const),
            pl.BlockSpec((2 * H, H), const),
            pl.BlockSpec((1, H), const),
        ],
        out_specs=pl.BlockSpec((blk, H), row),
        out_shape=jax.ShapeDtypeStruct((N, H), _F32),
    )


def _dec_body(xp, bp, glob_ref, emb_ref,
              gw1, gb1, ga, gw2, gb2,
              wdu, wdn, db, alpha,
              ow1, ob1, olnw, olnb, oa, ow2, ob2,
              sph, spl, spb,
              dos_ref, spark_ref):
    B = dos_ref.shape[0]
    NB = xp.shape[0]
    NE, H = emb_ref.shape
    g = glob_ref[...]
    u = g[:, 0:1] * gw1[0:1, :] + g[:, 1:2] * gw1[1:2, :] + gb1[...]
    u = jnp.where(u >= 0, u, ga[...] * u)
    u = jnp.dot(u, gw2[...], preferred_element_type=_F32) + gb2[...]
    cls = lax.broadcasted_iota(jnp.int32, (B, 128), 0)

    def nb(i, acc):
        mf = (bp[i] == cls).astype(_F32)
        return acc + jnp.dot(mf, xp[i], preferred_element_type=_F32)

    node_sum = lax.fori_loop(0, NB, nb, jnp.zeros((B, H), _F32))
    graph = (jnp.dot(u, wdu[...], preferred_element_type=_F32)
             + jnp.dot(node_sum, wdn[...], preferred_element_type=_F32)
             + db[...])
    emb = emb_ref[...]
    z = emb[None, :, :] + (alpha[...] * graph)[:, None, :]
    h = jnp.dot(z.reshape(B * NE, H), ow1[...], preferred_element_type=_F32) + ob1[...]
    h = _ln_prelu(h, olnw[...], olnb[...], oa[...])
    dos_ref[...] = jnp.sum(h.reshape(B, NE, H) * ow2[...][None], axis=2) + ob2[...]
    v1 = jnp.sum(emb * sph[...], axis=1, keepdims=True)
    v2 = jnp.sum(emb * spl[...], axis=1, keepdims=True)
    logit = v1[1:, :] + v2[:-1, :] + spb[...]
    spark_ref[...] = jnp.broadcast_to(jax.nn.sigmoid(logit), spark_ref.shape)


@functools.lru_cache(maxsize=None)
def _make_decoder(NB, B, NE, H):
    return pl.pallas_call(
        _dec_body,
        out_shape=(
            jax.ShapeDtypeStruct((B, NE), _F32),
            jax.ShapeDtypeStruct((NE - 1, B), _F32),
        ),
    )



def _s11(v):
    return jnp.reshape(v, (1, 1)).astype(_F32)


def kernel(x, edge_attr, edge_index, glob, batch, params):
    p = params
    N, H = x.shape
    E, DE = edge_attr.shape
    B = glob.reshape(-1, 2).shape[0]
    R = E // _C

    row2d = edge_index[0].reshape(R, _C)
    col2d = edge_index[1].reshape(R, _C)

    ne, ee = p["node_enc"], p["edge_enc"]
    xc = _make_enc(N, H, H, H, 1000)(
        x, ne["l1"]["w"].T, ne["l1"]["b"][None], _s11(ne["a"]),
        ne["l2"]["w"].T, ne["l2"]["b"][None])
    ea = _make_enc(E, DE, H, H, 2000)(
        edge_attr, ee["l1"]["w"].T, ee["l1"]["b"][None], _s11(ee["a"]),
        ee["l2"]["w"].T, ee["l2"]["b"][None])

    gather = _make_gather(N, H, R)
    scatter = _make_scatter(N, H, R)
    edge_mlp = _make_edge_mlp(E, H, 512)
    node_mlp = _make_node_mlp(N, H, 1000)
    Np = ((N + 127) // 128) * 128
    zeros = jnp.zeros((Np, H), _F32)

    for lp in p["layers"]:
        xg_r, xg_c = gather(xc, row2d, col2d)
        em = lp["edge"]
        w1t = em["l1"]["w"].T
        eo, ea = edge_mlp(
            xg_r, xg_c, ea,
            w1t[:H], w1t[H:2 * H], w1t[2 * H:],
            em["l1"]["b"][None], em["ln_w"][None], em["ln_b"][None],
            _s11(em["a"]), em["l2"]["w"].T, em["l2"]["b"][None])
        part = scatter(eo, col2d, zeros)
        nm = lp["node"]
        wn = nm["l1"]["w"].T
        xc = node_mlp(
            xc, part[0, :N], part[1, :N],
            wn[:H], wn[H:],
            nm["l1"]["b"][None], nm["ln_w"][None], nm["ln_b"][None],
            _s11(nm["a"]), nm["l2"]["w"].T, nm["l2"]["b"][None])

    NB = pl.cdiv(N, 128)
    pad = NB * 128 - N
    xp = jnp.pad(xc, ((0, pad), (0, 0))).reshape(NB, 128, H)
    bp = jnp.pad(batch, (0, pad), constant_values=B).reshape(NB, 1, 128)
    ge, de, om = p["glob_enc"], p["dec"], p["out"]
    NE = p["emb"].shape[0]
    spw = p["spark"]["w"]
    dos, spark2 = _make_decoder(NB, B, NE, H)(
        xp, bp, glob.reshape(-1, 2), p["emb"],
        ge["l1"]["w"].T, ge["l1"]["b"][None], _s11(ge["a"]),
        ge["l2"]["w"].T, ge["l2"]["b"][None],
        de["w"].T[:H], de["w"].T[H:], de["b"][None], _s11(p["alpha"]),
        om["l1"]["w"].T, om["l1"]["b"][None], om["ln_w"][None],
        om["ln_b"][None], _s11(om["a"]),
        om["l2"]["w"], om["l2"]["b"][None],
        spw[:, :H], spw[:, H:], _s11(p["spark"]["b"]))
    return (dos, xc, spark2[:, :, None])

# --- scband reference (transcript-rebuilt; emitter-appended) ---
"""Pipeline reference for scband-graph-encoder-12111807775412 (READ-ONLY COPY).

The authoritative reference and input builder live on the scoring server;
editing this copy changes nothing except your own understanding.
"""

import jax, jax.numpy as jnp
import numpy as np


def _lin(x, l):
    return x @ l['w'].T + l['b']


def _prelu(x, a):
    return jnp.where(x >= 0, x, a * x)


def _ln(x, w, b):
    m = jnp.mean(x, axis=-1, keepdims=True)
    v = jnp.var(x, axis=-1, keepdims=True)
    return (x - m) / jnp.sqrt(v + 1e-5) * w + b


def _make_params(key, H, DE, L):
    ks = iter(jax.random.split(key, 80))

    def lin(din, dout):
        return {'w': jax.random.normal(next(ks), (dout, din), jnp.float32) * 0.02,
                'b': jnp.zeros((dout,), jnp.float32)}

    def enc(din):
        return {'l1': lin(din, H), 'a': jnp.float32(0.25), 'l2': lin(H, H)}

    def mlp(din, dmid, dout):
        return {'l1': lin(din, dmid),
                'ln_w': jnp.ones((dmid,), jnp.float32),
                'ln_b': jnp.zeros((dmid,), jnp.float32),
                'a': jnp.float32(0.25),
                'l2': lin(dmid, dout)}

    return {
        'emb': jax.random.normal(next(ks), (201, H), jnp.float32) * 0.02,
        'node_enc': enc(H),
        'edge_enc': enc(DE),
        'glob_enc': enc(2),
        'layers': [{'edge': mlp(3 * H, 2 * H, H), 'node': mlp(2 * H, 2 * H, H)} for _ in range(L)],
        'dec': lin(2 * H, H),
        'alpha': jnp.array([0.5], jnp.float32),
        'out': mlp(H, H, 1),
        'spark': lin(2 * H, 1),
    }


def _enc_apply(l, x):
    x = _lin(x, l['l1'])
    x = _prelu(x, l['a'])
    return _lin(x, l['l2'])


def _mlp_apply(m, x):
    h = _lin(x, m['l1'])
    h = _ln(h, m['ln_w'], m['ln_b'])
    h = _prelu(h, m['a'])
    return _lin(h, m['l2'])


def _forward(x, edge_attr, glob, params, edge_index, batch):
    p = params
    N = x.shape[0]
    # Encoder
    x = _enc_apply(p['node_enc'], x)
    edge_attr = _enc_apply(p['edge_enc'], edge_attr)
    glob2 = glob.reshape(-1, 2)
    B = glob2.shape[0]
    u = _enc_apply(p['glob_enc'], glob2)
    H = x.shape[1]
    energies = jnp.broadcast_to(p['emb'][:, None, :], (201, B, H))
    row, col = edge_index[0], edge_index[1]
    # Stacked processors with residual connections
    for lp in p['layers']:
        e_in = jnp.concatenate([x[row], x[col], edge_attr], axis=1)
        e_out = _mlp_apply(lp['edge'], e_in)
        agg = jax.ops.segment_sum(e_out, col, num_segments=N)
        x_out = _mlp_apply(lp['node'], jnp.concatenate([x, agg], axis=1))
        x = x + x_out
        edge_attr = edge_attr + e_out
    # spark head over shifted energies
    pad = jnp.zeros((1, B, H), dtype=x.dtype)
    e1 = jnp.concatenate([energies, pad], axis=0)
    e2 = jnp.concatenate([pad, energies], axis=0)
    pred = jnp.concatenate([e1, e2], axis=2)[1:-1]
    spark = jax.nn.sigmoid(_lin(pred, p['spark']))
    # Decoder: global readout via scatter_sum over batch assignment
    node_sum = jax.ops.segment_sum(x, batch, num_segments=B)
    graph = _lin(jnp.concatenate([u, node_sum], axis=1), p['dec'])
    graph_e = jnp.broadcast_to(graph[None, :, :], (201, B, H))
    z = energies + p['alpha'] * graph_e
    dos = _mlp_apply(p['out'], z)
    dos = jnp.squeeze(dos, axis=2).T
    return (dos, x, spark)


def setup_inputs(seed: int = 0):
    key = jax.random.key(seed)
    N, E, B, H, DE, L = 10000, 320000, 16, 128, 16, 3
    k1, k2, k3, k4, k5, kp = jax.random.split(key, 6)
    return {
        'x': jax.random.normal(k1, (N, H), jnp.float32),
        'edge_attr': jax.random.normal(k2, (E, DE), jnp.float32),
        'edge_index': jax.random.randint(k3, (2, E), 0, N, jnp.int32),
        'glob': jax.random.normal(k4, (B, 2), jnp.float32),
        'batch': jnp.sort(jax.random.randint(k5, (N,), 0, B, jnp.int32)),
        'params': _make_params(kp, H, DE, L),
    }


def reference(x, edge_attr, edge_index, glob, batch, params):
    return _forward(x, edge_attr, glob, params, edge_index, batch)

if __name__ == "__main__":
    import jax
    _d = setup_inputs()
    print(jax.jit(kernel)(*tuple(_d.values())))

</pallas_src>

<mosaic_0001>
#map = affine_map<(d0, d1) -> (0, 0)>
#map1 = affine_map<(d0, d1) -> (0, 0, 0)>
module attributes {stable_mosaic.version = 14 : i64} {
  func.func @scatter_k(%arg0: i32, %arg1: i32, %arg2: memref<320000x128xf32, #tpu.memory_space<hbm>>, %arg3: memref<2500x128xi32, #tpu.memory_space<hbm>>, %arg4: memref<10112x128xf32, #tpu.memory_space<hbm>>, %arg5: memref<2x10112x128xf32, #tpu.memory_space<hbm>>, %arg6: memref<10112x128xf32, #tpu.memory_space<vmem_shared>>, %arg7: memref<128xi32, #tpu.memory_space<vmem>>, %arg8: memref<128x128xf32, #tpu.memory_space<vmem>>) attributes {dimension_semantics = [#tpu.dimension_semantics<core_parallel>, #tpu.dimension_semantics<subcore_parallel>], iteration_bounds = array<i64: 2, 16>, scalar_prefetch = 0 : i64, scratch_operands = 3 : i64, tpu.core_type = #tpu.core_type<sc_vector_subcore>, window_params = [{transform_indices = #map}, {transform_indices = #map}, {transform_indices = #map}, {transform_indices = #map1}]} {
    %mul3A = arith.constant 2 : i32
    %mul3A_0 = arith.muli %arg1, %mul3A : i32
    %add3A = arith.addi %mul3A_0, %arg0 : i32
    %mul3A_1 = arith.constant 632 : i32
    %mul3A_2 = arith.muli %arg1, %mul3A_1 : i32
    %mul3A_3 = arith.constant 632 : i32
    %mul3A_4 = arith.muli %arg1, %mul3A_3 : i32
    "tpu.region"() ({
      %run_scoped3A = tpu.sem_alloc : memref<!tpu.dma_semaphore, #tpu.memory_space<semaphore_mem>>
      %dma_start3A = arith.constant 0 : i32
      %dma_start3A_15 = tpu.memref_slice %arg6[%mul3A_4, %dma_start3A] : memref<10112x128xf32, #tpu.memory_space<vmem_shared>> -> memref<632x128xf32, #tpu.memory_space<vmem_shared>>
      %dma_start3A_16 = arith.constant 0 : i32
      %dma_start3A_17 = tpu.memref_slice %arg4[%mul3A_2, %dma_start3A_16] : memref<10112x128xf32, #tpu.memory_space<hbm>> -> memref<632x128xf32, #tpu.memory_space<hbm>>
      tpu.enqueue_dma source(%dma_start3A_17 : memref<632x128xf32, #tpu.memory_space<hbm>>) target(%dma_start3A_15 : memref<632x128xf32, #tpu.memory_space<vmem_shared>>) target_semaphore(%run_scoped3A : memref<!tpu.dma_semaphore, #tpu.memory_space<semaphore_mem>>)
      %dma_wait3A = arith.constant 0 : i32
      %dma_wait3A_18 = tpu.memref_slice %arg6[%mul3A_4, %dma_wait3A] : memref<10112x128xf32, #tpu.memory_space<vmem_shared>> -> memref<632x128xf32, #tpu.memory_space<vmem_shared>>
      %dma_wait3A_19 = arith.constant 0 : i32
      %dma_wait3A_20 = tpu.memref_slice %arg4[%mul3A_2, %dma_wait3A_19] : memref<10112x128xf32, #tpu.memory_space<hbm>> -> memref<632x128xf32, #tpu.memory_space<hbm>>
      tpu.wait_dma2 semaphore(%run_scoped3A : memref<!tpu.dma_semaphore, #tpu.memory_space<semaphore_mem>>) src(%dma_wait3A_20 : memref<632x128xf32, #tpu.memory_space<hbm>>) dst(%dma_wait3A_18 : memref<632x128xf32, #tpu.memory_space<vmem_shared>>)
      tpu.yield
    }) : () -> ()
    %barrier3A = arith.constant 0 : index
    tpu.barrier barrier_id(%barrier3A)
    %scan3A = arith.constant 0 : i32
    %scan3A_5 = arith.constant 0 : i32
    %scan3A_6 = arith.constant 79 : i32
    %scan3A_7 = arith.addi %scan3A_5, %scan3A_6 : i32
    %scan3A_8 = arith.constant 1 : i32
    scf.for %scan3A_15 = %scan3A_5 to %scan3A_7 step %scan3A_8  : i32 {
      %mul3A_16 = arith.constant 32 : i32
      %mul3A_17 = arith.muli %scan3A_15, %mul3A_16 : i32
      %add3A_18 = arith.addi %mul3A_17, %add3A : i32
      %lt3A = arith.constant 2500 : i32
      %lt3A_19 = arith.cmpi slt, %add3A_18, %lt3A : i32
      %convert_element_type3A = arith.extui %lt3A_19 : i1 to i32
      %cond3A = arith.constant 0 : i32
      %cond3A_20 = arith.cmpi ne, %convert_element_type3A, %cond3A : i32
      scf.if %cond3A_20 {
        "tpu.region"() ({
          %run_scoped3A = tpu.sem_alloc : memref<!tpu.dma_semaphore, #tpu.memory_space<semaphore_mem>>
          %dma_start3A = arith.constant 0 : i32
          %dma_start3A_23 = tpu.memref_slice %arg3[%add3A_18, %dma_start3A] : memref<2500x128xi32, #tpu.memory_space<hbm>> -> memref<1x128xi32, #tpu.memory_space<hbm>>
          %dma_start3A_24 = tpu.memref_squeeze %dma_start3A_23 : memref<1x128xi32, #tpu.memory_space<hbm>> -> memref<128xi32, #tpu.memory_space<hbm>>
          %dma_start3A_25 = arith.constant 0 : i32
          %dma_start3A_26 = tpu.memref_slice %arg3[%add3A_18, %dma_start3A_25] : memref<2500x128xi32, #tpu.memory_space<hbm>> -> memref<1x128xi32, #tpu.memory_space<hbm>>
          %dma_start3A_27 = tpu.memref_squeeze %dma_start3A_26 : memref<1x128xi32, #tpu.memory_space<hbm>> -> memref<128xi32, #tpu.memory_space<hbm>>
          tpu.enqueue_dma source(%dma_start3A_27 : memref<128xi32, #tpu.memory_space<hbm>>) target(%arg7 : memref<128xi32, #tpu.memory_space<vmem>>) target_semaphore(%run_scoped3A : memref<!tpu.dma_semaphore, #tpu.memory_space<semaphore_mem>>)
          %dma_wait3A = arith.constant 0 : i32
          %dma_wait3A_28 = tpu.memref_slice %arg3[%add3A_18, %dma_wait3A] : memref<2500x128xi32, #tpu.memory_space<hbm>> -> memref<1x128xi32, #tpu.memory_space<hbm>>
          %dma_wait3A_29 = tpu.memref_squeeze %dma_wait3A_28 : memref<1x128xi32, #tpu.memory_space<hbm>> -> memref<128xi32, #tpu.memory_space<hbm>>
          %dma_wait3A_30 = arith.constant 0 : i32
          %dma_wait3A_31 = tpu.memref_slice %arg3[%add3A_18, %dma_wait3A_30] : memref<2500x128xi32, #tpu.memory_space<hbm>> -> memref<1x128xi32, #tpu.memory_space<hbm>>
          %dma_wait3A_32 = tpu.memref_squeeze %dma_wait3A_31 : memref<1x128xi32, #tpu.memory_space<hbm>> -> memref<128xi32, #tpu.memory_space<hbm>>
          tpu.wait_dma2 semaphore(%run_scoped3A : memref<!tpu.dma_semaphore, #tpu.memory_space<semaphore_mem>>) src(%dma_wait3A_32 : memref<128xi32, #tpu.memory_space<hbm>>) dst(%arg7 : memref<128xi32, #tpu.memory_space<vmem>>)
          tpu.yield
        }) : () -> ()
        %mul3A_21 = arith.constant 128 : i32
        %mul3A_22 = arith.muli %add3A_18, %mul3A_21 : i32
        "tpu.region"() ({
          %run_scoped3A = tpu.sem_alloc : memref<!tpu.dma_semaphore, #tpu.memory_space<semaphore_mem>>
          %dma_start3A = arith.constant 0 : i32
          %dma_start3A_23 = tpu.memref_slice %arg2[%mul3A_22, %dma_start3A] : memref<320000x128xf32, #tpu.memory_space<hbm>> -> memref<128x128xf32, #tpu.memory_space<hbm>>
          %dma_start3A_24 = arith.constant 0 : i32
          %dma_start3A_25 = tpu.memref_slice %arg2[%mul3A_22, %dma_start3A_24] : memref<320000x128xf32, #tpu.memory_space<hbm>> -> memref<128x128xf32, #tpu.memory_space<hbm>>
          tpu.enqueue_dma source(%dma_start3A_25 : memref<128x128xf32, #tpu.memory_space<hbm>>) target(%arg8 : memref<128x128xf32, #tpu.memory_space<vmem>>) target_semaphore(%run_scoped3A : memref<!tpu.dma_semaphore, #tpu.memory_space<semaphore_mem>>)
          %dma_wait3A = arith.constant 0 : i32
          %dma_wait3A_26 = tpu.memref_slice %arg2[%mul3A_22, %dma_wait3A] : memref<320000x128xf32, #tpu.memory_space<hbm>> -> memref<128x128xf32, #tpu.memory_space<hbm>>
          %dma_wait3A_27 = arith.constant 0 : i32
          %dma_wait3A_28 = tpu.memref_slice %arg2[%mul3A_22, %dma_wait3A_27] : memref<320000x128xf32, #tpu.memory_space<hbm>> -> memref<128x128xf32, #tpu.memory_space<hbm>>
          tpu.wait_dma2 semaphore(%run_scoped3A : memref<!tpu.dma_semaphore, #tpu.memory_space<semaphore_mem>>) src(%dma_wait3A_28 : memref<128x128xf32, #tpu.memory_space<hbm>>) dst(%arg8 : memref<128x128xf32, #tpu.memory_space<vmem>>)
          tpu.yield
        }) : () -> ()
        "tpu.region"() ({
          %run_scoped3A = tpu.sem_alloc : memref<!tpu.dma_semaphore, #tpu.memory_space<semaphore_mem>>
          %dma_start3A = arith.constant 0 : i32
          %dma_start3A_23 = arith.constant 0 : i32
          %dma_start3A_24 = tpu.memref_slice %arg6[%dma_start3A, %dma_start3A_23] : memref<10112x128xf32, #tpu.memory_space<vmem_shared>> -> memref<10112x128xf32, #tpu.memory_space<vmem_shared>>
          tpu.enqueue_indirect_dma source(%arg8 : memref<128x128xf32, #tpu.memory_space<vmem>>) target(%dma_start3A_24 : memref<10112x128xf32, #tpu.memory_space<vmem_shared>>) offsets(%arg7 : memref<128xi32, #tpu.memory_space<vmem>>) semaphore(%run_scoped3A : memref<!tpu.dma_semaphore, #tpu.memory_space<semaphore_mem>>) {add = true}
          %dma_wait3A = arith.constant 0 : i32
          %dma_wait3A_25 = arith.constant 0 : i32
          %dma_wait3A_26 = tpu.memref_slice %arg6[%dma_wait3A, %dma_wait3A_25] : memref<10112x128xf32, #tpu.memory_space<vmem_shared>> -> memref<10112x128xf32, #tpu.memory_space<vmem_shared>>
          tpu.wait_indirect_dma semaphore(%run_scoped3A : memref<!tpu.dma_semaphore, #tpu.memory_space<semaphore_mem>>) src(%arg8 : memref<128x128xf32, #tpu.memory_space<vmem>>) dst(%dma_wait3A_26 : memref<10112x128xf32, #tpu.memory_space<vmem_shared>>)
          tpu.yield
        }) : () -> ()
      } else {
      }
    }
    %scan3A_9 = arith.constant 79 : i32
    %barrier3A_10 = arith.constant 0 : index
    tpu.barrier barrier_id(%barrier3A_10)
    %mul3A_11 = arith.constant 632 : i32
    %mul3A_12 = arith.muli %arg1, %mul3A_11 : i32
    %mul3A_13 = arith.constant 632 : i32
    %mul3A_14 = arith.muli %arg1, %mul3A_13 : i32
    "tpu.region"() ({
      %run_scoped3A = tpu.sem_alloc : memref<!tpu.dma_semaphore, #tpu.memory_space<semaphore_mem>>
      %dma_start3A = arith.constant 0 : i32
      %dma_start3A_15 = arith.constant 0 : i32
      %dma_start3A_16 = tpu.memref_slice %arg5[%arg0, %dma_start3A, %dma_start3A_15] : memref<2x10112x128xf32, #tpu.memory_space<hbm>> -> memref<1x10112x128xf32, #tpu.memory_space<hbm>>
      %dma_start3A_17 = tpu.memref_squeeze %dma_start3A_16 : memref<1x10112x128xf32, #tpu.memory_space<hbm>> -> memref<10112x128xf32, #tpu.memory_space<hbm>>
      %dma_start3A_18 = arith.constant 0 : i32
      %dma_start3A_19 = tpu.memref_slice %dma_start3A_17[%mul3A_14, %dma_start3A_18] : memref<10112x128xf32, #tpu.memory_space<hbm>> -> memref<632x128xf32, #tpu.memory_space<hbm>>
      %dma_start3A_20 = arith.constant 0 : i32
      %dma_start3A_21 = tpu.memref_slice %arg6[%mul3A_12, %dma_start3A_20] : memref<10112x128xf32, #tpu.memory_space<vmem_shared>> -> memref<632x128xf32, #tpu.memory_space<vmem_shared>>
      tpu.enqueue_dma source(%dma_start3A_21 : memref<632x128xf32, #tpu.memory_space<vmem_shared>>) target(%dma_start3A_19 : memref<632x128xf32, #tpu.memory_space<hbm>>) target_semaphore(%run_scoped3A : memref<!tpu.dma_semaphore, #tpu.memory_space<semaphore_mem>>)
      %dma_wait3A = arith.constant 0 : i32
      %dma_wait3A_22 = arith.constant 0 : i32
      %dma_wait3A_23 = tpu.memref_slice %arg5[%arg0, %dma_wait3A, %dma_wait3A_22] : memref<2x10112x128xf32, #tpu.memory_space<hbm>> -> memref<1x10112x128xf32, #tpu.memory_space<hbm>>
      %dma_wait3A_24 = tpu.memref_squeeze %dma_wait3A_23 : memref<1x10112x128xf32, #tpu.memory_space<hbm>> -> memref<10112x128xf32, #tpu.memory_space<hbm>>
      %dma_wait3A_25 = arith.constant 0 : i32
      %dma_wait3A_26 = tpu.memref_slice %dma_wait3A_24[%mul3A_14, %dma_wait3A_25] : memref<10112x128xf32, #tpu.memory_space<hbm>> -> memref<632x128xf32, #tpu.memory_space<hbm>>
      %dma_wait3A_27 = arith.constant 0 : i32
      %dma_wait3A_28 = tpu.memref_slice %arg6[%mul3A_12, %dma_wait3A_27] : memref<10112x128xf32, #tpu.memory_space<vmem_shared>> -> memref<632x128xf32, #tpu.memory_space<vmem_shared>>
      tpu.wait_dma2 semaphore(%run_scoped3A : memref<!tpu.dma_semaphore, #tpu.memory_space<semaphore_mem>>) src(%dma_wait3A_28 : memref<632x128xf32, #tpu.memory_space<vmem_shared>>) dst(%dma_wait3A_26 : memref<632x128xf32, #tpu.memory_space<hbm>>)
      tpu.yield
    }) : () -> ()
    return
  }
}

#map = affine_map<(d0, d1) -> (0, 0)>
module attributes {stable_mosaic.version = 14 : i64} {
  func.func @gather_k(%arg0: i32, %arg1: i32, %arg2: memref<10000x128xf32, #tpu.memory_space<hbm>>, %arg3: memref<2500x128xi32, #tpu.memory_space<hbm>>, %arg4: memref<2500x128xi32, #tpu.memory_space<hbm>>, %arg5: memref<320000x128xf32, #tpu.memory_space<hbm>>, %arg6: memref<320000x128xf32, #tpu.memory_space<hbm>>, %arg7: memref<128xi32, #tpu.memory_space<vmem>>, %arg8: memref<128xi32, #tpu.memory_space<vmem>>, %arg9: memref<128x128xf32, #tpu.memory_space<vmem>>, %arg10: memref<128x128xf32, #tpu.memory_space<vmem>>, %arg11: memref<!tpu.dma_semaphore, #tpu.memory_space<semaphore_mem>>, %arg12: memref<!tpu.dma_semaphore, #tpu.memory_space<semaphore_mem>>) attributes {dimension_semantics = [#tpu.dimension_semantics<core_parallel>, #tpu.dimension_semantics<subcore_parallel>], iteration_bounds = array<i64: 2, 16>, scalar_prefetch = 0 : i64, scratch_operands = 6 : i64, tpu.core_type = #tpu.core_type<sc_vector_subcore>, window_params = [{transform_indices = #map}, {transform_indices = #map}, {transform_indices = #map}, {transform_indices = #map}, {transform_indices = #map}]} {
    %mul3A = arith.constant 2 : i32
    %mul3A_0 = arith.muli %arg1, %mul3A : i32
    %add3A = arith.addi %mul3A_0, %arg0 : i32
    %scan3A = arith.constant 0 : i32
    %scan3A_1 = arith.constant 0 : i32
    %scan3A_2 = arith.constant 79 : i32
    %scan3A_3 = arith.addi %scan3A_1, %scan3A_2 : i32
    %scan3A_4 = arith.constant 1 : i32
    scf.for %scan3A_6 = %scan3A_1 to %scan3A_3 step %scan3A_4  : i32 {
      %mul3A_7 = arith.constant 32 : i32
      %mul3A_8 = arith.muli %scan3A_6, %mul3A_7 : i32
      %add3A_9 = arith.addi %mul3A_8, %add3A : i32
      %lt3A = arith.constant 2500 : i32
      %lt3A_10 = arith.cmpi slt, %add3A_9, %lt3A : i32
      %convert_element_type3A = arith.extui %lt3A_10 : i1 to i32
      %cond3A = arith.constant 0 : i32
      %cond3A_11 = arith.cmpi ne, %convert_element_type3A, %cond3A : i32
      scf.if %cond3A_11 {
        "tpu.region"() ({
          %run_scoped3A = tpu.sem_alloc : memref<!tpu.dma_semaphore, #tpu.memory_space<semaphore_mem>>
          %dma_start3A_26 = arith.constant 0 : i32
          %dma_start3A_27 = tpu.memref_slice %arg3[%add3A_9, %dma_start3A_26] : memref<2500x128xi32, #tpu.memory_space<hbm>> -> memref<1x128xi32, #tpu.memory_space<hbm>>
          %dma_start3A_28 = tpu.memref_squeeze %dma_start3A_27 : memref<1x128xi32, #tpu.memory_space<hbm>> -> memref<128xi32, #tpu.memory_space<hbm>>
          %dma_start3A_29 = arith.constant 0 : i32
          %dma_start3A_30 = tpu.memref_slice %arg3[%add3A_9, %dma_start3A_29] : memref<2500x128xi32, #tpu.memory_space<hbm>> -> memref<1x128xi32, #tpu.memory_space<hbm>>
          %dma_start3A_31 = tpu.memref_squeeze %dma_start3A_30 : memref<1x128xi32, #tpu.memory_space<hbm>> -> memref<128xi32, #tpu.memory_space<hbm>>
          tpu.enqueue_dma source(%dma_start3A_31 : memref<128xi32, #tpu.memory_space<hbm>>) target(%arg7 : memref<128xi32, #tpu.memory_space<vmem>>) target_semaphore(%run_scoped3A : memref<!tpu.dma_semaphore, #tpu.memory_space<semaphore_mem>>)
          %dma_wait3A_32 = arith.constant 0 : i32
          %dma_wait3A_33 = tpu.memref_slice %arg3[%add3A_9, %dma_wait3A_32] : memref<2500x128xi32, #tpu.memory_space<hbm>> -> memref<1x128xi32, #tpu.memory_space<hbm>>
          %dma_wait3A_34 = tpu.memref_squeeze %dma_wait3A_33 : memref<1x128xi32, #tpu.memory_space<hbm>> -> memref<128xi32, #tpu.memory_space<hbm>>
          %dma_wait3A_35 = arith.constant 0 : i32
          %dma_wait3A_36 = tpu.memref_slice %arg3[%add3A_9, %dma_wait3A_35] : memref<2500x128xi32, #tpu.memory_space<hbm>> -> memref<1x128xi32, #tpu.memory_space<hbm>>
          %dma_wait3A_37 = tpu.memref_squeeze %dma_wait3A_36 : memref<1x128xi32, #tpu.memory_space<hbm>> -> memref<128xi32, #tpu.memory_space<hbm>>
          tpu.wait_dma2 semaphore(%run_scoped3A : memref<!tpu.dma_semaphore, #tpu.memory_space<semaphore_mem>>) src(%dma_wait3A_37 : memref<128xi32, #tpu.memory_space<hbm>>) dst(%arg7 : memref<128xi32, #tpu.memory_space<vmem>>)
          tpu.yield
        }) : () -> ()
        "tpu.region"() ({
          %run_scoped3A = tpu.sem_alloc : memref<!tpu.dma_semaphore, #tpu.memory_space<semaphore_mem>>
          %dma_start3A_26 = arith.constant 0 : i32
          %dma_start3A_27 = tpu.memref_slice %arg4[%add3A_9, %dma_start3A_26] : memref<2500x128xi32, #tpu.memory_space<hbm>> -> memref<1x128xi32, #tpu.memory_space<hbm>>
          %dma_start3A_28 = tpu.memref_squeeze %dma_start3A_27 : memref<1x128xi32, #tpu.memory_space<hbm>> -> memref<128xi32, #tpu.memory_space<hbm>>
          %dma_start3A_29 = arith.constant 0 : i32
          %dma_start3A_30 = tpu.memref_slice %arg4[%add3A_9, %dma_start3A_29] : memref<2500x128xi32, #tpu.memory_space<hbm>> -> memref<1x128xi32, #tpu.memory_space<hbm>>
          %dma_start3A_31 = tpu.memref_squeeze %dma_start3A_30 : memref<1x128xi32, #tpu.memory_space<hbm>> -> memref<128xi32, #tpu.memory_space<hbm>>
          tpu.enqueue_dma source(%dma_start3A_31 : memref<128xi32, #tpu.memory_space<hbm>>) target(%arg8 : memref<128xi32, #tpu.memory_space<vmem>>) target_semaphore(%run_scoped3A : memref<!tpu.dma_semaphore, #tpu.memory_space<semaphore_mem>>)
          %dma_wait3A_32 = arith.constant 0 : i32
          %dma_wait3A_33 = tpu.memref_slice %arg4[%add3A_9, %dma_wait3A_32] : memref<2500x128xi32, #tpu.memory_space<hbm>> -> memref<1x128xi32, #tpu.memory_space<hbm>>
          %dma_wait3A_34 = tpu.memref_squeeze %dma_wait3A_33 : memref<1x128xi32, #tpu.memory_space<hbm>> -> memref<128xi32, #tpu.memory_space<hbm>>
          %dma_wait3A_35 = arith.constant 0 : i32
          %dma_wait3A_36 = tpu.memref_slice %arg4[%add3A_9, %dma_wait3A_35] : memref<2500x128xi32, #tpu.memory_space<hbm>> -> memref<1x128xi32, #tpu.memory_space<hbm>>
          %dma_wait3A_37 = tpu.memref_squeeze %dma_wait3A_36 : memref<1x128xi32, #tpu.memory_space<hbm>> -> memref<128xi32, #tpu.memory_space<hbm>>
          tpu.wait_dma2 semaphore(%run_scoped3A : memref<!tpu.dma_semaphore, #tpu.memory_space<semaphore_mem>>) src(%dma_wait3A_37 : memref<128xi32, #tpu.memory_space<hbm>>) dst(%arg8 : memref<128xi32, #tpu.memory_space<vmem>>)
          tpu.yield
        }) : () -> ()
        %dma_start3A = arith.constant 0 : i32
        %dma_start3A_12 = arith.constant 0 : i32
        %dma_start3A_13 = tpu.memref_slice %arg2[%dma_start3A, %dma_start3A_12] : memref<10000x128xf32, #tpu.memory_space<hbm>> -> memref<10000x128xf32, #tpu.memory_space<hbm>>
        tpu.enqueue_indirect_dma source(%dma_start3A_13 : memref<10000x128xf32, #tpu.memory_space<hbm>>) target(%arg9 : memref<128x128xf32, #tpu.memory_space<vmem>>) offsets(%arg7 : memref<128xi32, #tpu.memory_space<vmem>>) semaphore(%arg11 : memref<!tpu.dma_semaphore, #tpu.memory_space<semaphore_mem>>)
        %dma_start3A_14 = arith.constant 0 : i32
        %dma_start3A_15 = arith.constant 0 : i32
        %dma_start3A_16 = tpu.memref_slice %arg2[%dma_start3A_14, %dma_start3A_15] : memref<10000x128xf32, #tpu.memory_space<hbm>> -> memref<10000x128xf32, #tpu.memory_space<hbm>>
        tpu.enqueue_indirect_dma source(%dma_start3A_16 : memref<10000x128xf32, #tpu.memory_space<hbm>>) target(%arg10 : memref<128x128xf32, #tpu.memory_space<vmem>>) offsets(%arg8 : memref<128xi32, #tpu.memory_space<vmem>>) semaphore(%arg12 : memref<!tpu.dma_semaphore, #tpu.memory_space<semaphore_mem>>)
        %dma_wait3A = arith.constant 0 : i32
        %dma_wait3A_17 = arith.constant 0 : i32
        %dma_wait3A_18 = tpu.memref_slice %arg2[%dma_wait3A, %dma_wait3A_17] : memref<10000x128xf32, #tpu.memory_space<hbm>> -> memref<10000x128xf32, #tpu.memory_space<hbm>>
        tpu.wait_indirect_dma semaphore(%arg11 : memref<!tpu.dma_semaphore, #tpu.memory_space<semaphore_mem>>) src(%dma_wait3A_18 : memref<10000x128xf32, #tpu.memory_space<hbm>>) dst(%arg9 : memref<128x128xf32, #tpu.memory_space<vmem>>)
        %dma_wait3A_19 = arith.constant 0 : i32
        %dma_wait3A_20 = arith.constant 0 : i32
        %dma_wait3A_21 = tpu.memref_slice %arg2[%dma_wait3A_19, %dma_wait3A_20] : memref<10000x128xf32, #tpu.memory_space<hbm>> -> memref<10000x128xf32, #tpu.memory_space<hbm>>
        tpu.wait_indirect_dma semaphore(%arg12 : memref<!tpu.dma_semaphore, #tpu.memory_space<semaphore_mem>>) src(%dma_wait3A_21 : memref<10000x128xf32, #tpu.memory_space<hbm>>) dst(%arg10 : memref<128x128xf32, #tpu.memory_space<vmem>>)
        %mul3A_22 = arith.constant 128 : i32
        %mul3A_23 = arith.muli %add3A_9, %mul3A_22 : i32
        "tpu.region"() ({
          %run_scoped3A = tpu.sem_alloc : memref<!tpu.dma_semaphore, #tpu.memory_space<semaphore_mem>>
          %dma_start3A_26 = arith.constant 0 : i32
          %dma_start3A_27 = tpu.memref_slice %arg5[%mul3A_23, %dma_start3A_26] : memref<320000x128xf32, #tpu.memory_space<hbm>> -> memref<128x128xf32, #tpu.memory_space<hbm>>
          %dma_start3A_28 = arith.constant 0 : i32
          %dma_start3A_29 = tpu.memref_slice %arg5[%mul3A_23, %dma_start3A_28] : memref<320000x128xf32, #tpu.memory_space<hbm>> -> memref<128x128xf32, #tpu.memory_space<hbm>>
          tpu.enqueue_dma source(%arg9 : memref<128x128xf32, #tpu.memory_space<vmem>>) target(%dma_start3A_29 : memref<128x128xf32, #tpu.memory_space<hbm>>) target_semaphore(%run_scoped3A : memref<!tpu.dma_semaphore, #tpu.memory_space<semaphore_mem>>)
          %dma_wait3A_30 = arith.constant 0 : i32
          %dma_wait3A_31 = tpu.memref_slice %arg5[%mul3A_23, %dma_wait3A_30] : memref<320000x128xf32, #tpu.memory_space<hbm>> -> memref<128x128xf32, #tpu.memory_space<hbm>>
          %dma_wait3A_32 = arith.constant 0 : i32
          %dma_wait3A_33 = tpu.memref_slice %arg5[%mul3A_23, %dma_wait3A_32] : memref<320000x128xf32, #tpu.memory_space<hbm>> -> memref<128x128xf32, #tpu.memory_space<hbm>>
          tpu.wait_dma2 semaphore(%run_scoped3A : memref<!tpu.dma_semaphore, #tpu.memory_space<semaphore_mem>>) src(%arg9 : memref<128x128xf32, #tpu.memory_space<vmem>>) dst(%dma_wait3A_33 : memref<128x128xf32, #tpu.memory_space<hbm>>)
          tpu.yield
        }) : () -> ()
        %mul3A_24 = arith.constant 128 : i32
        %mul3A_25 = arith.muli %add3A_9, %mul3A_24 : i32
        "tpu.region"() ({
          %run_scoped3A = tpu.sem_alloc : memref<!tpu.dma_semaphore, #tpu.memory_space<semaphore_mem>>
          %dma_start3A_26 = arith.constant 0 : i32
          %dma_start3A_27 = tpu.memref_slice %arg6[%mul3A_25, %dma_start3A_26] : memref<320000x128xf32, #tpu.memory_space<hbm>> -> memref<128x128xf32, #tpu.memory_space<hbm>>
          %dma_start3A_28 = arith.constant 0 : i32
          %dma_start3A_29 = tpu.memref_slice %arg6[%mul3A_25, %dma_start3A_28] : memref<320000x128xf32, #tpu.memory_space<hbm>> -> memref<128x128xf32, #tpu.memory_space<hbm>>
          tpu.enqueue_dma source(%arg10 : memref<128x128xf32, #tpu.memory_space<vmem>>) target(%dma_start3A_29 : memref<128x128xf32, #tpu.memory_space<hbm>>) target_semaphore(%run_scoped3A : memref<!tpu.dma_semaphore, #tpu.memory_space<semaphore_mem>>)
          %dma_wait3A_30 = arith.constant 0 : i32
          %dma_wait3A_31 = tpu.memref_slice %arg6[%mul3A_25, %dma_wait3A_30] : memref<320000x128xf32, #tpu.memory_space<hbm>> -> memref<128x128xf32, #tpu.memory_space<hbm>>
          %dma_wait3A_32 = arith.constant 0 : i32
          %dma_wait3A_33 = tpu.memref_slice %arg6[%mul3A_25, %dma_wait3A_32] : memref<320000x128xf32, #tpu.memory_space<hbm>> -> memref<128x128xf32, #tpu.memory_space<hbm>>
          tpu.wait_dma2 semaphore(%run_scoped3A : memref<!tpu.dma_semaphore, #tpu.memory_space<semaphore_mem>>) src(%arg10 : memref<128x128xf32, #tpu.memory_space<vmem>>) dst(%dma_wait3A_33 : memref<128x128xf32, #tpu.memory_space<hbm>>)
          tpu.yield
        }) : () -> ()
      } else {
      }
    }
    %scan3A_5 = arith.constant 79 : i32
    return
  }
}

#map = affine_map<(d0, d1) -> (0, 0)>
module attributes {stable_mosaic.version = 14 : i64} {
  func.func @gather_k(%arg0: i32, %arg1: i32, %arg2: memref<10000x128xf32, #tpu.memory_space<hbm>>, %arg3: memref<2500x128xi32, #tpu.memory_space<hbm>>, %arg4: memref<2500x128xi32, #tpu.memory_space<hbm>>, %arg5: memref<320000x128xf32, #tpu.memory_space<hbm>>, %arg6: memref<320000x128xf32, #tpu.memory_space<hbm>>, %arg7: memref<128xi32, #tpu.memory_space<vmem>>, %arg8: memref<128xi32, #tpu.memory_space<vmem>>, %arg9: memref<128x128xf32, #tpu.memory_space<vmem>>, %arg10: memref<128x128xf32, #tpu.memory_space<vmem>>, %arg11: memref<!tpu.dma_semaphore, #tpu.memory_space<semaphore_mem>>, %arg12: memref<!tpu.dma_semaphore, #tpu.memory_space<semaphore_mem>>) attributes {dimension_semantics = [#tpu.dimension_semantics<core_parallel>, #tpu.dimension_semantics<subcore_parallel>], iteration_bounds = array<i64: 2, 16>, scalar_prefetch = 0 : i64, scratch_operands = 6 : i64, tpu.core_type = #tpu.core_type<sc_vector_subcore>, window_params = [{transform_indices = #map}, {transform_indices = #map}, {transform_indices = #map}, {transform_indices = #map}, {transform_indices = #map}]} {
    %mul3A = arith.constant 2 : i32
    %mul3A_0 = arith.muli %arg1, %mul3A : i32
    %add3A = arith.addi %mul3A_0, %arg0 : i32
    %scan3A = arith.constant 0 : i32
    %scan3A_1 = arith.constant 0 : i32
    %scan3A_2 = arith.constant 79 : i32
    %scan3A_3 = arith.addi %scan3A_1, %scan3A_2 : i32
    %scan3A_4 = arith.constant 1 : i32
    scf.for %scan3A_6 = %scan3A_1 to %scan3A_3 step %scan3A_4  : i32 {
      %mul3A_7 = arith.constant 32 : i32
      %mul3A_8 = arith.muli %scan3A_6, %mul3A_7 : i32
      %add3A_9 = arith.addi %mul3A_8, %add3A : i32
      %lt3A = arith.constant 2500 : i32
      %lt3A_10 = arith.cmpi slt, %add3A_9, %lt3A : i32
      %convert_element_type3A = arith.extui %lt3A_10 : i1 to i32
      %cond3A = arith.constant 0 : i32
      %cond3A_11 = arith.cmpi ne, %convert_element_type3A, %cond3A : i32
      scf.if %cond3A_11 {
        "tpu.region"() ({
          %run_scoped3A = tpu.sem_alloc : memref<!tpu.dma_semaphore, #tpu.memory_space<semaphore_mem>>
          %dma_start3A_26 = arith.constant 0 : i32
          %dma_start3A_27 = tpu.memref_slice %arg3[%add3A_9, %dma_start3A_26] : memref<2500x128xi32, #tpu.memory_space<hbm>> -> memref<1x128xi32, #tpu.memory_space<hbm>>
          %dma_start3A_28 = tpu.memref_squeeze %dma_start3A_27 : memref<1x128xi32, #tpu.memory_space<hbm>> -> memref<128xi32, #tpu.memory_space<hbm>>
          %dma_start3A_29 = arith.constant 0 : i32
          %dma_start3A_30 = tpu.memref_slice %arg3[%add3A_9, %dma_start3A_29] : memref<2500x128xi32, #tpu.memory_space<hbm>> -> memref<1x128xi32, #tpu.memory_space<hbm>>
          %dma_start3A_31 = tpu.memref_squeeze %dma_start3A_30 : memref<1x128xi32, #tpu.memory_space<hbm>> -> memref<128xi32, #tpu.memory_space<hbm>>
          tpu.enqueue_dma source(%dma_start3A_31 : memref<128xi32, #tpu.memory_space<hbm>>) target(%arg7 : memref<128xi32, #tpu.memory_space<vmem>>) target_semaphore(%run_scoped3A : memref<!tpu.dma_semaphore, #tpu.memory_space<semaphore_mem>>)
          %dma_wait3A_32 = arith.constant 0 : i32
          %dma_wait3A_33 = tpu.memref_slice %arg3[%add3A_9, %dma_wait3A_32] : memref<2500x128xi32, #tpu.memory_space<hbm>> -> memref<1x128xi32, #tpu.memory_space<hbm>>
          %dma_wait3A_34 = tpu.memref_squeeze %dma_wait3A_33 : memref<1x128xi32, #tpu.memory_space<hbm>> -> memref<128xi32, #tpu.memory_space<hbm>>
          %dma_wait3A_35 = arith.constant 0 : i32
          %dma_wait3A_36 = tpu.memref_slice %arg3[%add3A_9, %dma_wait3A_35] : memref<2500x128xi32, #tpu.memory_space<hbm>> -> memref<1x128xi32, #tpu.memory_space<hbm>>
          %dma_wait3A_37 = tpu.memref_squeeze %dma_wait3A_36 : memref<1x128xi32, #tpu.memory_space<hbm>> -> memref<128xi32, #tpu.memory_space<hbm>>
          tpu.wait_dma2 semaphore(%run_scoped3A : memref<!tpu.dma_semaphore, #tpu.memory_space<semaphore_mem>>) src(%dma_wait3A_37 : memref<128xi32, #tpu.memory_space<hbm>>) dst(%arg7 : memref<128xi32, #tpu.memory_space<vmem>>)
          tpu.yield
        }) : () -> ()
        "tpu.region"() ({
          %run_scoped3A = tpu.sem_alloc : memref<!tpu.dma_semaphore, #tpu.memory_space<semaphore_mem>>
          %dma_start3A_26 = arith.constant 0 : i32
          %dma_start3A_27 = tpu.memref_slice %arg4[%add3A_9, %dma_start3A_26] : memref<2500x128xi32, #tpu.memory_space<hbm>> -> memref<1x128xi32, #tpu.memory_space<hbm>>
          %dma_start3A_28 = tpu.memref_squeeze %dma_start3A_27 : memref<1x128xi32, #tpu.memory_space<hbm>> -> memref<128xi32, #tpu.memory_space<hbm>>
          %dma_start3A_29 = arith.constant 0 : i32
          %dma_start3A_30 = tpu.memref_slice %arg4[%add3A_9, %dma_start3A_29] : memref<2500x128xi32, #tpu.memory_space<hbm>> -> memref<1x128xi32, #tpu.memory_space<hbm>>
          %dma_start3A_31 = tpu.memref_squeeze %dma_start3A_30 : memref<1x128xi32, #tpu.memory_space<hbm>> -> memref<128xi32, #tpu.memory_space<hbm>>
          tpu.enqueue_dma source(%dma_start3A_31 : memref<128xi32, #tpu.memory_space<hbm>>) target(%arg8 : memref<128xi32, #tpu.memory_space<vmem>>) target_semaphore(%run_scoped3A : memref<!tpu.dma_semaphore, #tpu.memory_space<semaphore_mem>>)
          %dma_wait3A_32 = arith.constant 0 : i32
          %dma_wait3A_33 = tpu.memref_slice %arg4[%add3A_9, %dma_wait3A_32] : memref<2500x128xi32, #tpu.memory_space<hbm>> -> memref<1x128xi32, #tpu.memory_space<hbm>>
          %dma_wait3A_34 = tpu.memref_squeeze %dma_wait3A_33 : memref<1x128xi32, #tpu.memory_space<hbm>> -> memref<128xi32, #tpu.memory_space<hbm>>
          %dma_wait3A_35 = arith.constant 0 : i32
          %dma_wait3A_36 = tpu.memref_slice %arg4[%add3A_9, %dma_wait3A_35] : memref<2500x128xi32, #tpu.memory_space<hbm>> -> memref<1x128xi32, #tpu.memory_space<hbm>>
          %dma_wait3A_37 = tpu.memref_squeeze %dma_wait3A_36 : memref<1x128xi32, #tpu.memory_space<hbm>> -> memref<128xi32, #tpu.memory_space<hbm>>
          tpu.wait_dma2 semaphore(%run_scoped3A : memref<!tpu.dma_semaphore, #tpu.memory_space<semaphore_mem>>) src(%dma_wait3A_37 : memref<128xi32, #tpu.memory_space<hbm>>) dst(%arg8 : memref<128xi32, #tpu.memory_space<vmem>>)
          tpu.yield
        }) : () -> ()
        %dma_start3A = arith.constant 0 : i32
        %dma_start3A_12 = arith.constant 0 : i32
        %dma_start3A_13 = tpu.memref_slice %arg2[%dma_start3A, %dma_start3A_12] : memref<10000x128xf32, #tpu.memory_space<hbm>> -> memref<10000x128xf32, #tpu.memory_space<hbm>>
        tpu.enqueue_indirect_dma source(%dma_start3A_13 : memref<10000x128xf32, #tpu.memory_space<hbm>>) target(%arg9 : memref<128x128xf32, #tpu.memory_space<vmem>>) offsets(%arg7 : memref<128xi32, #tpu.memory_space<vmem>>) semaphore(%arg11 : memref<!tpu.dma_semaphore, #tpu.memory_space<semaphore_mem>>)
        %dma_start3A_14 = arith.constant 0 : i32
        %dma_start3A_15 = arith.constant 0 : i32
        %dma_start3A_16 = tpu.memref_slice %arg2[%dma_start3A_14, %dma_start3A_15] : memref<10000x128xf32, #tpu.memory_space<hbm>> -> memref<10000x128xf32, #tpu.memory_space<hbm>>
        tpu.enqueue_indirect_dma source(%dma_start3A_16 : memref<10000x128xf32, #tpu.memory_space<hbm>>) target(%arg10 : memref<128x128xf32, #tpu.memory_space<vmem>>) offsets(%arg8 : memref<128xi32, #tpu.memory_space<vmem>>) semaphore(%arg12 : memref<!tpu.dma_semaphore, #tpu.memory_space<semaphore_mem>>)
        %dma_wait3A = arith.constant 0 : i32
        %dma_wait3A_17 = arith.constant 0 : i32
        %dma_wait3A_18 = tpu.memref_slice %arg2[%dma_wait3A, %dma_wait3A_17] : memref<10000x128xf32, #tpu.memory_space<hbm>> -> memref<10000x128xf32, #tpu.memory_space<hbm>>
        tpu.wait_indirect_dma semaphore(%arg11 : memref<!tpu.dma_semaphore, #tpu.memory_space<semaphore_mem>>) src(%dma_wait3A_18 : memref<10000x128xf32, #tpu.memory_space<hbm>>) dst(%arg9 : memref<128x128xf32, #tpu.memory_space<vmem>>)
        %dma_wait3A_19 = arith.constant 0 : i32
        %dma_wait3A_20 = arith.constant 0 : i32
        %dma_wait3A_21 = tpu.memref_slice %arg2[%dma_wait3A_19, %dma_wait3A_20] : memref<10000x128xf32, #tpu.memory_space<hbm>> -> memref<10000x128xf32, #tpu.memory_space<hbm>>
        tpu.wait_indirect_dma semaphore(%arg12 : memref<!tpu.dma_semaphore, #tpu.memory_space<semaphore_mem>>) src(%dma_wait3A_21 : memref<10000x128xf32, #tpu.memory_space<hbm>>) dst(%arg10 : memref<128x128xf32, #tpu.memory_space<vmem>>)
        %mul3A_22 = arith.constant 128 : i32
        %mul3A_23 = arith.muli %add3A_9, %mul3A_22 : i32
        "tpu.region"() ({
          %run_scoped3A = tpu.sem_alloc : memref<!tpu.dma_semaphore, #tpu.memory_space<semaphore_mem>>
          %dma_start3A_26 = arith.constant 0 : i32
          %dma_start3A_27 = tpu.memref_slice %arg5[%mul3A_23, %dma_start3A_26] : memref<320000x128xf32, #tpu.memory_space<hbm>> -> memref<128x128xf32, #tpu.memory_space<hbm>>
          %dma_start3A_28 = arith.constant 0 : i32
          %dma_start3A_29 = tpu.memref_slice %arg5[%mul3A_23, %dma_start3A_28] : memref<320000x128xf32, #tpu.memory_space<hbm>> -> memref<128x128xf32, #tpu.memory_space<hbm>>
          tpu.enqueue_dma source(%arg9 : memref<128x128xf32, #tpu.memory_space<vmem>>) target(%dma_start3A_29 : memref<128x128xf32, #tpu.memory_space<hbm>>) target_semaphore(%run_scoped3A : memref<!tpu.dma_semaphore, #tpu.memory_space<semaphore_mem>>)
          %dma_wait3A_30 = arith.constant 0 : i32
          %dma_wait3A_31 = tpu.memref_slice %arg5[%mul3A_23, %dma_wait3A_30] : memref<320000x128xf32, #tpu.memory_space<hbm>> -> memref<128x128xf32, #tpu.memory_space<hbm>>
          %dma_wait3A_32 = arith.constant 0 : i32
          %dma_wait3A_33 = tpu.memref_slice %arg5[%mul3A_23, %dma_wait3A_32] : memref<320000x128xf32, #tpu.memory_space<hbm>> -> memref<128x128xf32, #tpu.memory_space<hbm>>
          tpu.wait_dma2 semaphore(%run_scoped3A : memref<!tpu.dma_semaphore, #tpu.memory_space<semaphore_mem>>) src(%arg9 : memref<128x128xf32, #tpu.memory_space<vmem>>) dst(%dma_wait3A_33 : memref<128x128xf32, #tpu.memory_space<hbm>>)
          tpu.yield
        }) : () -> ()
        %mul3A_24 = arith.constant 128 : i32
        %mul3A_25 = arith.muli %add3A_9, %mul3A_24 : i32
        "tpu.region"() ({
          %run_scoped3A = tpu.sem_alloc : memref<!tpu.dma_semaphore, #tpu.memory_space<semaphore_mem>>
          %dma_start3A_26 = arith.constant 0 : i32
          %dma_start3A_27 = tpu.memref_slice %arg6[%mul3A_25, %dma_start3A_26] : memref<320000x128xf32, #tpu.memory_space<hbm>> -> memref<128x128xf32, #tpu.memory_space<hbm>>
          %dma_start3A_28 = arith.constant 0 : i32
          %dma_start3A_29 = tpu.memref_slice %arg6[%mul3A_25, %dma_start3A_28] : memref<320000x128xf32, #tpu.memory_space<hbm>> -> memref<128x128xf32, #tpu.memory_space<hbm>>
          tpu.enqueue_dma source(%arg10 : memref<128x128xf32, #tpu.memory_space<vmem>>) target(%dma_start3A_29 : memref<128x128xf32, #tpu.memory_space<hbm>>) target_semaphore(%run_scoped3A : memref<!tpu.dma_semaphore, #tpu.memory_space<semaphore_mem>>)
          %dma_wait3A_30 = arith.constant 0 : i32
          %dma_wait3A_31 = tpu.memref_slice %arg6[%mul3A_25, %dma_wait3A_30] : memref<320000x128xf32, #tpu.memory_space<hbm>> -> memref<128x128xf32, #tpu.memory_space<hbm>>
          %dma_wait3A_32 = arith.constant 0 : i32
          %dma_wait3A_33 = tpu.memref_slice %arg6[%mul3A_25, %dma_wait3A_32] : memref<320000x128xf32, #tpu.memory_space<hbm>> -> memref<128x128xf32, #tpu.memory_space<hbm>>
          tpu.wait_dma2 semaphore(%run_scoped3A : memref<!tpu.dma_semaphore, #tpu.memory_space<semaphore_mem>>) src(%arg10 : memref<128x128xf32, #tpu.memory_space<vmem>>) dst(%dma_wait3A_33 : memref<128x128xf32, #tpu.memory_space<hbm>>)
          tpu.yield
        }) : () -> ()
      } else {
      }
    }
    %scan3A_5 = arith.constant 79 : i32
    return
  }
}

#map = affine_map<(d0, d1) -> (0, 0)>
#map1 = affine_map<(d0, d1) -> (0, 0, 0)>
module attributes {stable_mosaic.version = 14 : i64} {
  func.func @scatter_k(%arg0: i32, %arg1: i32, %arg2: memref<320000x128xf32, #tpu.memory_space<hbm>>, %arg3: memref<2500x128xi32, #tpu.memory_space<hbm>>, %arg4: memref<10112x128xf32, #tpu.memory_space<hbm>>, %arg5: memref<2x10112x128xf32, #tpu.memory_space<hbm>>, %arg6: memref<10112x128xf32, #tpu.memory_space<vmem_shared>>, %arg7: memref<128xi32, #tpu.memory_space<vmem>>, %arg8: memref<128x128xf32, #tpu.memory_space<vmem>>) attributes {dimension_semantics = [#tpu.dimension_semantics<core_parallel>, #tpu.dimension_semantics<subcore_parallel>], iteration_bounds = array<i64: 2, 16>, scalar_prefetch = 0 : i64, scratch_operands = 3 : i64, tpu.core_type = #tpu.core_type<sc_vector_subcore>, window_params = [{transform_indices = #map}, {transform_indices = #map}, {transform_indices = #map}, {transform_indices = #map1}]} {
    %mul3A = arith.constant 2 : i32
    %mul3A_0 = arith.muli %arg1, %mul3A : i32
    %add3A = arith.addi %mul3A_0, %arg0 : i32
    %mul3A_1 = arith.constant 632 : i32
    %mul3A_2 = arith.muli %arg1, %mul3A_1 : i32
    %mul3A_3 = arith.constant 632 : i32
    %mul3A_4 = arith.muli %arg1, %mul3A_3 : i32
    "tpu.region"() ({
      %run_scoped3A = tpu.sem_alloc : memref<!tpu.dma_semaphore, #tpu.memory_space<semaphore_mem>>
      %dma_start3A = arith.constant 0 : i32
      %dma_start3A_15 = tpu.memref_slice %arg6[%mul3A_4, %dma_start3A] : memref<10112x128xf32, #tpu.memory_space<vmem_shared>> -> memref<632x128xf32, #tpu.memory_space<vmem_shared>>
      %dma_start3A_16 = arith.constant 0 : i32
      %dma_start3A_17 = tpu.memref_slice %arg4[%mul3A_2, %dma_start3A_16] : memref<10112x128xf32, #tpu.memory_space<hbm>> -> memref<632x128xf32, #tpu.memory_space<hbm>>
      tpu.enqueue_dma source(%dma_start3A_17 : memref<632x128xf32, #tpu.memory_space<hbm>>) target(%dma_start3A_15 : memref<632x128xf32, #tpu.memory_space<vmem_shared>>) target_semaphore(%run_scoped3A : memref<!tpu.dma_semaphore, #tpu.memory_space<semaphore_mem>>)
      %dma_wait3A = arith.constant 0 : i32
      %dma_wait3A_18 = tpu.memref_slice %arg6[%mul3A_4, %dma_wait3A] : memref<10112x128xf32, #tpu.memory_space<vmem_shared>> -> memref<632x128xf32, #tpu.memory_space<vmem_shared>>
      %dma_wait3A_19 = arith.constant 0 : i32
      %dma_wait3A_20 = tpu.memref_slice %arg4[%mul3A_2, %dma_wait3A_19] : memref<10112x128xf32, #tpu.memory_space<hbm>> -> memref<632x128xf32, #tpu.memory_space<hbm>>
      tpu.wait_dma2 semaphore(%run_scoped3A : memref<!tpu.dma_semaphore, #tpu.memory_space<semaphore_mem>>) src(%dma_wait3A_20 : memref<632x128xf32, #tpu.memory_space<hbm>>) dst(%dma_wait3A_18 : memref<632x128xf32, #tpu.memory_space<vmem_shared>>)
      tpu.yield
    }) : () -> ()
    %barrier3A = arith.constant 0 : index
    tpu.barrier barrier_id(%barrier3A)
    %scan3A = arith.constant 0 : i32
    %scan3A_5 = arith.constant 0 : i32
    %scan3A_6 = arith.constant 79 : i32
    %scan3A_7 = arith.addi %scan3A_5, %scan3A_6 : i32
    %scan3A_8 = arith.constant 1 : i32
    scf.for %scan3A_15 = %scan3A_5 to %scan3A_7 step %scan3A_8  : i32 {
      %mul3A_16 = arith.constant 32 : i32
      %mul3A_17 = arith.muli %scan3A_15, %mul3A_16 : i32
      %add3A_18 = arith.addi %mul3A_17, %add3A : i32
      %lt3A = arith.constant 2500 : i32
      %lt3A_19 = arith.cmpi slt, %add3A_18, %lt3A : i32
      %convert_element_type3A = arith.extui %lt3A_19 : i1 to i32
      %cond3A = arith.constant 0 : i32
      %cond3A_20 = arith.cmpi ne, %convert_element_type3A, %cond3A : i32
      scf.if %cond3A_20 {
        "tpu.region"() ({
          %run_scoped3A = tpu.sem_alloc : memref<!tpu.dma_semaphore, #tpu.memory_space<semaphore_mem>>
          %dma_start3A = arith.constant 0 : i32
          %dma_start3A_23 = tpu.memref_slice %arg3[%add3A_18, %dma_start3A] : memref<2500x128xi32, #tpu.memory_space<hbm>> -> memref<1x128xi32, #tpu.memory_space<hbm>>
          %dma_start3A_24 = tpu.memref_squeeze %dma_start3A_23 : memref<1x128xi32, #tpu.memory_space<hbm>> -> memref<128xi32, #tpu.memory_space<hbm>>
          %dma_start3A_25 = arith.constant 0 : i32
          %dma_start3A_26 = tpu.memref_slice %arg3[%add3A_18, %dma_start3A_25] : memref<2500x128xi32, #tpu.memory_space<hbm>> -> memref<1x128xi32, #tpu.memory_space<hbm>>
          %dma_start3A_27 = tpu.memref_squeeze %dma_start3A_26 : memref<1x128xi32, #tpu.memory_space<hbm>> -> memref<128xi32, #tpu.memory_space<hbm>>
          tpu.enqueue_dma source(%dma_start3A_27 : memref<128xi32, #tpu.memory_space<hbm>>) target(%arg7 : memref<128xi32, #tpu.memory_space<vmem>>) target_semaphore(%run_scoped3A : memref<!tpu.dma_semaphore, #tpu.memory_space<semaphore_mem>>)
          %dma_wait3A = arith.constant 0 : i32
          %dma_wait3A_28 = tpu.memref_slice %arg3[%add3A_18, %dma_wait3A] : memref<2500x128xi32, #tpu.memory_space<hbm>> -> memref<1x128xi32, #tpu.memory_space<hbm>>
          %dma_wait3A_29 = tpu.memref_squeeze %dma_wait3A_28 : memref<1x128xi32, #tpu.memory_space<hbm>> -> memref<128xi32, #tpu.memory_space<hbm>>
          %dma_wait3A_30 = arith.constant 0 : i32
          %dma_wait3A_31 = tpu.memref_slice %arg3[%add3A_18, %dma_wait3A_30] : memref<2500x128xi32, #tpu.memory_space<hbm>> -> memref<1x128xi32, #tpu.memory_space<hbm>>
          %dma_wait3A_32 = tpu.memref_squeeze %dma_wait3A_31 : memref<1x128xi32, #tpu.memory_space<hbm>> -> memref<128xi32, #tpu.memory_space<hbm>>
          tpu.wait_dma2 semaphore(%run_scoped3A : memref<!tpu.dma_semaphore, #tpu.memory_space<semaphore_mem>>) src(%dma_wait3A_32 : memref<128xi32, #tpu.memory_space<hbm>>) dst(%arg7 : memref<128xi32, #tpu.memory_space<vmem>>)
          tpu.yield
        }) : () -> ()
        %mul3A_21 = arith.constant 128 : i32
        %mul3A_22 = arith.muli %add3A_18, %mul3A_21 : i32
        "tpu.region"() ({
          %run_scoped3A = tpu.sem_alloc : memref<!tpu.dma_semaphore, #tpu.memory_space<semaphore_mem>>
          %dma_start3A = arith.constant 0 : i32
          %dma_start3A_23 = tpu.memref_slice %arg2[%mul3A_22, %dma_start3A] : memref<320000x128xf32, #tpu.memory_space<hbm>> -> memref<128x128xf32, #tpu.memory_space<hbm>>
          %dma_start3A_24 = arith.constant 0 : i32
          %dma_start3A_25 = tpu.memref_slice %arg2[%mul3A_22, %dma_start3A_24] : memref<320000x128xf32, #tpu.memory_space<hbm>> -> memref<128x128xf32, #tpu.memory_space<hbm>>
          tpu.enqueue_dma source(%dma_start3A_25 : memref<128x128xf32, #tpu.memory_space<hbm>>) target(%arg8 : memref<128x128xf32, #tpu.memory_space<vmem>>) target_semaphore(%run_scoped3A : memref<!tpu.dma_semaphore, #tpu.memory_space<semaphore_mem>>)
          %dma_wait3A = arith.constant 0 : i32
          %dma_wait3A_26 = tpu.memref_slice %arg2[%mul3A_22, %dma_wait3A] : memref<320000x128xf32, #tpu.memory_space<hbm>> -> memref<128x128xf32, #tpu.memory_space<hbm>>
          %dma_wait3A_27 = arith.constant 0 : i32
          %dma_wait3A_28 = tpu.memref_slice %arg2[%mul3A_22, %dma_wait3A_27] : memref<320000x128xf32, #tpu.memory_space<hbm>> -> memref<128x128xf32, #tpu.memory_space<hbm>>
          tpu.wait_dma2 semaphore(%run_scoped3A : memref<!tpu.dma_semaphore, #tpu.memory_space<semaphore_mem>>) src(%dma_wait3A_28 : memref<128x128xf32, #tpu.memory_space<hbm>>) dst(%arg8 : memref<128x128xf32, #tpu.memory_space<vmem>>)
          tpu.yield
        }) : () -> ()
        "tpu.region"() ({
          %run_scoped3A = tpu.sem_alloc : memref<!tpu.dma_semaphore, #tpu.memory_space<semaphore_mem>>
          %dma_start3A = arith.constant 0 : i32
          %dma_start3A_23 = arith.constant 0 : i32
          %dma_start3A_24 = tpu.memref_slice %arg6[%dma_start3A, %dma_start3A_23] : memref<10112x128xf32, #tpu.memory_space<vmem_shared>> -> memref<10112x128xf32, #tpu.memory_space<vmem_shared>>
          tpu.enqueue_indirect_dma source(%arg8 : memref<128x128xf32, #tpu.memory_space<vmem>>) target(%dma_start3A_24 : memref<10112x128xf32, #tpu.memory_space<vmem_shared>>) offsets(%arg7 : memref<128xi32, #tpu.memory_space<vmem>>) semaphore(%run_scoped3A : memref<!tpu.dma_semaphore, #tpu.memory_space<semaphore_mem>>) {add = true}
          %dma_wait3A = arith.constant 0 : i32
          %dma_wait3A_25 = arith.constant 0 : i32
          %dma_wait3A_26 = tpu.memref_slice %arg6[%dma_wait3A, %dma_wait3A_25] : memref<10112x128xf32, #tpu.memory_space<vmem_shared>> -> memref<10112x128xf32, #tpu.memory_space<vmem_shared>>
          tpu.wait_indirect_dma semaphore(%run_scoped3A : memref<!tpu.dma_semaphore, #tpu.memory_space<semaphore_mem>>) src(%arg8 : memref<128x128xf32, #tpu.memory_space<vmem>>) dst(%dma_wait3A_26 : memref<10112x128xf32, #tpu.memory_space<vmem_shared>>)
          tpu.yield
        }) : () -> ()
      } else {
      }
    }
    %scan3A_9 = arith.constant 79 : i32
    %barrier3A_10 = arith.constant 0 : index
    tpu.barrier barrier_id(%barrier3A_10)
    %mul3A_11 = arith.constant 632 : i32
    %mul3A_12 = arith.muli %arg1, %mul3A_11 : i32
    %mul3A_13 = arith.constant 632 : i32
    %mul3A_14 = arith.muli %arg1, %mul3A_13 : i32
    "tpu.region"() ({
      %run_scoped3A = tpu.sem_alloc : memref<!tpu.dma_semaphore, #tpu.memory_space<semaphore_mem>>
      %dma_start3A = arith.constant 0 : i32
      %dma_start3A_15 = arith.constant 0 : i32
      %dma_start3A_16 = tpu.memref_slice %arg5[%arg0, %dma_start3A, %dma_start3A_15] : memref<2x10112x128xf32, #tpu.memory_space<hbm>> -> memref<1x10112x128xf32, #tpu.memory_space<hbm>>
      %dma_start3A_17 = tpu.memref_squeeze %dma_start3A_16 : memref<1x10112x128xf32, #tpu.memory_space<hbm>> -> memref<10112x128xf32, #tpu.memory_space<hbm>>
      %dma_start3A_18 = arith.constant 0 : i32
      %dma_start3A_19 = tpu.memref_slice %dma_start3A_17[%mul3A_14, %dma_start3A_18] : memref<10112x128xf32, #tpu.memory_space<hbm>> -> memref<632x128xf32, #tpu.memory_space<hbm>>
      %dma_start3A_20 = arith.constant 0 : i32
      %dma_start3A_21 = tpu.memref_slice %arg6[%mul3A_12, %dma_start3A_20] : memref<10112x128xf32, #tpu.memory_space<vmem_shared>> -> memref<632x128xf32, #tpu.memory_space<vmem_shared>>
      tpu.enqueue_dma source(%dma_start3A_21 : memref<632x128xf32, #tpu.memory_space<vmem_shared>>) target(%dma_start3A_19 : memref<632x128xf32, #tpu.memory_space<hbm>>) target_semaphore(%run_scoped3A : memref<!tpu.dma_semaphore, #tpu.memory_space<semaphore_mem>>)
      %dma_wait3A = arith.constant 0 : i32
      %dma_wait3A_22 = arith.constant 0 : i32
      %dma_wait3A_23 = tpu.memref_slice %arg5[%arg0, %dma_wait3A, %dma_wait3A_22] : memref<2x10112x128xf32, #tpu.memory_space<hbm>> -> memref<1x10112x128xf32, #tpu.memory_space<hbm>>
      %dma_wait3A_24 = tpu.memref_squeeze %dma_wait3A_23 : memref<1x10112x128xf32, #tpu.memory_space<hbm>> -> memref<10112x128xf32, #tpu.memory_space<hbm>>
      %dma_wait3A_25 = arith.constant 0 : i32
      %dma_wait3A_26 = tpu.memref_slice %dma_wait3A_24[%mul3A_14, %dma_wait3A_25] : memref<10112x128xf32, #tpu.memory_space<hbm>> -> memref<632x128xf32, #tpu.memory_space<hbm>>
      %dma_wait3A_27 = arith.constant 0 : i32
      %dma_wait3A_28 = tpu.memref_slice %arg6[%mul3A_12, %dma_wait3A_27] : memref<10112x128xf32, #tpu.memory_space<vmem_shared>> -> memref<632x128xf32, #tpu.memory_space<vmem_shared>>
      tpu.wait_dma2 semaphore(%run_scoped3A : memref<!tpu.dma_semaphore, #tpu.memory_space<semaphore_mem>>) src(%dma_wait3A_28 : memref<632x128xf32, #tpu.memory_space<vmem_shared>>) dst(%dma_wait3A_26 : memref<632x128xf32, #tpu.memory_space<hbm>>)
      tpu.yield
    }) : () -> ()
    return
  }
}

#map = affine_map<(d0, d1) -> (0, 0)>
module attributes {stable_mosaic.version = 14 : i64} {
  func.func @gather_k(%arg0: i32, %arg1: i32, %arg2: memref<10000x128xf32, #tpu.memory_space<hbm>>, %arg3: memref<2500x128xi32, #tpu.memory_space<hbm>>, %arg4: memref<2500x128xi32, #tpu.memory_space<hbm>>, %arg5: memref<320000x128xf32, #tpu.memory_space<hbm>>, %arg6: memref<320000x128xf32, #tpu.memory_space<hbm>>, %arg7: memref<128xi32, #tpu.memory_space<vmem>>, %arg8: memref<128xi32, #tpu.memory_space<vmem>>, %arg9: memref<128x128xf32, #tpu.memory_space<vmem>>, %arg10: memref<128x128xf32, #tpu.memory_space<vmem>>, %arg11: memref<!tpu.dma_semaphore, #tpu.memory_space<semaphore_mem>>, %arg12: memref<!tpu.dma_semaphore, #tpu.memory_space<semaphore_mem>>) attributes {dimension_semantics = [#tpu.dimension_semantics<core_parallel>, #tpu.dimension_semantics<subcore_parallel>], iteration_bounds = array<i64: 2, 16>, scalar_prefetch = 0 : i64, scratch_operands = 6 : i64, tpu.core_type = #tpu.core_type<sc_vector_subcore>, window_params = [{transform_indices = #map}, {transform_indices = #map}, {transform_indices = #map}, {transform_indices = #map}, {transform_indices = #map}]} {
    %mul3A = arith.constant 2 : i32
    %mul3A_0 = arith.muli %arg1, %mul3A : i32
    %add3A = arith.addi %mul3A_0, %arg0 : i32
    %scan3A = arith.constant 0 : i32
    %scan3A_1 = arith.constant 0 : i32
    %scan3A_2 = arith.constant 79 : i32
    %scan3A_3 = arith.addi %scan3A_1, %scan3A_2 : i32
    %scan3A_4 = arith.constant 1 : i32
    scf.for %scan3A_6 = %scan3A_1 to %scan3A_3 step %scan3A_4  : i32 {
      %mul3A_7 = arith.constant 32 : i32
      %mul3A_8 = arith.muli %scan3A_6, %mul3A_7 : i32
      %add3A_9 = arith.addi %mul3A_8, %add3A : i32
      %lt3A = arith.constant 2500 : i32
      %lt3A_10 = arith.cmpi slt, %add3A_9, %lt3A : i32
      %convert_element_type3A = arith.extui %lt3A_10 : i1 to i32
      %cond3A = arith.constant 0 : i32
      %cond3A_11 = arith.cmpi ne, %convert_element_type3A, %cond3A : i32
      scf.if %cond3A_11 {
        "tpu.region"() ({
          %run_scoped3A = tpu.sem_alloc : memref<!tpu.dma_semaphore, #tpu.memory_space<semaphore_mem>>
          %dma_start3A_26 = arith.constant 0 : i32
          %dma_start3A_27 = tpu.memref_slice %arg3[%add3A_9, %dma_start3A_26] : memref<2500x128xi32, #tpu.memory_space<hbm>> -> memref<1x128xi32, #tpu.memory_space<hbm>>
          %dma_start3A_28 = tpu.memref_squeeze %dma_start3A_27 : memref<1x128xi32, #tpu.memory_space<hbm>> -> memref<128xi32, #tpu.memory_space<hbm>>
          %dma_start3A_29 = arith.constant 0 : i32
          %dma_start3A_30 = tpu.memref_slice %arg3[%add3A_9, %dma_start3A_29] : memref<2500x128xi32, #tpu.memory_space<hbm>> -> memref<1x128xi32, #tpu.memory_space<hbm>>
          %dma_start3A_31 = tpu.memref_squeeze %dma_start3A_30 : memref<1x128xi32, #tpu.memory_space<hbm>> -> memref<128xi32, #tpu.memory_space<hbm>>
          tpu.enqueue_dma source(%dma_start3A_31 : memref<128xi32, #tpu.memory_space<hbm>>) target(%arg7 : memref<128xi32, #tpu.memory_space<vmem>>) target_semaphore(%run_scoped3A : memref<!tpu.dma_semaphore, #tpu.memory_space<semaphore_mem>>)
          %dma_wait3A_32 = arith.constant 0 : i32
          %dma_wait3A_33 = tpu.memref_slice %arg3[%add3A_9, %dma_wait3A_32] : memref<2500x128xi32, #tpu.memory_space<hbm>> -> memref<1x128xi32, #tpu.memory_space<hbm>>
          %dma_wait3A_34 = tpu.memref_squeeze %dma_wait3A_33 : memref<1x128xi32, #tpu.memory_space<hbm>> -> memref<128xi32, #tpu.memory_space<hbm>>
          %dma_wait3A_35 = arith.constant 0 : i32
          %dma_wait3A_36 = tpu.memref_slice %arg3[%add3A_9, %dma_wait3A_35] : memref<2500x128xi32, #tpu.memory_space<hbm>> -> memref<1x128xi32, #tpu.memory_space<hbm>>
          %dma_wait3A_37 = tpu.memref_squeeze %dma_wait3A_36 : memref<1x128xi32, #tpu.memory_space<hbm>> -> memref<128xi32, #tpu.memory_space<hbm>>
          tpu.wait_dma2 semaphore(%run_scoped3A : memref<!tpu.dma_semaphore, #tpu.memory_space<semaphore_mem>>) src(%dma_wait3A_37 : memref<128xi32, #tpu.memory_space<hbm>>) dst(%arg7 : memref<128xi32, #tpu.memory_space<vmem>>)
          tpu.yield
        }) : () -> ()
        "tpu.region"() ({
          %run_scoped3A = tpu.sem_alloc : memref<!tpu.dma_semaphore, #tpu.memory_space<semaphore_mem>>
          %dma_start3A_26 = arith.constant 0 : i32
          %dma_start3A_27 = tpu.memref_slice %arg4[%add3A_9, %dma_start3A_26] : memref<2500x128xi32, #tpu.memory_space<hbm>> -> memref<1x128xi32, #tpu.memory_space<hbm>>
          %dma_start3A_28 = tpu.memref_squeeze %dma_start3A_27 : memref<1x128xi32, #tpu.memory_space<hbm>> -> memref<128xi32, #tpu.memory_space<hbm>>
          %dma_start3A_29 = arith.constant 0 : i32
          %dma_start3A_30 = tpu.memref_slice %arg4[%add3A_9, %dma_start3A_29] : memref<2500x128xi32, #tpu.memory_space<hbm>> -> memref<1x128xi32, #tpu.memory_space<hbm>>
          %dma_start3A_31 = tpu.memref_squeeze %dma_start3A_30 : memref<1x128xi32, #tpu.memory_space<hbm>> -> memref<128xi32, #tpu.memory_space<hbm>>
          tpu.enqueue_dma source(%dma_start3A_31 : memref<128xi32, #tpu.memory_space<hbm>>) target(%arg8 : memref<128xi32, #tpu.memory_space<vmem>>) target_semaphore(%run_scoped3A : memref<!tpu.dma_semaphore, #tpu.memory_space<semaphore_mem>>)
          %dma_wait3A_32 = arith.constant 0 : i32
          %dma_wait3A_33 = tpu.memref_slice %arg4[%add3A_9, %dma_wait3A_32] : memref<2500x128xi32, #tpu.memory_space<hbm>> -> memref<1x128xi32, #tpu.memory_space<hbm>>
          %dma_wait3A_34 = tpu.memref_squeeze %dma_wait3A_33 : memref<1x128xi32, #tpu.memory_space<hbm>> -> memref<128xi32, #tpu.memory_space<hbm>>
          %dma_wait3A_35 = arith.constant 0 : i32
          %dma_wait3A_36 = tpu.memref_slice %arg4[%add3A_9, %dma_wait3A_35] : memref<2500x128xi32, #tpu.memory_space<hbm>> -> memref<1x128xi32, #tpu.memory_space<hbm>>
          %dma_wait3A_37 = tpu.memref_squeeze %dma_wait3A_36 : memref<1x128xi32, #tpu.memory_space<hbm>> -> memref<128xi32, #tpu.memory_space<hbm>>
          tpu.wait_dma2 semaphore(%run_scoped3A : memref<!tpu.dma_semaphore, #tpu.memory_space<semaphore_mem>>) src(%dma_wait3A_37 : memref<128xi32, #tpu.memory_space<hbm>>) dst(%arg8 : memref<128xi32, #tpu.memory_space<vmem>>)
          tpu.yield
        }) : () -> ()
        %dma_start3A = arith.constant 0 : i32
        %dma_start3A_12 = arith.constant 0 : i32
        %dma_start3A_13 = tpu.memref_slice %arg2[%dma_start3A, %dma_start3A_12] : memref<10000x128xf32, #tpu.memory_space<hbm>> -> memref<10000x128xf32, #tpu.memory_space<hbm>>
        tpu.enqueue_indirect_dma source(%dma_start3A_13 : memref<10000x128xf32, #tpu.memory_space<hbm>>) target(%arg9 : memref<128x128xf32, #tpu.memory_space<vmem>>) offsets(%arg7 : memref<128xi32, #tpu.memory_space<vmem>>) semaphore(%arg11 : memref<!tpu.dma_semaphore, #tpu.memory_space<semaphore_mem>>)
        %dma_start3A_14 = arith.constant 0 : i32
        %dma_start3A_15 = arith.constant 0 : i32
        %dma_start3A_16 = tpu.memref_slice %arg2[%dma_start3A_14, %dma_start3A_15] : memref<10000x128xf32, #tpu.memory_space<hbm>> -> memref<10000x128xf32, #tpu.memory_space<hbm>>
        tpu.enqueue_indirect_dma source(%dma_start3A_16 : memref<10000x128xf32, #tpu.memory_space<hbm>>) target(%arg10 : memref<128x128xf32, #tpu.memory_space<vmem>>) offsets(%arg8 : memref<128xi32, #tpu.memory_space<vmem>>) semaphore(%arg12 : memref<!tpu.dma_semaphore, #tpu.memory_space<semaphore_mem>>)
        %dma_wait3A = arith.constant 0 : i32
        %dma_wait3A_17 = arith.constant 0 : i32
        %dma_wait3A_18 = tpu.memref_slice %arg2[%dma_wait3A, %dma_wait3A_17] : memref<10000x128xf32, #tpu.memory_space<hbm>> -> memref<10000x128xf32, #tpu.memory_space<hbm>>
        tpu.wait_indirect_dma semaphore(%arg11 : memref<!tpu.dma_semaphore, #tpu.memory_space<semaphore_mem>>) src(%dma_wait3A_18 : memref<10000x128xf32, #tpu.memory_space<hbm>>) dst(%arg9 : memref<128x128xf32, #tpu.memory_space<vmem>>)
        %dma_wait3A_19 = arith.constant 0 : i32
        %dma_wait3A_20 = arith.constant 0 : i32
        %dma_wait3A_21 = tpu.memref_slice %arg2[%dma_wait3A_19, %dma_wait3A_20] : memref<10000x128xf32, #tpu.memory_space<hbm>> -> memref<10000x128xf32, #tpu.memory_space<hbm>>
        tpu.wait_indirect_dma semaphore(%arg12 : memref<!tpu.dma_semaphore, #tpu.memory_space<semaphore_mem>>) src(%dma_wait3A_21 : memref<10000x128xf32, #tpu.memory_space<hbm>>) dst(%arg10 : memref<128x128xf32, #tpu.memory_space<vmem>>)
        %mul3A_22 = arith.constant 128 : i32
        %mul3A_23 = arith.muli %add3A_9, %mul3A_22 : i32
        "tpu.region"() ({
          %run_scoped3A = tpu.sem_alloc : memref<!tpu.dma_semaphore, #tpu.memory_space<semaphore_mem>>
          %dma_start3A_26 = arith.constant 0 : i32
          %dma_start3A_27 = tpu.memref_slice %arg5[%mul3A_23, %dma_start3A_26] : memref<320000x128xf32, #tpu.memory_space<hbm>> -> memref<128x128xf32, #tpu.memory_space<hbm>>
          %dma_start3A_28 = arith.constant 0 : i32
          %dma_start3A_29 = tpu.memref_slice %arg5[%mul3A_23, %dma_start3A_28] : memref<320000x128xf32, #tpu.memory_space<hbm>> -> memref<128x128xf32, #tpu.memory_space<hbm>>
          tpu.enqueue_dma source(%arg9 : memref<128x128xf32, #tpu.memory_space<vmem>>) target(%dma_start3A_29 : memref<128x128xf32, #tpu.memory_space<hbm>>) target_semaphore(%run_scoped3A : memref<!tpu.dma_semaphore, #tpu.memory_space<semaphore_mem>>)
          %dma_wait3A_30 = arith.constant 0 : i32
          %dma_wait3A_31 = tpu.memref_slice %arg5[%mul3A_23, %dma_wait3A_30] : memref<320000x128xf32, #tpu.memory_space<hbm>> -> memref<128x128xf32, #tpu.memory_space<hbm>>
          %dma_wait3A_32 = arith.constant 0 : i32
          %dma_wait3A_33 = tpu.memref_slice %arg5[%mul3A_23, %dma_wait3A_32] : memref<320000x128xf32, #tpu.memory_space<hbm>> -> memref<128x128xf32, #tpu.memory_space<hbm>>
          tpu.wait_dma2 semaphore(%run_scoped3A : memref<!tpu.dma_semaphore, #tpu.memory_space<semaphore_mem>>) src(%arg9 : memref<128x128xf32, #tpu.memory_space<vmem>>) dst(%dma_wait3A_33 : memref<128x128xf32, #tpu.memory_space<hbm>>)
          tpu.yield
        }) : () -> ()
        %mul3A_24 = arith.constant 128 : i32
        %mul3A_25 = arith.muli %add3A_9, %mul3A_24 : i32
        "tpu.region"() ({
          %run_scoped3A = tpu.sem_alloc : memref<!tpu.dma_semaphore, #tpu.memory_space<semaphore_mem>>
          %dma_start3A_26 = arith.constant 0 : i32
          %dma_start3A_27 = tpu.memref_slice %arg6[%mul3A_25, %dma_start3A_26] : memref<320000x128xf32, #tpu.memory_space<hbm>> -> memref<128x128xf32, #tpu.memory_space<hbm>>
          %dma_start3A_28 = arith.constant 0 : i32
          %dma_start3A_29 = tpu.memref_slice %arg6[%mul3A_25, %dma_start3A_28] : memref<320000x128xf32, #tpu.memory_space<hbm>> -> memref<128x128xf32, #tpu.memory_space<hbm>>
          tpu.enqueue_dma source(%arg10 : memref<128x128xf32, #tpu.memory_space<vmem>>) target(%dma_start3A_29 : memref<128x128xf32, #tpu.memory_space<hbm>>) target_semaphore(%run_scoped3A : memref<!tpu.dma_semaphore, #tpu.memory_space<semaphore_mem>>)
          %dma_wait3A_30 = arith.constant 0 : i32
          %dma_wait3A_31 = tpu.memref_slice %arg6[%mul3A_25, %dma_wait3A_30] : memref<320000x128xf32, #tpu.memory_space<hbm>> -> memref<128x128xf32, #tpu.memory_space<hbm>>
          %dma_wait3A_32 = arith.constant 0 : i32
          %dma_wait3A_33 = tpu.memref_slice %arg6[%mul3A_25, %dma_wait3A_32] : memref<320000x128xf32, #tpu.memory_space<hbm>> -> memref<128x128xf32, #tpu.memory_space<hbm>>
          tpu.wait_dma2 semaphore(%run_scoped3A : memref<!tpu.dma_semaphore, #tpu.memory_space<semaphore_mem>>) src(%arg10 : memref<128x128xf32, #tpu.memory_space<vmem>>) dst(%dma_wait3A_33 : memref<128x128xf32, #tpu.memory_space<hbm>>)
          tpu.yield
        }) : () -> ()
      } else {
      }
    }
    %scan3A_5 = arith.constant 79 : i32
    return
  }
}

#map = affine_map<(d0, d1) -> (0, 0)>
#map1 = affine_map<(d0, d1) -> (0, 0, 0)>
module attributes {stable_mosaic.version = 14 : i64} {
  func.func @scatter_k(%arg0: i32, %arg1: i32, %arg2: memref<320000x128xf32, #tpu.memory_space<hbm>>, %arg3: memref<2500x128xi32, #tpu.memory_space<hbm>>, %arg4: memref<10112x128xf32, #tpu.memory_space<hbm>>, %arg5: memref<2x10112x128xf32, #tpu.memory_space<hbm>>, %arg6: memref<10112x128xf32, #tpu.memory_space<vmem_shared>>, %arg7: memref<128xi32, #tpu.memory_space<vmem>>, %arg8: memref<128x128xf32, #tpu.memory_space<vmem>>) attributes {dimension_semantics = [#tpu.dimension_semantics<core_parallel>, #tpu.dimension_semantics<subcore_parallel>], iteration_bounds = array<i64: 2, 16>, scalar_prefetch = 0 : i64, scratch_operands = 3 : i64, tpu.core_type = #tpu.core_type<sc_vector_subcore>, window_params = [{transform_indices = #map}, {transform_indices = #map}, {transform_indices = #map}, {transform_indices = #map1}]} {
    %mul3A = arith.constant 2 : i32
    %mul3A_0 = arith.muli %arg1, %mul3A : i32
    %add3A = arith.addi %mul3A_0, %arg0 : i32
    %mul3A_1 = arith.constant 632 : i32
    %mul3A_2 = arith.muli %arg1, %mul3A_1 : i32
    %mul3A_3 = arith.constant 632 : i32
    %mul3A_4 = arith.muli %arg1, %mul3A_3 : i32
    "tpu.region"() ({
      %run_scoped3A = tpu.sem_alloc : memref<!tpu.dma_semaphore, #tpu.memory_space<semaphore_mem>>
      %dma_start3A = arith.constant 0 : i32
      %dma_start3A_15 = tpu.memref_slice %arg6[%mul3A_4, %dma_start3A] : memref<10112x128xf32, #tpu.memory_space<vmem_shared>> -> memref<632x128xf32, #tpu.memory_space<vmem_shared>>
      %dma_start3A_16 = arith.constant 0 : i32
      %dma_start3A_17 = tpu.memref_slice %arg4[%mul3A_2, %dma_start3A_16] : memref<10112x128xf32, #tpu.memory_space<hbm>> -> memref<632x128xf32, #tpu.memory_space<hbm>>
      tpu.enqueue_dma source(%dma_start3A_17 : memref<632x128xf32, #tpu.memory_space<hbm>>) target(%dma_start3A_15 : memref<632x128xf32, #tpu.memory_space<vmem_shared>>) target_semaphore(%run_scoped3A : memref<!tpu.dma_semaphore, #tpu.memory_space<semaphore_mem>>)
      %dma_wait3A = arith.constant 0 : i32
      %dma_wait3A_18 = tpu.memref_slice %arg6[%mul3A_4, %dma_wait3A] : memref<10112x128xf32, #tpu.memory_space<vmem_shared>> -> memref<632x128xf32, #tpu.memory_space<vmem_shared>>
      %dma_wait3A_19 = arith.constant 0 : i32
      %dma_wait3A_20 = tpu.memref_slice %arg4[%mul3A_2, %dma_wait3A_19] : memref<10112x128xf32, #tpu.memory_space<hbm>> -> memref<632x128xf32, #tpu.memory_space<hbm>>
      tpu.wait_dma2 semaphore(%run_scoped3A : memref<!tpu.dma_semaphore, #tpu.memory_space<semaphore_mem>>) src(%dma_wait3A_20 : memref<632x128xf32, #tpu.memory_space<hbm>>) dst(%dma_wait3A_18 : memref<632x128xf32, #tpu.memory_space<vmem_shared>>)
      tpu.yield
    }) : () -> ()
    %barrier3A = arith.constant 0 : index
    tpu.barrier barrier_id(%barrier3A)
    %scan3A = arith.constant 0 : i32
    %scan3A_5 = arith.constant 0 : i32
    %scan3A_6 = arith.constant 79 : i32
    %scan3A_7 = arith.addi %scan3A_5, %scan3A_6 : i32
    %scan3A_8 = arith.constant 1 : i32
    scf.for %scan3A_15 = %scan3A_5 to %scan3A_7 step %scan3A_8  : i32 {
      %mul3A_16 = arith.constant 32 : i32
      %mul3A_17 = arith.muli %scan3A_15, %mul3A_16 : i32
      %add3A_18 = arith.addi %mul3A_17, %add3A : i32
      %lt3A = arith.constant 2500 : i32
      %lt3A_19 = arith.cmpi slt, %add3A_18, %lt3A : i32
      %convert_element_type3A = arith.extui %lt3A_19 : i1 to i32
      %cond3A = arith.constant 0 : i32
      %cond3A_20 = arith.cmpi ne, %convert_element_type3A, %cond3A : i32
      scf.if %cond3A_20 {
        "tpu.region"() ({
          %run_scoped3A = tpu.sem_alloc : memref<!tpu.dma_semaphore, #tpu.memory_space<semaphore_mem>>
          %dma_start3A = arith.constant 0 : i32
          %dma_start3A_23 = tpu.memref_slice %arg3[%add3A_18, %dma_start3A] : memref<2500x128xi32, #tpu.memory_space<hbm>> -> memref<1x128xi32, #tpu.memory_space<hbm>>
          %dma_start3A_24 = tpu.memref_squeeze %dma_start3A_23 : memref<1x128xi32, #tpu.memory_space<hbm>> -> memref<128xi32, #tpu.memory_space<hbm>>
          %dma_start3A_25 = arith.constant 0 : i32
          %dma_start3A_26 = tpu.memref_slice %arg3[%add3A_18, %dma_start3A_25] : memref<2500x128xi32, #tpu.memory_space<hbm>> -> memref<1x128xi32, #tpu.memory_space<hbm>>
          %dma_start3A_27 = tpu.memref_squeeze %dma_start3A_26 : memref<1x128xi32, #tpu.memory_space<hbm>> -> memref<128xi32, #tpu.memory_space<hbm>>
          tpu.enqueue_dma source(%dma_start3A_27 : memref<128xi32, #tpu.memory_space<hbm>>) target(%arg7 : memref<128xi32, #tpu.memory_space<vmem>>) target_semaphore(%run_scoped3A : memref<!tpu.dma_semaphore, #tpu.memory_space<semaphore_mem>>)
          %dma_wait3A = arith.constant 0 : i32
          %dma_wait3A_28 = tpu.memref_slice %arg3[%add3A_18, %dma_wait3A] : memref<2500x128xi32, #tpu.memory_space<hbm>> -> memref<1x128xi32, #tpu.memory_space<hbm>>
          %dma_wait3A_29 = tpu.memref_squeeze %dma_wait3A_28 : memref<1x128xi32, #tpu.memory_space<hbm>> -> memref<128xi32, #tpu.memory_space<hbm>>
          %dma_wait3A_30 = arith.constant 0 : i32
          %dma_wait3A_31 = tpu.memref_slice %arg3[%add3A_18, %dma_wait3A_30] : memref<2500x128xi32, #tpu.memory_space<hbm>> -> memref<1x128xi32, #tpu.memory_space<hbm>>
          %dma_wait3A_32 = tpu.memref_squeeze %dma_wait3A_31 : memref<1x128xi32, #tpu.memory_space<hbm>> -> memref<128xi32, #tpu.memory_space<hbm>>
          tpu.wait_dma2 semaphore(%run_scoped3A : memref<!tpu.dma_semaphore, #tpu.memory_space<semaphore_mem>>) src(%dma_wait3A_32 : memref<128xi32, #tpu.memory_space<hbm>>) dst(%arg7 : memref<128xi32, #tpu.memory_space<vmem>>)
          tpu.yield
        }) : () -> ()
        %mul3A_21 = arith.constant 128 : i32
        %mul3A_22 = arith.muli %add3A_18, %mul3A_21 : i32
        "tpu.region"() ({
          %run_scoped3A = tpu.sem_alloc : memref<!tpu.dma_semaphore, #tpu.memory_space<semaphore_mem>>
          %dma_start3A = arith.constant 0 : i32
          %dma_start3A_23 = tpu.memref_slice %arg2[%mul3A_22, %dma_start3A] : memref<320000x128xf32, #tpu.memory_space<hbm>> -> memref<128x128xf32, #tpu.memory_space<hbm>>
          %dma_start3A_24 = arith.constant 0 : i32
          %dma_start3A_25 = tpu.memref_slice %arg2[%mul3A_22, %dma_start3A_24] : memref<320000x128xf32, #tpu.memory_space<hbm>> -> memref<128x128xf32, #tpu.memory_space<hbm>>
          tpu.enqueue_dma source(%dma_start3A_25 : memref<128x128xf32, #tpu.memory_space<hbm>>) target(%arg8 : memref<128x128xf32, #tpu.memory_space<vmem>>) target_semaphore(%run_scoped3A : memref<!tpu.dma_semaphore, #tpu.memory_space<semaphore_mem>>)
          %dma_wait3A = arith.constant 0 : i32
          %dma_wait3A_26 = tpu.memref_slice %arg2[%mul3A_22, %dma_wait3A] : memref<320000x128xf32, #tpu.memory_space<hbm>> -> memref<128x128xf32, #tpu.memory_space<hbm>>
          %dma_wait3A_27 = arith.constant 0 : i32
          %dma_wait3A_28 = tpu.memref_slice %arg2[%mul3A_22, %dma_wait3A_27] : memref<320000x128xf32, #tpu.memory_space<hbm>> -> memref<128x128xf32, #tpu.memory_space<hbm>>
          tpu.wait_dma2 semaphore(%run_scoped3A : memref<!tpu.dma_semaphore, #tpu.memory_space<semaphore_mem>>) src(%dma_wait3A_28 : memref<128x128xf32, #tpu.memory_space<hbm>>) dst(%arg8 : memref<128x128xf32, #tpu.memory_space<vmem>>)
          tpu.yield
        }) : () -> ()
        "tpu.region"() ({
          %run_scoped3A = tpu.sem_alloc : memref<!tpu.dma_semaphore, #tpu.memory_space<semaphore_mem>>
          %dma_start3A = arith.constant 0 : i32
          %dma_start3A_23 = arith.constant 0 : i32
          %dma_start3A_24 = tpu.memref_slice %arg6[%dma_start3A, %dma_start3A_23] : memref<10112x128xf32, #tpu.memory_space<vmem_shared>> -> memref<10112x128xf32, #tpu.memory_space<vmem_shared>>
          tpu.enqueue_indirect_dma source(%arg8 : memref<128x128xf32, #tpu.memory_space<vmem>>) target(%dma_start3A_24 : memref<10112x128xf32, #tpu.memory_space<vmem_shared>>) offsets(%arg7 : memref<128xi32, #tpu.memory_space<vmem>>) semaphore(%run_scoped3A : memref<!tpu.dma_semaphore, #tpu.memory_space<semaphore_mem>>) {add = true}
          %dma_wait3A = arith.constant 0 : i32
          %dma_wait3A_25 = arith.constant 0 : i32
          %dma_wait3A_26 = tpu.memref_slice %arg6[%dma_wait3A, %dma_wait3A_25] : memref<10112x128xf32, #tpu.memory_space<vmem_shared>> -> memref<10112x128xf32, #tpu.memory_space<vmem_shared>>
          tpu.wait_indirect_dma semaphore(%run_scoped3A : memref<!tpu.dma_semaphore, #tpu.memory_space<semaphore_mem>>) src(%arg8 : memref<128x128xf32, #tpu.memory_space<vmem>>) dst(%dma_wait3A_26 : memref<10112x128xf32, #tpu.memory_space<vmem_shared>>)
          tpu.yield
        }) : () -> ()
      } else {
      }
    }
    %scan3A_9 = arith.constant 79 : i32
    %barrier3A_10 = arith.constant 0 : index
    tpu.barrier barrier_id(%barrier3A_10)
    %mul3A_11 = arith.constant 632 : i32
    %mul3A_12 = arith.muli %arg1, %mul3A_11 : i32
    %mul3A_13 = arith.constant 632 : i32
    %mul3A_14 = arith.muli %arg1, %mul3A_13 : i32
    "tpu.region"() ({
      %run_scoped3A = tpu.sem_alloc : memref<!tpu.dma_semaphore, #tpu.memory_space<semaphore_mem>>
      %dma_start3A = arith.constant 0 : i32
      %dma_start3A_15 = arith.constant 0 : i32
      %dma_start3A_16 = tpu.memref_slice %arg5[%arg0, %dma_start3A, %dma_start3A_15] : memref<2x10112x128xf32, #tpu.memory_space<hbm>> -> memref<1x10112x128xf32, #tpu.memory_space<hbm>>
      %dma_start3A_17 = tpu.memref_squeeze %dma_start3A_16 : memref<1x10112x128xf32, #tpu.memory_space<hbm>> -> memref<10112x128xf32, #tpu.memory_space<hbm>>
      %dma_start3A_18 = arith.constant 0 : i32
      %dma_start3A_19 = tpu.memref_slice %dma_start3A_17[%mul3A_14, %dma_start3A_18] : memref<10112x128xf32, #tpu.memory_space<hbm>> -> memref<632x128xf32, #tpu.memory_space<hbm>>
      %dma_start3A_20 = arith.constant 0 : i32
      %dma_start3A_21 = tpu.memref_slice %arg6[%mul3A_12, %dma_start3A_20] : memref<10112x128xf32, #tpu.memory_space<vmem_shared>> -> memref<632x128xf32, #tpu.memory_space<vmem_shared>>
      tpu.enqueue_dma source(%dma_start3A_21 : memref<632x128xf32, #tpu.memory_space<vmem_shared>>) target(%dma_start3A_19 : memref<632x128xf32, #tpu.memory_space<hbm>>) target_semaphore(%run_scoped3A : memref<!tpu.dma_semaphore, #tpu.memory_space<semaphore_mem>>)
      %dma_wait3A = arith.constant 0 : i32
      %dma_wait3A_22 = arith.constant 0 : i32
      %dma_wait3A_23 = tpu.memref_slice %arg5[%arg0, %dma_wait3A, %dma_wait3A_22] : memref<2x10112x128xf32, #tpu.memory_space<hbm>> -> memref<1x10112x128xf32, #tpu.memory_space<hbm>>
      %dma_wait3A_24 = tpu.memref_squeeze %dma_wait3A_23 : memref<1x10112x128xf32, #tpu.memory_space<hbm>> -> memref<10112x128xf32, #tpu.memory_space<hbm>>
      %dma_wait3A_25 = arith.constant 0 : i32
      %dma_wait3A_26 = tpu.memref_slice %dma_wait3A_24[%mul3A_14, %dma_wait3A_25] : memref<10112x128xf32, #tpu.memory_space<hbm>> -> memref<632x128xf32, #tpu.memory_space<hbm>>
      %dma_wait3A_27 = arith.constant 0 : i32
      %dma_wait3A_28 = tpu.memref_slice %arg6[%mul3A_12, %dma_wait3A_27] : memref<10112x128xf32, #tpu.memory_space<vmem_shared>> -> memref<632x128xf32, #tpu.memory_space<vmem_shared>>
      tpu.wait_dma2 semaphore(%run_scoped3A : memref<!tpu.dma_semaphore, #tpu.memory_space<semaphore_mem>>) src(%dma_wait3A_28 : memref<632x128xf32, #tpu.memory_space<vmem_shared>>) dst(%dma_wait3A_26 : memref<632x128xf32, #tpu.memory_space<hbm>>)
      tpu.yield
    }) : () -> ()
    return
  }
}

module attributes {stable_mosaic.version = 14 : i64} {
  func.func @_enc_body(%arg0: i32, %arg1: memref<1000x128xf32, #tpu.memory_space<vmem>>, %arg2: memref<128x128xf32, #tpu.memory_space<vmem>>, %arg3: memref<1x128xf32, #tpu.memory_space<vmem>>, %arg4: memref<1x1xf32, #tpu.memory_space<vmem>>, %arg5: memref<128x128xf32, #tpu.memory_space<vmem>>, %arg6: memref<1x128xf32, #tpu.memory_space<vmem>>, %arg7: memref<1000x128xf32, #tpu.memory_space<vmem>>) attributes {dimension_semantics = [#tpu.dimension_semantics<arbitrary>], iteration_bounds = array<i64: 10>, scalar_prefetch = 0 : i64, scratch_operands = 0 : i64, tpu.core_type = #tpu.core_type<tc>, window_params = [{transform_indices = @transform_0, window_bounds = array<i64: 1000, 128>}, {pipeline_mode = #tpu.pipeline_mode<synchronous>, transform_indices = @transform_1, window_bounds = array<i64: 128, 128>}, {pipeline_mode = #tpu.pipeline_mode<synchronous>, transform_indices = @transform_2, window_bounds = array<i64: 1, 128>}, {pipeline_mode = #tpu.pipeline_mode<synchronous>, transform_indices = @transform_3, window_bounds = array<i64: 1, 1>}, {pipeline_mode = #tpu.pipeline_mode<synchronous>, transform_indices = @transform_4, window_bounds = array<i64: 128, 128>}, {pipeline_mode = #tpu.pipeline_mode<synchronous>, transform_indices = @transform_5, window_bounds = array<i64: 1, 128>}, {transform_indices = @transform_6, window_bounds = array<i64: 1000, 128>}]} {
    %get3A = arith.constant 0 : index
    %get3A_0 = arith.constant 0 : index
    %get3A_1 = vector.load %arg1[%get3A, %get3A_0] : memref<1000x128xf32, #tpu.memory_space<vmem>>, vector<1000x128xf32>
    %get3A_2 = arith.constant 0 : index
    %get3A_3 = arith.constant 0 : index
    %get3A_4 = vector.load %arg2[%get3A_2, %get3A_3] : memref<128x128xf32, #tpu.memory_space<vmem>>, vector<128x128xf32>
    %dot_general3A = arith.constant dense<0.000000e+00> : vector<1000x128xf32>
    %dot_general3A_5 = tpu.matmul %get3A_1, %get3A_4, %dot_general3A {dimension_numbers = #tpu.dot_dimension_numbers<[1], [0], [0], [1], [0, 0, 1, 1], [], []>, transpose_lhs_hint = false} : vector<1000x128xf32>, vector<128x128xf32>, vector<1000x128xf32> -> vector<1000x128xf32>
    %get3A_6 = arith.constant 0 : index
    %get3A_7 = arith.constant 0 : index
    %get3A_8 = vector.load %arg3[%get3A_6, %get3A_7] : memref<1x128xf32, #tpu.memory_space<vmem>>, vector<1x128xf32>
    %add3A = vector.broadcast %get3A_8 : vector<1x128xf32> to vector<1000x128xf32>
    %add3A_9 = arith.addf %dot_general3A_5, %add3A : vector<1000x128xf32>
    %ge3A = arith.constant 0.000000e+00 : f32
    %ge3A_10 = vector.broadcast %ge3A : f32 to vector<1000x128xf32>
    %ge3A_11 = arith.cmpf oge, %add3A_9, %ge3A_10 : vector<1000x128xf32>
    %get3A_12 = arith.constant 0 : index
    %get3A_13 = arith.constant 0 : index
    %get3A_14 = vector.load %arg4[%get3A_12, %get3A_13] : memref<1x1xf32, #tpu.memory_space<vmem>>, vector<1x1xf32>
    %mul3A = vector.broadcast %get3A_14 : vector<1x1xf32> to vector<1000x128xf32>
    %mul3A_15 = arith.mulf %mul3A, %add3A_9 : vector<1000x128xf32>
    %select_n3A = arith.select %ge3A_11, %add3A_9, %mul3A_15 : vector<1000x128xi1>, vector<1000x128xf32>
    %get3A_16 = arith.constant 0 : index
    %get3A_17 = arith.constant 0 : index
    %get3A_18 = vector.load %arg5[%get3A_16, %get3A_17] : memref<128x128xf32, #tpu.memory_space<vmem>>, vector<128x128xf32>
    %dot_general3A_19 = arith.constant dense<0.000000e+00> : vector<1000x128xf32>
    %dot_general3A_20 = tpu.matmul %select_n3A, %get3A_18, %dot_general3A_19 {dimension_numbers = #tpu.dot_dimension_numbers<[1], [0], [0], [1], [0, 0, 1, 1], [], []>, transpose_lhs_hint = false} : vector<1000x128xf32>, vector<128x128xf32>, vector<1000x128xf32> -> vector<1000x128xf32>
    %get3A_21 = arith.constant 0 : index
    %get3A_22 = arith.constant 0 : index
    %get3A_23 = vector.load %arg6[%get3A_21, %get3A_22] : memref<1x128xf32, #tpu.memory_space<vmem>>, vector<1x128xf32>
    %add3A_24 = vector.broadcast %get3A_23 : vector<1x128xf32> to vector<1000x128xf32>
    %add3A_25 = arith.addf %dot_general3A_20, %add3A_24 : vector<1000x128xf32>
    %swap3A = arith.constant 0 : index
    %swap3A_26 = arith.constant 0 : index
    %swap3A_27 = vector.load %arg7[%swap3A, %swap3A_26] : memref<1000x128xf32, #tpu.memory_space<vmem>>, vector<1000x128xf32>
    tpu.vector_store %arg7[%swap3A, %swap3A_26], %add3A_25 {strides = array<i32>} : memref<1000x128xf32, #tpu.memory_space<vmem>>, vector<1000x128xf32>,
    return
  }
  func.func @transform_0(%arg0: i32) -> (i32, i32) {
    %c0_i32 = arith.constant 0 : i32
    %c0_i32_0 = arith.constant 0 : i32
    return %arg0, %c0_i32 : i32, i32
  }
  func.func @transform_1(%arg0: i32) -> (i32, i32) {
    %c0_i32 = arith.constant 0 : i32
    %c0_i32_0 = arith.constant 0 : i32
    %c0_i32_1 = arith.constant 0 : i32
    return %c0_i32, %c0_i32_0 : i32, i32
  }
  func.func @transform_2(%arg0: i32) -> (i32, i32) {
    %c0_i32 = arith.constant 0 : i32
    %c0_i32_0 = arith.constant 0 : i32
    %c0_i32_1 = arith.constant 0 : i32
    return %c0_i32, %c0_i32_0 : i32, i32
  }
  func.func @transform_3(%arg0: i32) -> (i32, i32) {
    %c0_i32 = arith.constant 0 : i32
    %c0_i32_0 = arith.constant 0 : i32
    %c0_i32_1 = arith.constant 0 : i32
    return %c0_i32, %c0_i32_0 : i32, i32
  }
  func.func @transform_4(%arg0: i32) -> (i32, i32) {
    %c0_i32 = arith.constant 0 : i32
    %c0_i32_0 = arith.constant 0 : i32
    %c0_i32_1 = arith.constant 0 : i32
    return %c0_i32, %c0_i32_0 : i32, i32
  }
  func.func @transform_5(%arg0: i32) -> (i32, i32) {
    %c0_i32 = arith.constant 0 : i32
    %c0_i32_0 = arith.constant 0 : i32
    %c0_i32_1 = arith.constant 0 : i32
    return %c0_i32, %c0_i32_0 : i32, i32
  }
  func.func @transform_6(%arg0: i32) -> (i32, i32) {
    %c0_i32 = arith.constant 0 : i32
    %c0_i32_0 = arith.constant 0 : i32
    return %arg0, %c0_i32 : i32, i32
  }
}

module attributes {stable_mosaic.version = 14 : i64} {
  func.func @_enc_body(%arg0: i32, %arg1: memref<2000x16xf32, #tpu.memory_space<vmem>>, %arg2: memref<16x128xf32, #tpu.memory_space<vmem>>, %arg3: memref<1x128xf32, #tpu.memory_space<vmem>>, %arg4: memref<1x1xf32, #tpu.memory_space<vmem>>, %arg5: memref<128x128xf32, #tpu.memory_space<vmem>>, %arg6: memref<1x128xf32, #tpu.memory_space<vmem>>, %arg7: memref<2000x128xf32, #tpu.memory_space<vmem>>) attributes {dimension_semantics = [#tpu.dimension_semantics<arbitrary>], iteration_bounds = array<i64: 160>, scalar_prefetch = 0 : i64, scratch_operands = 0 : i64, tpu.core_type = #tpu.core_type<tc>, window_params = [{transform_indices = @transform_0, window_bounds = array<i64: 2000, 16>}, {pipeline_mode = #tpu.pipeline_mode<synchronous>, transform_indices = @transform_1, window_bounds = array<i64: 16, 128>}, {pipeline_mode = #tpu.pipeline_mode<synchronous>, transform_indices = @transform_2, window_bounds = array<i64: 1, 128>}, {pipeline_mode = #tpu.pipeline_mode<synchronous>, transform_indices = @transform_3, window_bounds = array<i64: 1, 1>}, {pipeline_mode = #tpu.pipeline_mode<synchronous>, transform_indices = @transform_4, window_bounds = array<i64: 128, 128>}, {pipeline_mode = #tpu.pipeline_mode<synchronous>, transform_indices = @transform_5, window_bounds = array<i64: 1, 128>}, {transform_indices = @transform_6, window_bounds = array<i64: 2000, 128>}]} {
    %get3A = arith.constant 0 : index
    %get3A_0 = arith.constant 0 : index
    %get3A_1 = vector.load %arg1[%get3A, %get3A_0] : memref<2000x16xf32, #tpu.memory_space<vmem>>, vector<2000x16xf32>
    %get3A_2 = arith.constant 0 : index
    %get3A_3 = arith.constant 0 : index
    %get3A_4 = vector.load %arg2[%get3A_2, %get3A_3] : memref<16x128xf32, #tpu.memory_space<vmem>>, vector<16x128xf32>
    %dot_general3A = arith.constant dense<0.000000e+00> : vector<2000x128xf32>
    %dot_general3A_5 = tpu.matmul %get3A_1, %get3A_4, %dot_general3A {dimension_numbers = #tpu.dot_dimension_numbers<[1], [0], [0], [1], [0, 0, 1, 1], [], []>, transpose_lhs_hint = false} : vector<2000x16xf32>, vector<16x128xf32>, vector<2000x128xf32> -> vector<2000x128xf32>
    %get3A_6 = arith.constant 0 : index
    %get3A_7 = arith.constant 0 : index
    %get3A_8 = vector.load %arg3[%get3A_6, %get3A_7] : memref<1x128xf32, #tpu.memory_space<vmem>>, vector<1x128xf32>
    %add3A = vector.broadcast %get3A_8 : vector<1x128xf32> to vector<2000x128xf32>
    %add3A_9 = arith.addf %dot_general3A_5, %add3A : vector<2000x128xf32>
    %ge3A = arith.constant 0.000000e+00 : f32
    %ge3A_10 = vector.broadcast %ge3A : f32 to vector<2000x128xf32>
    %ge3A_11 = arith.cmpf oge, %add3A_9, %ge3A_10 : vector<2000x128xf32>
    %get3A_12 = arith.constant 0 : index
    %get3A_13 = arith.constant 0 : index
    %get3A_14 = vector.load %arg4[%get3A_12, %get3A_13] : memref<1x1xf32, #tpu.memory_space<vmem>>, vector<1x1xf32>
    %mul3A = vector.broadcast %get3A_14 : vector<1x1xf32> to vector<2000x128xf32>
    %mul3A_15 = arith.mulf %mul3A, %add3A_9 : vector<2000x128xf32>
    %select_n3A = arith.select %ge3A_11, %add3A_9, %mul3A_15 : vector<2000x128xi1>, vector<2000x128xf32>
    %get3A_16 = arith.constant 0 : index
    %get3A_17 = arith.constant 0 : index
    %get3A_18 = vector.load %arg5[%get3A_16, %get3A_17] : memref<128x128xf32, #tpu.memory_space<vmem>>, vector<128x128xf32>
    %dot_general3A_19 = arith.constant dense<0.000000e+00> : vector<2000x128xf32>
    %dot_general3A_20 = tpu.matmul %select_n3A, %get3A_18, %dot_general3A_19 {dimension_numbers = #tpu.dot_dimension_numbers<[1], [0], [0], [1], [0, 0, 1, 1], [], []>, transpose_lhs_hint = false} : vector<2000x128xf32>, vector<128x128xf32>, vector<2000x128xf32> -> vector<2000x128xf32>
    %get3A_21 = arith.constant 0 : index
    %get3A_22 = arith.constant 0 : index
    %get3A_23 = vector.load %arg6[%get3A_21, %get3A_22] : memref<1x128xf32, #tpu.memory_space<vmem>>, vector<1x128xf32>
    %add3A_24 = vector.broadcast %get3A_23 : vector<1x128xf32> to vector<2000x128xf32>
    %add3A_25 = arith.addf %dot_general3A_20, %add3A_24 : vector<2000x128xf32>
    %swap3A = arith.constant 0 : index
    %swap3A_26 = arith.constant 0 : index
    %swap3A_27 = vector.load %arg7[%swap3A, %swap3A_26] : memref<2000x128xf32, #tpu.memory_space<vmem>>, vector<2000x128xf32>
    tpu.vector_store %arg7[%swap3A, %swap3A_26], %add3A_25 {strides = array<i32>} : memref<2000x128xf32, #tpu.memory_space<vmem>>, vector<2000x128xf32>,
    return
  }
  func.func @transform_0(%arg0: i32) -> (i32, i32) {
    %c0_i32 = arith.constant 0 : i32
    %c0_i32_0 = arith.constant 0 : i32
    return %arg0, %c0_i32 : i32, i32
  }
  func.func @transform_1(%arg0: i32) -> (i32, i32) {
    %c0_i32 = arith.constant 0 : i32
    %c0_i32_0 = arith.constant 0 : i32
    %c0_i32_1 = arith.constant 0 : i32
    return %c0_i32, %c0_i32_0 : i32, i32
  }
  func.func @transform_2(%arg0: i32) -> (i32, i32) {
    %c0_i32 = arith.constant 0 : i32
    %c0_i32_0 = arith.constant 0 : i32
    %c0_i32_1 = arith.constant 0 : i32
    return %c0_i32, %c0_i32_0 : i32, i32
  }
  func.func @transform_3(%arg0: i32) -> (i32, i32) {
    %c0_i32 = arith.constant 0 : i32
    %c0_i32_0 = arith.constant 0 : i32
    %c0_i32_1 = arith.constant 0 : i32
    return %c0_i32, %c0_i32_0 : i32, i32
  }
  func.func @transform_4(%arg0: i32) -> (i32, i32) {
    %c0_i32 = arith.constant 0 : i32
    %c0_i32_0 = arith.constant 0 : i32
    %c0_i32_1 = arith.constant 0 : i32
    return %c0_i32, %c0_i32_0 : i32, i32
  }
  func.func @transform_5(%arg0: i32) -> (i32, i32) {
    %c0_i32 = arith.constant 0 : i32
    %c0_i32_0 = arith.constant 0 : i32
    %c0_i32_1 = arith.constant 0 : i32
    return %c0_i32, %c0_i32_0 : i32, i32
  }
  func.func @transform_6(%arg0: i32) -> (i32, i32) {
    %c0_i32 = arith.constant 0 : i32
    %c0_i32_0 = arith.constant 0 : i32
    return %arg0, %c0_i32 : i32, i32
  }
}

module attributes {stable_mosaic.version = 14 : i64} {
  func.func @_edge_body(%arg0: i32, %arg1: memref<512x128xf32, #tpu.memory_space<vmem>>, %arg2: memref<512x128xf32, #tpu.memory_space<vmem>>, %arg3: memref<512x128xf32, #tpu.memory_space<vmem>>, %arg4: memref<128x256xf32, #tpu.memory_space<vmem>>, %arg5: memref<128x256xf32, #tpu.memory_space<vmem>>, %arg6: memref<128x256xf32, #tpu.memory_space<vmem>>, %arg7: memref<1x256xf32, #tpu.memory_space<vmem>>, %arg8: memref<1x256xf32, #tpu.memory_space<vmem>>, %arg9: memref<1x256xf32, #tpu.memory_space<vmem>>, %arg10: memref<1x1xf32, #tpu.memory_space<vmem>>, %arg11: memref<256x128xf32, #tpu.memory_space<vmem>>, %arg12: memref<1x128xf32, #tpu.memory_space<vmem>>, %arg13: memref<512x128xf32, #tpu.memory_space<vmem>>, %arg14: memref<512x128xf32, #tpu.memory_space<vmem>>) attributes {dimension_semantics = [#tpu.dimension_semantics<arbitrary>], iteration_bounds = array<i64: 625>, scalar_prefetch = 0 : i64, scratch_operands = 0 : i64, tpu.core_type = #tpu.core_type<tc>, window_params = [{transform_indices = @transform_0, window_bounds = array<i64: 512, 128>}, {transform_indices = @transform_1, window_bounds = array<i64: 512, 128>}, {transform_indices = @transform_2, window_bounds = array<i64: 512, 128>}, {pipeline_mode = #tpu.pipeline_mode<synchronous>, transform_indices = @transform_3, window_bounds = array<i64: 128, 256>}, {pipeline_mode = #tpu.pipeline_mode<synchronous>, transform_indices = @transform_4, window_bounds = array<i64: 128, 256>}, {pipeline_mode = #tpu.pipeline_mode<synchronous>, transform_indices = @transform_5, window_bounds = array<i64: 128, 256>}, {pipeline_mode = #tpu.pipeline_mode<synchronous>, transform_indices = @transform_6, window_bounds = array<i64: 1, 256>}, {pipeline_mode = #tpu.pipeline_mode<synchronous>, transform_indices = @transform_7, window_bounds = array<i64: 1, 256>}, {pipeline_mode = #tpu.pipeline_mode<synchronous>, transform_indices = @transform_8, window_bounds = array<i64: 1, 256>}, {pipeline_mode = #tpu.pipeline_mode<synchronous>, transform_indices = @transform_9, window_bounds = array<i64: 1, 1>}, {pipeline_mode = #tpu.pipeline_mode<synchronous>, transform_indices = @transform_10, window_bounds = array<i64: 256, 128>}, {pipeline_mode = #tpu.pipeline_mode<synchronous>, transform_indices = @transform_11, window_bounds = array<i64: 1, 128>}, {transform_indices = @transform_12, window_bounds = array<i64: 512, 128>}, {transform_indices = @transform_13, window_bounds = array<i64: 512, 128>}]} {
    %get3A = arith.constant 0 : index
    %get3A_0 = arith.constant 0 : index
    %get3A_1 = vector.load %arg1[%get3A, %get3A_0] : memref<512x128xf32, #tpu.memory_space<vmem>>, vector<512x128xf32>
    %get3A_2 = arith.constant 0 : index
    %get3A_3 = arith.constant 0 : index
    %get3A_4 = vector.load %arg4[%get3A_2, %get3A_3] : memref<128x256xf32, #tpu.memory_space<vmem>>, vector<128x256xf32>
    %dot_general3A = arith.constant dense<0.000000e+00> : vector<512x256xf32>
    %dot_general3A_5 = tpu.matmul %get3A_1, %get3A_4, %dot_general3A {dimension_numbers = #tpu.dot_dimension_numbers<[1], [0], [0], [1], [0, 0, 1, 1], [], []>, transpose_lhs_hint = false} : vector<512x128xf32>, vector<128x256xf32>, vector<512x256xf32> -> vector<512x256xf32>
    %get3A_6 = arith.constant 0 : index
    %get3A_7 = arith.constant 0 : index
    %get3A_8 = vector.load %arg2[%get3A_6, %get3A_7] : memref<512x128xf32, #tpu.memory_space<vmem>>, vector<512x128xf32>
    %get3A_9 = arith.constant 0 : index
    %get3A_10 = arith.constant 0 : index
    %get3A_11 = vector.load %arg5[%get3A_9, %get3A_10] : memref<128x256xf32, #tpu.memory_space<vmem>>, vector<128x256xf32>
    %dot_general3A_12 = arith.constant dense<0.000000e+00> : vector<512x256xf32>
    %dot_general3A_13 = tpu.matmul %get3A_8, %get3A_11, %dot_general3A_12 {dimension_numbers = #tpu.dot_dimension_numbers<[1], [0], [0], [1], [0, 0, 1, 1], [], []>, transpose_lhs_hint = false} : vector<512x128xf32>, vector<128x256xf32>, vector<512x256xf32> -> vector<512x256xf32>
    %add3A = arith.addf %dot_general3A_5, %dot_general3A_13 : vector<512x256xf32>
    %get3A_14 = arith.constant 0 : index
    %get3A_15 = arith.constant 0 : index
    %get3A_16 = vector.load %arg3[%get3A_14, %get3A_15] : memref<512x128xf32, #tpu.memory_space<vmem>>, vector<512x128xf32>
    %get3A_17 = arith.constant 0 : index
    %get3A_18 = arith.constant 0 : index
    %get3A_19 = vector.load %arg6[%get3A_17, %get3A_18] : memref<128x256xf32, #tpu.memory_space<vmem>>, vector<128x256xf32>
    %dot_general3A_20 = arith.constant dense<0.000000e+00> : vector<512x256xf32>
    %dot_general3A_21 = tpu.matmul %get3A_16, %get3A_19, %dot_general3A_20 {dimension_numbers = #tpu.dot_dimension_numbers<[1], [0], [0], [1], [0, 0, 1, 1], [], []>, transpose_lhs_hint = false} : vector<512x128xf32>, vector<128x256xf32>, vector<512x256xf32> -> vector<512x256xf32>
    %add3A_22 = arith.addf %add3A, %dot_general3A_21 : vector<512x256xf32>
    %get3A_23 = arith.constant 0 : index
    %get3A_24 = arith.constant 0 : index
    %get3A_25 = vector.load %arg7[%get3A_23, %get3A_24] : memref<1x256xf32, #tpu.memory_space<vmem>>, vector<1x256xf32>
    %add3A_26 = vector.broadcast %get3A_25 : vector<1x256xf32> to vector<512x256xf32>
    %add3A_27 = arith.addf %add3A_22, %add3A_26 : vector<512x256xf32>
    %get3A_28 = arith.constant 0 : index
    %get3A_29 = arith.constant 0 : index
    %get3A_30 = vector.load %arg8[%get3A_28, %get3A_29] : memref<1x256xf32, #tpu.memory_space<vmem>>, vector<1x256xf32>
    %get3A_31 = arith.constant 0 : index
    %get3A_32 = arith.constant 0 : index
    %get3A_33 = vector.load %arg9[%get3A_31, %get3A_32] : memref<1x256xf32, #tpu.memory_space<vmem>>, vector<1x256xf32>
    %get3A_34 = arith.constant 0 : index
    %get3A_35 = arith.constant 0 : index
    %get3A_36 = vector.load %arg10[%get3A_34, %get3A_35] : memref<1x1xf32, #tpu.memory_space<vmem>>, vector<1x1xf32>
    %reduce_sum3A = arith.constant dense<0.000000e+00> : vector<512xf32>
    %reduce_sum3A_37 = vector.multi_reduction <add>, %add3A_27, %reduce_sum3A [1] : vector<512x256xf32> to vector<512xf32>
    %broadcast_in_dim3A = vector.shape_cast %reduce_sum3A_37 : vector<512xf32> to vector<512x1xf32>
    %div3A = arith.constant 2.560000e+02 : f32
    %div3A_38 = vector.broadcast %div3A : f32 to vector<512x1xf32>
    %div3A_39 = arith.divf %broadcast_in_dim3A, %div3A_38 : vector<512x1xf32>
    %sub3A = vector.broadcast %div3A_39 : vector<512x1xf32> to vector<512x256xf32>
    %sub3A_40 = arith.subf %add3A_27, %sub3A : vector<512x256xf32>
    %integer_pow3A = arith.mulf %sub3A_40, %sub3A_40 : vector<512x256xf32>
    %reduce_sum3A_41 = arith.constant dense<0.000000e+00> : vector<512xf32>
    %reduce_sum3A_42 = vector.multi_reduction <add>, %integer_pow3A, %reduce_sum3A_41 [1] : vector<512x256xf32> to vector<512xf32>
    %broadcast_in_dim3A_43 = vector.shape_cast %reduce_sum3A_42 : vector<512xf32> to vector<512x1xf32>
    %div3A_44 = arith.constant 2.560000e+02 : f32
    %div3A_45 = vector.broadcast %div3A_44 : f32 to vector<512x1xf32>
    %div3A_46 = arith.divf %broadcast_in_dim3A_43, %div3A_45 : vector<512x1xf32>
    %sub3A_47 = vector.broadcast %div3A_39 : vector<512x1xf32> to vector<512x256xf32>
    %sub3A_48 = arith.subf %add3A_27, %sub3A_47 : vector<512x256xf32>
    %add3A_49 = arith.constant 9.99999974E-6 : f32
    %add3A_50 = vector.broadcast %add3A_49 : f32 to vector<512x1xf32>
    %add3A_51 = arith.addf %div3A_46, %add3A_50 : vector<512x1xf32>
    %rsqrt3A = math.rsqrt %add3A_51 : vector<512x1xf32>
    %mul3A = vector.broadcast %rsqrt3A : vector<512x1xf32> to vector<512x256xf32>
    %mul3A_52 = arith.mulf %sub3A_48, %mul3A : vector<512x256xf32>
    %mul3A_53 = vector.broadcast %get3A_30 : vector<1x256xf32> to vector<512x256xf32>
    %mul3A_54 = arith.mulf %mul3A_52, %mul3A_53 : vector<512x256xf32>
    %add3A_55 = vector.broadcast %get3A_33 : vector<1x256xf32> to vector<512x256xf32>
    %add3A_56 = arith.addf %mul3A_54, %add3A_55 : vector<512x256xf32>
    %ge3A = arith.constant 0.000000e+00 : f32
    %ge3A_57 = vector.broadcast %ge3A : f32 to vector<512x256xf32>
    %ge3A_58 = arith.cmpf oge, %add3A_56, %ge3A_57 : vector<512x256xf32>
    %mul3A_59 = vector.broadcast %get3A_36 : vector<1x1xf32> to vector<512x256xf32>
    %mul3A_60 = arith.mulf %mul3A_59, %add3A_56 : vector<512x256xf32>
    %select_n3A = arith.select %ge3A_58, %add3A_56, %mul3A_60 : vector<512x256xi1>, vector<512x256xf32>
    %get3A_61 = arith.constant 0 : index
    %get3A_62 = arith.constant 0 : index
    %get3A_63 = vector.load %arg11[%get3A_61, %get3A_62] : memref<256x128xf32, #tpu.memory_space<vmem>>, vector<256x128xf32>
    %dot_general3A_64 = arith.constant dense<0.000000e+00> : vector<512x128xf32>
    %dot_general3A_65 = tpu.matmul %select_n3A, %get3A_63, %dot_general3A_64 {dimension_numbers = #tpu.dot_dimension_numbers<[1], [0], [0], [1], [0, 0, 1, 1], [], []>, transpose_lhs_hint = false} : vector<512x256xf32>, vector<256x128xf32>, vector<512x128xf32> -> vector<512x128xf32>
    %get3A_66 = arith.constant 0 : index
    %get3A_67 = arith.constant 0 : index
    %get3A_68 = vector.load %arg12[%get3A_66, %get3A_67] : memref<1x128xf32, #tpu.memory_space<vmem>>, vector<1x128xf32>
    %add3A_69 = vector.broadcast %get3A_68 : vector<1x128xf32> to vector<512x128xf32>
    %add3A_70 = arith.addf %dot_general3A_65, %add3A_69 : vector<512x128xf32>
    %swap3A = arith.constant 0 : index
    %swap3A_71 = arith.constant 0 : index
    %swap3A_72 = vector.load %arg13[%swap3A, %swap3A_71] : memref<512x128xf32, #tpu.memory_space<vmem>>, vector<512x128xf32>
    tpu.vector_store %arg13[%swap3A, %swap3A_71], %add3A_70 {strides = array<i32>} : memref<512x128xf32, #tpu.memory_space<vmem>>, vector<512x128xf32>,
    %get3A_73 = arith.constant 0 : index
    %get3A_74 = arith.constant 0 : index
    %get3A_75 = vector.load %arg3[%get3A_73, %get3A_74] : memref<512x128xf32, #tpu.memory_space<vmem>>, vector<512x128xf32>
    %add3A_76 = arith.addf %get3A_75, %add3A_70 : vector<512x128xf32>
    %swap3A_77 = arith.constant 0 : index
    %swap3A_78 = arith.constant 0 : index
    %swap3A_79 = vector.load %arg14[%swap3A_77, %swap3A_78] : memref<512x128xf32, #tpu.memory_space<vmem>>, vector<512x128xf32>
    tpu.vector_store %arg14[%swap3A_77, %swap3A_78], %add3A_76 {strides = array<i32>} : memref<512x128xf32, #tpu.memory_space<vmem>>, vector<512x128xf32>,
    return
  }
  func.func @transform_0(%arg0: i32) -> (i32, i32) {
    %c0_i32 = arith.constant 0 : i32
    %c0_i32_0 = arith.constant 0 : i32
    return %arg0, %c0_i32 : i32, i32
  }
  func.func @transform_1(%arg0: i32) -> (i32, i32) {
    %c0_i32 = arith.constant 0 : i32
    %c0_i32_0 = arith.constant 0 : i32
    return %arg0, %c0_i32 : i32, i32
  }
  func.func @transform_2(%arg0: i32) -> (i32, i32) {
    %c0_i32 = arith.constant 0 : i32
    %c0_i32_0 = arith.constant 0 : i32
    return %arg0, %c0_i32 : i32, i32
  }
  func.func @transform_3(%arg0: i32) -> (i32, i32) {
    %c0_i32 = arith.constant 0 : i32
    %c0_i32_0 = arith.constant 0 : i32
    %c0_i32_1 = arith.constant 0 : i32
    return %c0_i32, %c0_i32_0 : i32, i32
  }
  func.func @transform_4(%arg0: i32) -> (i32, i32) {
    %c0_i32 = arith.constant 0 : i32
    %c0_i32_0 = arith.constant 0 : i32
    %c0_i32_1 = arith.constant 0 : i32
    return %c0_i32, %c0_i32_0 : i32, i32
  }
  func.func @transform_5(%arg0: i32) -> (i32, i32) {
    %c0_i32 = arith.constant 0 : i32
    %c0_i32_0 = arith.constant 0 : i32
    %c0_i32_1 = arith.constant 0 : i32
    return %c0_i32, %c0_i32_0 : i32, i32
  }
  func.func @transform_6(%arg0: i32) -> (i32, i32) {
    %c0_i32 = arith.constant 0 : i32
    %c0_i32_0 = arith.constant 0 : i32
    %c0_i32_1 = arith.constant 0 : i32
    return %c0_i32, %c0_i32_0 : i32, i32
  }
  func.func @transform_7(%arg0: i32) -> (i32, i32) {
    %c0_i32 = arith.constant 0 : i32
    %c0_i32_0 = arith.constant 0 : i32
    %c0_i32_1 = arith.constant 0 : i32
    return %c0_i32, %c0_i32_0 : i32, i32
  }
  func.func @transform_8(%arg0: i32) -> (i32, i32) {
    %c0_i32 = arith.constant 0 : i32
    %c0_i32_0 = arith.constant 0 : i32
    %c0_i32_1 = arith.constant 0 : i32
    return %c0_i32, %c0_i32_0 : i32, i32
  }
  func.func @transform_9(%arg0: i32) -> (i32, i32) {
    %c0_i32 = arith.constant 0 : i32
    %c0_i32_0 = arith.constant 0 : i32
    %c0_i32_1 = arith.constant 0 : i32
    return %c0_i32, %c0_i32_0 : i32, i32
  }
  func.func @transform_10(%arg0: i32) -> (i32, i32) {
    %c0_i32 = arith.constant 0 : i32
    %c0_i32_0 = arith.constant 0 : i32
    %c0_i32_1 = arith.constant 0 : i32
    return %c0_i32, %c0_i32_0 : i32, i32
  }
  func.func @transform_11(%arg0: i32) -> (i32, i32) {
    %c0_i32 = arith.constant 0 : i32
    %c0_i32_0 = arith.constant 0 : i32
    %c0_i32_1 = arith.constant 0 : i32
    return %c0_i32, %c0_i32_0 : i32, i32
  }
  func.func @transform_12(%arg0: i32) -> (i32, i32) {
    %c0_i32 = arith.constant 0 : i32
    %c0_i32_0 = arith.constant 0 : i32
    return %arg0, %c0_i32 : i32, i32
  }
  func.func @transform_13(%arg0: i32) -> (i32, i32) {
    %c0_i32 = arith.constant 0 : i32
    %c0_i32_0 = arith.constant 0 : i32
    return %arg0, %c0_i32 : i32, i32
  }
}

module attributes {stable_mosaic.version = 14 : i64} {
  func.func @_node_body(%arg0: i32, %arg1: memref<1000x128xf32, #tpu.memory_space<vmem>>, %arg2: memref<1000x128xf32, #tpu.memory_space<vmem>>, %arg3: memref<1000x128xf32, #tpu.memory_space<vmem>>, %arg4: memref<128x256xf32, #tpu.memory_space<vmem>>, %arg5: memref<128x256xf32, #tpu.memory_space<vmem>>, %arg6: memref<1x256xf32, #tpu.memory_space<vmem>>, %arg7: memref<1x256xf32, #tpu.memory_space<vmem>>, %arg8: memref<1x256xf32, #tpu.memory_space<vmem>>, %arg9: memref<1x1xf32, #tpu.memory_space<vmem>>, %arg10: memref<256x128xf32, #tpu.memory_space<vmem>>, %arg11: memref<1x128xf32, #tpu.memory_space<vmem>>, %arg12: memref<1000x128xf32, #tpu.memory_space<vmem>>) attributes {dimension_semantics = [#tpu.dimension_semantics<arbitrary>], iteration_bounds = array<i64: 10>, scalar_prefetch = 0 : i64, scratch_operands = 0 : i64, tpu.core_type = #tpu.core_type<tc>, window_params = [{transform_indices = @transform_0, window_bounds = array<i64: 1000, 128>}, {transform_indices = @transform_1, window_bounds = array<i64: 1000, 128>}, {transform_indices = @transform_2, window_bounds = array<i64: 1000, 128>}, {pipeline_mode = #tpu.pipeline_mode<synchronous>, transform_indices = @transform_3, window_bounds = array<i64: 128, 256>}, {pipeline_mode = #tpu.pipeline_mode<synchronous>, transform_indices = @transform_4, window_bounds = array<i64: 128, 256>}, {pipeline_mode = #tpu.pipeline_mode<synchronous>, transform_indices = @transform_5, window_bounds = array<i64: 1, 256>}, {pipeline_mode = #tpu.pipeline_mode<synchronous>, transform_indices = @transform_6, window_bounds = array<i64: 1, 256>}, {pipeline_mode = #tpu.pipeline_mode<synchronous>, transform_indices = @transform_7, window_bounds = array<i64: 1, 256>}, {pipeline_mode = #tpu.pipeline_mode<synchronous>, transform_indices = @transform_8, window_bounds = array<i64: 1, 1>}, {pipeline_mode = #tpu.pipeline_mode<synchronous>, transform_indices = @transform_9, window_bounds = array<i64: 256, 128>}, {pipeline_mode = #tpu.pipeline_mode<synchronous>, transform_indices = @transform_10, window_bounds = array<i64: 1, 128>}, {transform_indices = @transform_11, window_bounds = array<i64: 1000, 128>}]} {
    %get3A = arith.constant 0 : index
    %get3A_0 = arith.constant 0 : index
    %get3A_1 = vector.load %arg2[%get3A, %get3A_0] : memref<1000x128xf32, #tpu.memory_space<vmem>>, vector<1000x128xf32>
    %get3A_2 = arith.constant 0 : index
    %get3A_3 = arith.constant 0 : index
    %get3A_4 = vector.load %arg3[%get3A_2, %get3A_3] : memref<1000x128xf32, #tpu.memory_space<vmem>>, vector<1000x128xf32>
    %add3A = arith.addf %get3A_1, %get3A_4 : vector<1000x128xf32>
    %get3A_5 = arith.constant 0 : index
    %get3A_6 = arith.constant 0 : index
    %get3A_7 = vector.load %arg1[%get3A_5, %get3A_6] : memref<1000x128xf32, #tpu.memory_space<vmem>>, vector<1000x128xf32>
    %get3A_8 = arith.constant 0 : index
    %get3A_9 = arith.constant 0 : index
    %get3A_10 = vector.load %arg4[%get3A_8, %get3A_9] : memref<128x256xf32, #tpu.memory_space<vmem>>, vector<128x256xf32>
    %dot_general3A = arith.constant dense<0.000000e+00> : vector<1000x256xf32>
    %dot_general3A_11 = tpu.matmul %get3A_7, %get3A_10, %dot_general3A {dimension_numbers = #tpu.dot_dimension_numbers<[1], [0], [0], [1], [0, 0, 1, 1], [], []>, transpose_lhs_hint = false} : vector<1000x128xf32>, vector<128x256xf32>, vector<1000x256xf32> -> vector<1000x256xf32>
    %get3A_12 = arith.constant 0 : index
    %get3A_13 = arith.constant 0 : index
    %get3A_14 = vector.load %arg5[%get3A_12, %get3A_13] : memref<128x256xf32, #tpu.memory_space<vmem>>, vector<128x256xf32>
    %dot_general3A_15 = arith.constant dense<0.000000e+00> : vector<1000x256xf32>
    %dot_general3A_16 = tpu.matmul %add3A, %get3A_14, %dot_general3A_15 {dimension_numbers = #tpu.dot_dimension_numbers<[1], [0], [0], [1], [0, 0, 1, 1], [], []>, transpose_lhs_hint = false} : vector<1000x128xf32>, vector<128x256xf32>, vector<1000x256xf32> -> vector<1000x256xf32>
    %add3A_17 = arith.addf %dot_general3A_11, %dot_general3A_16 : vector<1000x256xf32>
    %get3A_18 = arith.constant 0 : index
    %get3A_19 = arith.constant 0 : index
    %get3A_20 = vector.load %arg6[%get3A_18, %get3A_19] : memref<1x256xf32, #tpu.memory_space<vmem>>, vector<1x256xf32>
    %add3A_21 = vector.broadcast %get3A_20 : vector<1x256xf32> to vector<1000x256xf32>
    %add3A_22 = arith.addf %add3A_17, %add3A_21 : vector<1000x256xf32>
    %get3A_23 = arith.constant 0 : index
    %get3A_24 = arith.constant 0 : index
    %get3A_25 = vector.load %arg7[%get3A_23, %get3A_24] : memref<1x256xf32, #tpu.memory_space<vmem>>, vector<1x256xf32>
    %get3A_26 = arith.constant 0 : index
    %get3A_27 = arith.constant 0 : index
    %get3A_28 = vector.load %arg8[%get3A_26, %get3A_27] : memref<1x256xf32, #tpu.memory_space<vmem>>, vector<1x256xf32>
    %get3A_29 = arith.constant 0 : index
    %get3A_30 = arith.constant 0 : index
    %get3A_31 = vector.load %arg9[%get3A_29, %get3A_30] : memref<1x1xf32, #tpu.memory_space<vmem>>, vector<1x1xf32>
    %reduce_sum3A = arith.constant dense<0.000000e+00> : vector<1000xf32>
    %reduce_sum3A_32 = vector.multi_reduction <add>, %add3A_22, %reduce_sum3A [1] : vector<1000x256xf32> to vector<1000xf32>
    %broadcast_in_dim3A = vector.shape_cast %reduce_sum3A_32 : vector<1000xf32> to vector<1000x1xf32>
    %div3A = arith.constant 2.560000e+02 : f32
    %div3A_33 = vector.broadcast %div3A : f32 to vector<1000x1xf32>
    %div3A_34 = arith.divf %broadcast_in_dim3A, %div3A_33 : vector<1000x1xf32>
    %sub3A = vector.broadcast %div3A_34 : vector<1000x1xf32> to vector<1000x256xf32>
    %sub3A_35 = arith.subf %add3A_22, %sub3A : vector<1000x256xf32>
    %integer_pow3A = arith.mulf %sub3A_35, %sub3A_35 : vector<1000x256xf32>
    %reduce_sum3A_36 = arith.constant dense<0.000000e+00> : vector<1000xf32>
    %reduce_sum3A_37 = vector.multi_reduction <add>, %integer_pow3A, %reduce_sum3A_36 [1] : vector<1000x256xf32> to vector<1000xf32>
    %broadcast_in_dim3A_38 = vector.shape_cast %reduce_sum3A_37 : vector<1000xf32> to vector<1000x1xf32>
    %div3A_39 = arith.constant 2.560000e+02 : f32
    %div3A_40 = vector.broadcast %div3A_39 : f32 to vector<1000x1xf32>
    %div3A_41 = arith.divf %broadcast_in_dim3A_38, %div3A_40 : vector<1000x1xf32>
    %sub3A_42 = vector.broadcast %div3A_34 : vector<1000x1xf32> to vector<1000x256xf32>
    %sub3A_43 = arith.subf %add3A_22, %sub3A_42 : vector<1000x256xf32>
    %add3A_44 = arith.constant 9.99999974E-6 : f32
    %add3A_45 = vector.broadcast %add3A_44 : f32 to vector<1000x1xf32>
    %add3A_46 = arith.addf %div3A_41, %add3A_45 : vector<1000x1xf32>
    %rsqrt3A = math.rsqrt %add3A_46 : vector<1000x1xf32>
    %mul3A = vector.broadcast %rsqrt3A : vector<1000x1xf32> to vector<1000x256xf32>
    %mul3A_47 = arith.mulf %sub3A_43, %mul3A : vector<1000x256xf32>
    %mul3A_48 = vector.broadcast %get3A_25 : vector<1x256xf32> to vector<1000x256xf32>
    %mul3A_49 = arith.mulf %mul3A_47, %mul3A_48 : vector<1000x256xf32>
    %add3A_50 = vector.broadcast %get3A_28 : vector<1x256xf32> to vector<1000x256xf32>
    %add3A_51 = arith.addf %mul3A_49, %add3A_50 : vector<1000x256xf32>
    %ge3A = arith.constant 0.000000e+00 : f32
    %ge3A_52 = vector.broadcast %ge3A : f32 to vector<1000x256xf32>
    %ge3A_53 = arith.cmpf oge, %add3A_51, %ge3A_52 : vector<1000x256xf32>
    %mul3A_54 = vector.broadcast %get3A_31 : vector<1x1xf32> to vector<1000x256xf32>
    %mul3A_55 = arith.mulf %mul3A_54, %add3A_51 : vector<1000x256xf32>
    %select_n3A = arith.select %ge3A_53, %add3A_51, %mul3A_55 : vector<1000x256xi1>, vector<1000x256xf32>
    %get3A_56 = arith.constant 0 : index
    %get3A_57 = arith.constant 0 : index
    %get3A_58 = vector.load %arg1[%get3A_56, %get3A_57] : memref<1000x128xf32, #tpu.memory_space<vmem>>, vector<1000x128xf32>
    %get3A_59 = arith.constant 0 : index
    %get3A_60 = arith.constant 0 : index
    %get3A_61 = vector.load %arg10[%get3A_59, %get3A_60] : memref<256x128xf32, #tpu.memory_space<vmem>>, vector<256x128xf32>
    %dot_general3A_62 = arith.constant dense<0.000000e+00> : vector<1000x128xf32>
    %dot_general3A_63 = tpu.matmul %select_n3A, %get3A_61, %dot_general3A_62 {dimension_numbers = #tpu.dot_dimension_numbers<[1], [0], [0], [1], [0, 0, 1, 1], [], []>, transpose_lhs_hint = false} : vector<1000x256xf32>, vector<256x128xf32>, vector<1000x128xf32> -> vector<1000x128xf32>
    %add3A_64 = arith.addf %get3A_58, %dot_general3A_63 : vector<1000x128xf32>
    %get3A_65 = arith.constant 0 : index
    %get3A_66 = arith.constant 0 : index
    %get3A_67 = vector.load %arg11[%get3A_65, %get3A_66] : memref<1x128xf32, #tpu.memory_space<vmem>>, vector<1x128xf32>
    %add3A_68 = vector.broadcast %get3A_67 : vector<1x128xf32> to vector<1000x128xf32>
    %add3A_69 = arith.addf %add3A_64, %add3A_68 : vector<1000x128xf32>
    %swap3A = arith.constant 0 : index
    %swap3A_70 = arith.constant 0 : index
    %swap3A_71 = vector.load %arg12[%swap3A, %swap3A_70] : memref<1000x128xf32, #tpu.memory_space<vmem>>, vector<1000x128xf32>
    tpu.vector_store %arg12[%swap3A, %swap3A_70], %add3A_69 {strides = array<i32>} : memref<1000x128xf32, #tpu.memory_space<vmem>>, vector<1000x128xf32>,
    return
  }
  func.func @transform_0(%arg0: i32) -> (i32, i32) {
    %c0_i32 = arith.constant 0 : i32
    %c0_i32_0 = arith.constant 0 : i32
    return %arg0, %c0_i32 : i32, i32
  }
  func.func @transform_1(%arg0: i32) -> (i32, i32) {
    %c0_i32 = arith.constant 0 : i32
    %c0_i32_0 = arith.constant 0 : i32
    return %arg0, %c0_i32 : i32, i32
  }
  func.func @transform_2(%arg0: i32) -> (i32, i32) {
    %c0_i32 = arith.constant 0 : i32
    %c0_i32_0 = arith.constant 0 : i32
    return %arg0, %c0_i32 : i32, i32
  }
  func.func @transform_3(%arg0: i32) -> (i32, i32) {
    %c0_i32 = arith.constant 0 : i32
    %c0_i32_0 = arith.constant 0 : i32
    %c0_i32_1 = arith.constant 0 : i32
    return %c0_i32, %c0_i32_0 : i32, i32
  }
  func.func @transform_4(%arg0: i32) -> (i32, i32) {
    %c0_i32 = arith.constant 0 : i32
    %c0_i32_0 = arith.constant 0 : i32
    %c0_i32_1 = arith.constant 0 : i32
    return %c0_i32, %c0_i32_0 : i32, i32
  }
  func.func @transform_5(%arg0: i32) -> (i32, i32) {
    %c0_i32 = arith.constant 0 : i32
    %c0_i32_0 = arith.constant 0 : i32
    %c0_i32_1 = arith.constant 0 : i32
    return %c0_i32, %c0_i32_0 : i32, i32
  }
  func.func @transform_6(%arg0: i32) -> (i32, i32) {
    %c0_i32 = arith.constant 0 : i32
    %c0_i32_0 = arith.constant 0 : i32
    %c0_i32_1 = arith.constant 0 : i32
    return %c0_i32, %c0_i32_0 : i32, i32
  }
  func.func @transform_7(%arg0: i32) -> (i32, i32) {
    %c0_i32 = arith.constant 0 : i32
    %c0_i32_0 = arith.constant 0 : i32
    %c0_i32_1 = arith.constant 0 : i32
    return %c0_i32, %c0_i32_0 : i32, i32
  }
  func.func @transform_8(%arg0: i32) -> (i32, i32) {
    %c0_i32 = arith.constant 0 : i32
    %c0_i32_0 = arith.constant 0 : i32
    %c0_i32_1 = arith.constant 0 : i32
    return %c0_i32, %c0_i32_0 : i32, i32
  }
  func.func @transform_9(%arg0: i32) -> (i32, i32) {
    %c0_i32 = arith.constant 0 : i32
    %c0_i32_0 = arith.constant 0 : i32
    %c0_i32_1 = arith.constant 0 : i32
    return %c0_i32, %c0_i32_0 : i32, i32
  }
  func.func @transform_10(%arg0: i32) -> (i32, i32) {
    %c0_i32 = arith.constant 0 : i32
    %c0_i32_0 = arith.constant 0 : i32
    %c0_i32_1 = arith.constant 0 : i32
    return %c0_i32, %c0_i32_0 : i32, i32
  }
  func.func @transform_11(%arg0: i32) -> (i32, i32) {
    %c0_i32 = arith.constant 0 : i32
    %c0_i32_0 = arith.constant 0 : i32
    return %arg0, %c0_i32 : i32, i32
  }
}

module attributes {stable_mosaic.version = 14 : i64} {
  func.func @_node_body(%arg0: i32, %arg1: memref<1000x128xf32, #tpu.memory_space<vmem>>, %arg2: memref<1000x128xf32, #tpu.memory_space<vmem>>, %arg3: memref<1000x128xf32, #tpu.memory_space<vmem>>, %arg4: memref<128x256xf32, #tpu.memory_space<vmem>>, %arg5: memref<128x256xf32, #tpu.memory_space<vmem>>, %arg6: memref<1x256xf32, #tpu.memory_space<vmem>>, %arg7: memref<1x256xf32, #tpu.memory_space<vmem>>, %arg8: memref<1x256xf32, #tpu.memory_space<vmem>>, %arg9: memref<1x1xf32, #tpu.memory_space<vmem>>, %arg10: memref<256x128xf32, #tpu.memory_space<vmem>>, %arg11: memref<1x128xf32, #tpu.memory_space<vmem>>, %arg12: memref<1000x128xf32, #tpu.memory_space<vmem>>) attributes {dimension_semantics = [#tpu.dimension_semantics<arbitrary>], iteration_bounds = array<i64: 10>, scalar_prefetch = 0 : i64, scratch_operands = 0 : i64, tpu.core_type = #tpu.core_type<tc>, window_params = [{transform_indices = @transform_0, window_bounds = array<i64: 1000, 128>}, {transform_indices = @transform_1, window_bounds = array<i64: 1000, 128>}, {transform_indices = @transform_2, window_bounds = array<i64: 1000, 128>}, {pipeline_mode = #tpu.pipeline_mode<synchronous>, transform_indices = @transform_3, window_bounds = array<i64: 128, 256>}, {pipeline_mode = #tpu.pipeline_mode<synchronous>, transform_indices = @transform_4, window_bounds = array<i64: 128, 256>}, {pipeline_mode = #tpu.pipeline_mode<synchronous>, transform_indices = @transform_5, window_bounds = array<i64: 1, 256>}, {pipeline_mode = #tpu.pipeline_mode<synchronous>, transform_indices = @transform_6, window_bounds = array<i64: 1, 256>}, {pipeline_mode = #tpu.pipeline_mode<synchronous>, transform_indices = @transform_7, window_bounds = array<i64: 1, 256>}, {pipeline_mode = #tpu.pipeline_mode<synchronous>, transform_indices = @transform_8, window_bounds = array<i64: 1, 1>}, {pipeline_mode = #tpu.pipeline_mode<synchronous>, transform_indices = @transform_9, window_bounds = array<i64: 256, 128>}, {pipeline_mode = #tpu.pipeline_mode<synchronous>, transform_indices = @transform_10, window_bounds = array<i64: 1, 128>}, {transform_indices = @transform_11, window_bounds = array<i64: 1000, 128>}]} {
    %get3A = arith.constant 0 : index
    %get3A_0 = arith.constant 0 : index
    %get3A_1 = vector.load %arg2[%get3A, %get3A_0] : memref<1000x128xf32, #tpu.memory_space<vmem>>, vector<1000x128xf32>
    %get3A_2 = arith.constant 0 : index
    %get3A_3 = arith.constant 0 : index
    %get3A_4 = vector.load %arg3[%get3A_2, %get3A_3] : memref<1000x128xf32, #tpu.memory_space<vmem>>, vector<1000x128xf32>
    %add3A = arith.addf %get3A_1, %get3A_4 : vector<1000x128xf32>
    %get3A_5 = arith.constant 0 : index
    %get3A_6 = arith.constant 0 : index
    %get3A_7 = vector.load %arg1[%get3A_5, %get3A_6] : memref<1000x128xf32, #tpu.memory_space<vmem>>, vector<1000x128xf32>
    %get3A_8 = arith.constant 0 : index
    %get3A_9 = arith.constant 0 : index
    %get3A_10 = vector.load %arg4[%get3A_8, %get3A_9] : memref<128x256xf32, #tpu.memory_space<vmem>>, vector<128x256xf32>
    %dot_general3A = arith.constant dense<0.000000e+00> : vector<1000x256xf32>
    %dot_general3A_11 = tpu.matmul %get3A_7, %get3A_10, %dot_general3A {dimension_numbers = #tpu.dot_dimension_numbers<[1], [0], [0], [1], [0, 0, 1, 1], [], []>, transpose_lhs_hint = false} : vector<1000x128xf32>, vector<128x256xf32>, vector<1000x256xf32> -> vector<1000x256xf32>
    %get3A_12 = arith.constant 0 : index
    %get3A_13 = arith.constant 0 : index
    %get3A_14 = vector.load %arg5[%get3A_12, %get3A_13] : memref<128x256xf32, #tpu.memory_space<vmem>>, vector<128x256xf32>
    %dot_general3A_15 = arith.constant dense<0.000000e+00> : vector<1000x256xf32>
    %dot_general3A_16 = tpu.matmul %add3A, %get3A_14, %dot_general3A_15 {dimension_numbers = #tpu.dot_dimension_numbers<[1], [0], [0], [1], [0, 0, 1, 1], [], []>, transpose_lhs_hint = false} : vector<1000x128xf32>, vector<128x256xf32>, vector<1000x256xf32> -> vector<1000x256xf32>
    %add3A_17 = arith.addf %dot_general3A_11, %dot_general3A_16 : vector<1000x256xf32>
    %get3A_18 = arith.constant 0 : index
    %get3A_19 = arith.constant 0 : index
    %get3A_20 = vector.load %arg6[%get3A_18, %get3A_19] : memref<1x256xf32, #tpu.memory_space<vmem>>, vector<1x256xf32>
    %add3A_21 = vector.broadcast %get3A_20 : vector<1x256xf32> to vector<1000x256xf32>
    %add3A_22 = arith.addf %add3A_17, %add3A_21 : vector<1000x256xf32>
    %get3A_23 = arith.constant 0 : index
    %get3A_24 = arith.constant 0 : index
    %get3A_25 = vector.load %arg7[%get3A_23, %get3A_24] : memref<1x256xf32, #tpu.memory_space<vmem>>, vector<1x256xf32>
    %get3A_26 = arith.constant 0 : index
    %get3A_27 = arith.constant 0 : index
    %get3A_28 = vector.load %arg8[%get3A_26, %get3A_27] : memref<1x256xf32, #tpu.memory_space<vmem>>, vector<1x256xf32>
    %get3A_29 = arith.constant 0 : index
    %get3A_30 = arith.constant 0 : index
    %get3A_31 = vector.load %arg9[%get3A_29, %get3A_30] : memref<1x1xf32, #tpu.memory_space<vmem>>, vector<1x1xf32>
    %reduce_sum3A = arith.constant dense<0.000000e+00> : vector<1000xf32>
    %reduce_sum3A_32 = vector.multi_reduction <add>, %add3A_22, %reduce_sum3A [1] : vector<1000x256xf32> to vector<1000xf32>
    %broadcast_in_dim3A = vector.shape_cast %reduce_sum3A_32 : vector<1000xf32> to vector<1000x1xf32>
    %div3A = arith.constant 2.560000e+02 : f32
    %div3A_33 = vector.broadcast %div3A : f32 to vector<1000x1xf32>
    %div3A_34 = arith.divf %broadcast_in_dim3A, %div3A_33 : vector<1000x1xf32>
    %sub3A = vector.broadcast %div3A_34 : vector<1000x1xf32> to vector<1000x256xf32>
    %sub3A_35 = arith.subf %add3A_22, %sub3A : vector<1000x256xf32>
    %integer_pow3A = arith.mulf %sub3A_35, %sub3A_35 : vector<1000x256xf32>
    %reduce_sum3A_36 = arith.constant dense<0.000000e+00> : vector<1000xf32>
    %reduce_sum3A_37 = vector.multi_reduction <add>, %integer_pow3A, %reduce_sum3A_36 [1] : vector<1000x256xf32> to vector<1000xf32>
    %broadcast_in_dim3A_38 = vector.shape_cast %reduce_sum3A_37 : vector<1000xf32> to vector<1000x1xf32>
    %div3A_39 = arith.constant 2.560000e+02 : f32
    %div3A_40 = vector.broadcast %div3A_39 : f32 to vector<1000x1xf32>
    %div3A_41 = arith.divf %broadcast_in_dim3A_38, %div3A_40 : vector<1000x1xf32>
    %sub3A_42 = vector.broadcast %div3A_34 : vector<1000x1xf32> to vector<1000x256xf32>
    %sub3A_43 = arith.subf %add3A_22, %sub3A_42 : vector<1000x256xf32>
    %add3A_44 = arith.constant 9.99999974E-6 : f32
    %add3A_45 = vector.broadcast %add3A_44 : f32 to vector<1000x1xf32>
    %add3A_46 = arith.addf %div3A_41, %add3A_45 : vector<1000x1xf32>
    %rsqrt3A = math.rsqrt %add3A_46 : vector<1000x1xf32>
    %mul3A = vector.broadcast %rsqrt3A : vector<1000x1xf32> to vector<1000x256xf32>
    %mul3A_47 = arith.mulf %sub3A_43, %mul3A : vector<1000x256xf32>
    %mul3A_48 = vector.broadcast %get3A_25 : vector<1x256xf32> to vector<1000x256xf32>
    %mul3A_49 = arith.mulf %mul3A_47, %mul3A_48 : vector<1000x256xf32>
    %add3A_50 = vector.broadcast %get3A_28 : vector<1x256xf32> to vector<1000x256xf32>
    %add3A_51 = arith.addf %mul3A_49, %add3A_50 : vector<1000x256xf32>
    %ge3A = arith.constant 0.000000e+00 : f32
    %ge3A_52 = vector.broadcast %ge3A : f32 to vector<1000x256xf32>
    %ge3A_53 = arith.cmpf oge, %add3A_51, %ge3A_52 : vector<1000x256xf32>
    %mul3A_54 = vector.broadcast %get3A_31 : vector<1x1xf32> to vector<1000x256xf32>
    %mul3A_55 = arith.mulf %mul3A_54, %add3A_51 : vector<1000x256xf32>
    %select_n3A = arith.select %ge3A_53, %add3A_51, %mul3A_55 : vector<1000x256xi1>, vector<1000x256xf32>
    %get3A_56 = arith.constant 0 : index
    %get3A_57 = arith.constant 0 : index
    %get3A_58 = vector.load %arg1[%get3A_56, %get3A_57] : memref<1000x128xf32, #tpu.memory_space<vmem>>, vector<1000x128xf32>
    %get3A_59 = arith.constant 0 : index
    %get3A_60 = arith.constant 0 : index
    %get3A_61 = vector.load %arg10[%get3A_59, %get3A_60] : memref<256x128xf32, #tpu.memory_space<vmem>>, vector<256x128xf32>
    %dot_general3A_62 = arith.constant dense<0.000000e+00> : vector<1000x128xf32>
    %dot_general3A_63 = tpu.matmul %select_n3A, %get3A_61, %dot_general3A_62 {dimension_numbers = #tpu.dot_dimension_numbers<[1], [0], [0], [1], [0, 0, 1, 1], [], []>, transpose_lhs_hint = false} : vector<1000x256xf32>, vector<256x128xf32>, vector<1000x128xf32> -> vector<1000x128xf32>
    %add3A_64 = arith.addf %get3A_58, %dot_general3A_63 : vector<1000x128xf32>
    %get3A_65 = arith.constant 0 : index
    %get3A_66 = arith.constant 0 : index
    %get3A_67 = vector.load %arg11[%get3A_65, %get3A_66] : memref<1x128xf32, #tpu.memory_space<vmem>>, vector<1x128xf32>
    %add3A_68 = vector.broadcast %get3A_67 : vector<1x128xf32> to vector<1000x128xf32>
    %add3A_69 = arith.addf %add3A_64, %add3A_68 : vector<1000x128xf32>
    %swap3A = arith.constant 0 : index
    %swap3A_70 = arith.constant 0 : index
    %swap3A_71 = vector.load %arg12[%swap3A, %swap3A_70] : memref<1000x128xf32, #tpu.memory_space<vmem>>, vector<1000x128xf32>
    tpu.vector_store %arg12[%swap3A, %swap3A_70], %add3A_69 {strides = array<i32>} : memref<1000x128xf32, #tpu.memory_space<vmem>>, vector<1000x128xf32>,
    return
  }
  func.func @transform_0(%arg0: i32) -> (i32, i32) {
    %c0_i32 = arith.constant 0 : i32
    %c0_i32_0 = arith.constant 0 : i32
    return %arg0, %c0_i32 : i32, i32
  }
  func.func @transform_1(%arg0: i32) -> (i32, i32) {
    %c0_i32 = arith.constant 0 : i32
    %c0_i32_0 = arith.constant 0 : i32
    return %arg0, %c0_i32 : i32, i32
  }
  func.func @transform_2(%arg0: i32) -> (i32, i32) {
    %c0_i32 = arith.constant 0 : i32
    %c0_i32_0 = arith.constant 0 : i32
    return %arg0, %c0_i32 : i32, i32
  }
  func.func @transform_3(%arg0: i32) -> (i32, i32) {
    %c0_i32 = arith.constant 0 : i32
    %c0_i32_0 = arith.constant 0 : i32
    %c0_i32_1 = arith.constant 0 : i32
    return %c0_i32, %c0_i32_0 : i32, i32
  }
  func.func @transform_4(%arg0: i32) -> (i32, i32) {
    %c0_i32 = arith.constant 0 : i32
    %c0_i32_0 = arith.constant 0 : i32
    %c0_i32_1 = arith.constant 0 : i32
    return %c0_i32, %c0_i32_0 : i32, i32
  }
  func.func @transform_5(%arg0: i32) -> (i32, i32) {
    %c0_i32 = arith.constant 0 : i32
    %c0_i32_0 = arith.constant 0 : i32
    %c0_i32_1 = arith.constant 0 : i32
    return %c0_i32, %c0_i32_0 : i32, i32
  }
  func.func @transform_6(%arg0: i32) -> (i32, i32) {
    %c0_i32 = arith.constant 0 : i32
    %c0_i32_0 = arith.constant 0 : i32
    %c0_i32_1 = arith.constant 0 : i32
    return %c0_i32, %c0_i32_0 : i32, i32
  }
  func.func @transform_7(%arg0: i32) -> (i32, i32) {
    %c0_i32 = arith.constant 0 : i32
    %c0_i32_0 = arith.constant 0 : i32
    %c0_i32_1 = arith.constant 0 : i32
    return %c0_i32, %c0_i32_0 : i32, i32
  }
  func.func @transform_8(%arg0: i32) -> (i32, i32) {
    %c0_i32 = arith.constant 0 : i32
    %c0_i32_0 = arith.constant 0 : i32
    %c0_i32_1 = arith.constant 0 : i32
    return %c0_i32, %c0_i32_0 : i32, i32
  }
  func.func @transform_9(%arg0: i32) -> (i32, i32) {
    %c0_i32 = arith.constant 0 : i32
    %c0_i32_0 = arith.constant 0 : i32
    %c0_i32_1 = arith.constant 0 : i32
    return %c0_i32, %c0_i32_0 : i32, i32
  }
  func.func @transform_10(%arg0: i32) -> (i32, i32) {
    %c0_i32 = arith.constant 0 : i32
    %c0_i32_0 = arith.constant 0 : i32
    %c0_i32_1 = arith.constant 0 : i32
    return %c0_i32, %c0_i32_0 : i32, i32
  }
  func.func @transform_11(%arg0: i32) -> (i32, i32) {
    %c0_i32 = arith.constant 0 : i32
    %c0_i32_0 = arith.constant 0 : i32
    return %arg0, %c0_i32 : i32, i32
  }
}

module attributes {stable_mosaic.version = 14 : i64} {
  func.func @_dec_body(%arg0: memref<79x128x128xf32, #tpu.memory_space<vmem>>, %arg1: memref<79x1x128xi32, #tpu.memory_space<vmem>>, %arg2: memref<16x2xf32, #tpu.memory_space<vmem>>, %arg3: memref<201x128xf32, #tpu.memory_space<vmem>>, %arg4: memref<2x128xf32, #tpu.memory_space<vmem>>, %arg5: memref<1x128xf32, #tpu.memory_space<vmem>>, %arg6: memref<1x1xf32, #tpu.memory_space<vmem>>, %arg7: memref<128x128xf32, #tpu.memory_space<vmem>>, %arg8: memref<1x128xf32, #tpu.memory_space<vmem>>, %arg9: memref<128x128xf32, #tpu.memory_space<vmem>>, %arg10: memref<128x128xf32, #tpu.memory_space<vmem>>, %arg11: memref<1x128xf32, #tpu.memory_space<vmem>>, %arg12: memref<1x1xf32, #tpu.memory_space<vmem>>, %arg13: memref<128x128xf32, #tpu.memory_space<vmem>>, %arg14: memref<1x128xf32, #tpu.memory_space<vmem>>, %arg15: memref<1x128xf32, #tpu.memory_space<vmem>>, %arg16: memref<1x128xf32, #tpu.memory_space<vmem>>, %arg17: memref<1x1xf32, #tpu.memory_space<vmem>>, %arg18: memref<1x128xf32, #tpu.memory_space<vmem>>, %arg19: memref<1x1xf32, #tpu.memory_space<vmem>>, %arg20: memref<1x128xf32, #tpu.memory_space<vmem>>, %arg21: memref<1x128xf32, #tpu.memory_space<vmem>>, %arg22: memref<1x1xf32, #tpu.memory_space<vmem>>, %arg23: memref<16x201xf32, #tpu.memory_space<vmem>>, %arg24: memref<200x16xf32, #tpu.memory_space<vmem>>) attributes {dimension_semantics = [], scalar_prefetch = 0 : i64, scratch_operands = 0 : i64, tpu.core_type = #tpu.core_type<tc>} {
    %get3A = arith.constant 0 : index
    %get3A_0 = arith.constant 0 : index
    %get3A_1 = vector.load %arg2[%get3A, %get3A_0] : memref<16x2xf32, #tpu.memory_space<vmem>>, vector<16x2xf32>
    %slice3A = vector.extract_strided_slice %get3A_1 {offsets = [0, 0], sizes = [16, 1], strides = [1, 1]} : vector<16x2xf32> to vector<16x1xf32>
    %get3A_2 = arith.constant 0 : index
    %get3A_3 = arith.constant 0 : index
    %get3A_4 = vector.load %arg4[%get3A_2, %get3A_3] : memref<2x128xf32, #tpu.memory_space<vmem>>, vector<1x128xf32>
    %mul3A = vector.broadcast %slice3A : vector<16x1xf32> to vector<16x128xf32>
    %mul3A_5 = vector.broadcast %get3A_4 : vector<1x128xf32> to vector<16x128xf32>
    %mul3A_6 = arith.mulf %mul3A, %mul3A_5 : vector<16x128xf32>
    %slice3A_7 = vector.extract_strided_slice %get3A_1 {offsets = [0, 1], sizes = [16, 1], strides = [1, 1]} : vector<16x2xf32> to vector<16x1xf32>
    %get3A_8 = arith.constant 1 : index
    %get3A_9 = arith.constant 0 : index
    %get3A_10 = vector.load %arg4[%get3A_8, %get3A_9] : memref<2x128xf32, #tpu.memory_space<vmem>>, vector<1x128xf32>
    %mul3A_11 = vector.broadcast %slice3A_7 : vector<16x1xf32> to vector<16x128xf32>
    %mul3A_12 = vector.broadcast %get3A_10 : vector<1x128xf32> to vector<16x128xf32>
    %mul3A_13 = arith.mulf %mul3A_11, %mul3A_12 : vector<16x128xf32>
    %add3A = arith.addf %mul3A_6, %mul3A_13 : vector<16x128xf32>
    %get3A_14 = arith.constant 0 : index
    %get3A_15 = arith.constant 0 : index
    %get3A_16 = vector.load %arg5[%get3A_14, %get3A_15] : memref<1x128xf32, #tpu.memory_space<vmem>>, vector<1x128xf32>
    %add3A_17 = vector.broadcast %get3A_16 : vector<1x128xf32> to vector<16x128xf32>
    %add3A_18 = arith.addf %add3A, %add3A_17 : vector<16x128xf32>
    %ge3A = arith.constant 0.000000e+00 : f32
    %ge3A_19 = vector.broadcast %ge3A : f32 to vector<16x128xf32>
    %ge3A_20 = arith.cmpf oge, %add3A_18, %ge3A_19 : vector<16x128xf32>
    %get3A_21 = arith.constant 0 : index
    %get3A_22 = arith.constant 0 : index
    %get3A_23 = vector.load %arg6[%get3A_21, %get3A_22] : memref<1x1xf32, #tpu.memory_space<vmem>>, vector<1x1xf32>
    %mul3A_24 = vector.broadcast %get3A_23 : vector<1x1xf32> to vector<16x128xf32>
    %mul3A_25 = arith.mulf %mul3A_24, %add3A_18 : vector<16x128xf32>
    %select_n3A = arith.select %ge3A_20, %add3A_18, %mul3A_25 : vector<16x128xi1>, vector<16x128xf32>
    %get3A_26 = arith.constant 0 : index
    %get3A_27 = arith.constant 0 : index
    %get3A_28 = vector.load %arg7[%get3A_26, %get3A_27] : memref<128x128xf32, #tpu.memory_space<vmem>>, vector<128x128xf32>
    %dot_general3A = arith.constant dense<0.000000e+00> : vector<16x128xf32>
    %dot_general3A_29 = tpu.matmul %select_n3A, %get3A_28, %dot_general3A {dimension_numbers = #tpu.dot_dimension_numbers<[1], [0], [0], [1], [0, 0, 1, 1], [], []>, transpose_lhs_hint = false} : vector<16x128xf32>, vector<128x128xf32>, vector<16x128xf32> -> vector<16x128xf32>
    %get3A_30 = arith.constant 0 : index
    %get3A_31 = arith.constant 0 : index
    %get3A_32 = vector.load %arg8[%get3A_30, %get3A_31] : memref<1x128xf32, #tpu.memory_space<vmem>>, vector<1x128xf32>
    %add3A_33 = vector.broadcast %get3A_32 : vector<1x128xf32> to vector<16x128xf32>
    %add3A_34 = arith.addf %dot_general3A_29, %add3A_33 : vector<16x128xf32>
    %iota3A = tpu.iota {dimensions = array<i32: 0>} : vector<16x128xi32>
    %broadcast_in_dim3A = arith.constant 0.000000e+00 : f32
    %broadcast_in_dim3A_35 = vector.broadcast %broadcast_in_dim3A : f32 to vector<16x128xf32>
    %scan3A = arith.constant 0 : i32
    %scan3A_36 = arith.constant 79 : i32
    %scan3A_37 = arith.addi %scan3A, %scan3A_36 : i32
    %scan3A_38 = arith.constant 1 : i32
    %scan3A_39 = scf.for %scan3A_167 = %scan3A to %scan3A_37 step %scan3A_38 iter_args(%scan3A_168 = %broadcast_in_dim3A_35) -> (vector<16x128xf32>)  : i32 {
      %get3A_169 = arith.index_cast %scan3A_167 : i32 to index
      %get3A_170 = arith.constant 0 : index
      %get3A_171 = arith.constant 0 : index
      %get3A_172 = vector.load %arg1[%get3A_169, %get3A_170, %get3A_171] : memref<79x1x128xi32, #tpu.memory_space<vmem>>, vector<1x1x128xi32>
      %get3A_173 = vector.shape_cast %get3A_172 : vector<1x1x128xi32> to vector<1x128xi32>
      %eq3A = vector.broadcast %get3A_173 : vector<1x128xi32> to vector<16x128xi32>
      %eq3A_174 = arith.cmpi eq, %eq3A, %iota3A : vector<16x128xi32>
      %convert_element_type3A = arith.extui %eq3A_174 : vector<16x128xi1> to vector<16x128xi32>
      %convert_element_type3A_175 = arith.sitofp %convert_element_type3A : vector<16x128xi32> to vector<16x128xf32>
      %get3A_176 = arith.index_cast %scan3A_167 : i32 to index
      %get3A_177 = arith.constant 0 : index
      %get3A_178 = arith.constant 0 : index
      %get3A_179 = vector.load %arg0[%get3A_176, %get3A_177, %get3A_178] : memref<79x128x128xf32, #tpu.memory_space<vmem>>, vector<1x128x128xf32>
      %get3A_180 = vector.shape_cast %get3A_179 : vector<1x128x128xf32> to vector<128x128xf32>
      %dot_general3A_181 = arith.constant dense<0.000000e+00> : vector<16x128xf32>
      %dot_general3A_182 = tpu.matmul %convert_element_type3A_175, %get3A_180, %dot_general3A_181 {dimension_numbers = #tpu.dot_dimension_numbers<[1], [0], [0], [1], [0, 0, 1, 1], [], []>, transpose_lhs_hint = false} : vector<16x128xf32>, vector<128x128xf32>, vector<16x128xf32> -> vector<16x128xf32>
      %add3A_183 = arith.addf %scan3A_168, %dot_general3A_182 : vector<16x128xf32>
      scf.yield %add3A_183 : vector<16x128xf32>
    }
    %scan3A_40 = arith.constant 79 : i32
    %get3A_41 = arith.constant 0 : index
    %get3A_42 = arith.constant 0 : index
    %get3A_43 = vector.load %arg9[%get3A_41, %get3A_42] : memref<128x128xf32, #tpu.memory_space<vmem>>, vector<128x128xf32>
    %dot_general3A_44 = arith.constant dense<0.000000e+00> : vector<16x128xf32>
    %dot_general3A_45 = tpu.matmul %add3A_34, %get3A_43, %dot_general3A_44 {dimension_numbers = #tpu.dot_dimension_numbers<[1], [0], [0], [1], [0, 0, 1, 1], [], []>, transpose_lhs_hint = false} : vector<16x128xf32>, vector<128x128xf32>, vector<16x128xf32> -> vector<16x128xf32>
    %get3A_46 = arith.constant 0 : index
    %get3A_47 = arith.constant 0 : index
    %get3A_48 = vector.load %arg10[%get3A_46, %get3A_47] : memref<128x128xf32, #tpu.memory_space<vmem>>, vector<128x128xf32>
    %dot_general3A_49 = arith.constant dense<0.000000e+00> : vector<16x128xf32>
    %dot_general3A_50 = tpu.matmul %scan3A_39, %get3A_48, %dot_general3A_49 {dimension_numbers = #tpu.dot_dimension_numbers<[1], [0], [0], [1], [0, 0, 1, 1], [], []>, transpose_lhs_hint = false} : vector<16x128xf32>, vector<128x128xf32>, vector<16x128xf32> -> vector<16x128xf32>
    %add3A_51 = arith.addf %dot_general3A_45, %dot_general3A_50 : vector<16x128xf32>
    %get3A_52 = arith.constant 0 : index
    %get3A_53 = arith.constant 0 : index
    %get3A_54 = vector.load %arg11[%get3A_52, %get3A_53] : memref<1x128xf32, #tpu.memory_space<vmem>>, vector<1x128xf32>
    %add3A_55 = vector.broadcast %get3A_54 : vector<1x128xf32> to vector<16x128xf32>
    %add3A_56 = arith.addf %add3A_51, %add3A_55 : vector<16x128xf32>
    %get3A_57 = arith.constant 0 : index
    %get3A_58 = arith.constant 0 : index
    %get3A_59 = vector.load %arg3[%get3A_57, %get3A_58] : memref<201x128xf32, #tpu.memory_space<vmem>>, vector<201x128xf32>
    %broadcast_in_dim3A_60 = vector.shape_cast %get3A_59 : vector<201x128xf32> to vector<1x201x128xf32>
    %get3A_61 = arith.constant 0 : index
    %get3A_62 = arith.constant 0 : index
    %get3A_63 = vector.load %arg12[%get3A_61, %get3A_62] : memref<1x1xf32, #tpu.memory_space<vmem>>, vector<1x1xf32>
    %mul3A_64 = vector.broadcast %get3A_63 : vector<1x1xf32> to vector<16x128xf32>
    %mul3A_65 = arith.mulf %mul3A_64, %add3A_56 : vector<16x128xf32>
    %broadcast_in_dim3A_66 = vector.shape_cast %mul3A_65 : vector<16x128xf32> to vector<16x1x128xf32>
    %add3A_67 = vector.broadcast %broadcast_in_dim3A_60 : vector<1x201x128xf32> to vector<16x201x128xf32>
    %add3A_68 = vector.broadcast %broadcast_in_dim3A_66 : vector<16x1x128xf32> to vector<16x201x128xf32>
    %add3A_69 = arith.addf %add3A_67, %add3A_68 : vector<16x201x128xf32>
    %reshape3A = vector.shape_cast %add3A_69 : vector<16x201x128xf32> to vector<3216x128xf32>
    %get3A_70 = arith.constant 0 : index
    %get3A_71 = arith.constant 0 : index
    %get3A_72 = vector.load %arg13[%get3A_70, %get3A_71] : memref<128x128xf32, #tpu.memory_space<vmem>>, vector<128x128xf32>
    %dot_general3A_73 = arith.constant dense<0.000000e+00> : vector<3216x128xf32>
    %dot_general3A_74 = tpu.matmul %reshape3A, %get3A_72, %dot_general3A_73 {dimension_numbers = #tpu.dot_dimension_numbers<[1], [0], [0], [1], [0, 0, 1, 1], [], []>, transpose_lhs_hint = false} : vector<3216x128xf32>, vector<128x128xf32>, vector<3216x128xf32> -> vector<3216x128xf32>
    %get3A_75 = arith.constant 0 : index
    %get3A_76 = arith.constant 0 : index
    %get3A_77 = vector.load %arg14[%get3A_75, %get3A_76] : memref<1x128xf32, #tpu.memory_space<vmem>>, vector<1x128xf32>
    %add3A_78 = vector.broadcast %get3A_77 : vector<1x128xf32> to vector<3216x128xf32>
    %add3A_79 = arith.addf %dot_general3A_74, %add3A_78 : vector<3216x128xf32>
    %get3A_80 = arith.constant 0 : index
    %get3A_81 = arith.constant 0 : index
    %get3A_82 = vector.load %arg15[%get3A_80, %get3A_81] : memref<1x128xf32, #tpu.memory_space<vmem>>, vector<1x128xf32>
    %get3A_83 = arith.constant 0 : index
    %get3A_84 = arith.constant 0 : index
    %get3A_85 = vector.load %arg16[%get3A_83, %get3A_84] : memref<1x128xf32, #tpu.memory_space<vmem>>, vector<1x128xf32>
    %get3A_86 = arith.constant 0 : index
    %get3A_87 = arith.constant 0 : index
    %get3A_88 = vector.load %arg17[%get3A_86, %get3A_87] : memref<1x1xf32, #tpu.memory_space<vmem>>, vector<1x1xf32>
    %reduce_sum3A = arith.constant dense<0.000000e+00> : vector<3216xf32>
    %reduce_sum3A_89 = vector.multi_reduction <add>, %add3A_79, %reduce_sum3A [1] : vector<3216x128xf32> to vector<3216xf32>
    %broadcast_in_dim3A_90 = vector.shape_cast %reduce_sum3A_89 : vector<3216xf32> to vector<3216x1xf32>
    %div3A = arith.constant 1.280000e+02 : f32
    %div3A_91 = vector.broadcast %div3A : f32 to vector<3216x1xf32>
    %div3A_92 = arith.divf %broadcast_in_dim3A_90, %div3A_91 : vector<3216x1xf32>
    %sub3A = vector.broadcast %div3A_92 : vector<3216x1xf32> to vector<3216x128xf32>
    %sub3A_93 = arith.subf %add3A_79, %sub3A : vector<3216x128xf32>
    %integer_pow3A = arith.mulf %sub3A_93, %sub3A_93 : vector<3216x128xf32>
    %reduce_sum3A_94 = arith.constant dense<0.000000e+00> : vector<3216xf32>
    %reduce_sum3A_95 = vector.multi_reduction <add>, %integer_pow3A, %reduce_sum3A_94 [1] : vector<3216x128xf32> to vector<3216xf32>
    %broadcast_in_dim3A_96 = vector.shape_cast %reduce_sum3A_95 : vector<3216xf32> to vector<3216x1xf32>
    %div3A_97 = arith.constant 1.280000e+02 : f32
    %div3A_98 = vector.broadcast %div3A_97 : f32 to vector<3216x1xf32>
    %div3A_99 = arith.divf %broadcast_in_dim3A_96, %div3A_98 : vector<3216x1xf32>
    %sub3A_100 = vector.broadcast %div3A_92 : vector<3216x1xf32> to vector<3216x128xf32>
    %sub3A_101 = arith.subf %add3A_79, %sub3A_100 : vector<3216x128xf32>
    %add3A_102 = arith.constant 9.99999974E-6 : f32
    %add3A_103 = vector.broadcast %add3A_102 : f32 to vector<3216x1xf32>
    %add3A_104 = arith.addf %div3A_99, %add3A_103 : vector<3216x1xf32>
    %rsqrt3A = math.rsqrt %add3A_104 : vector<3216x1xf32>
    %mul3A_105 = vector.broadcast %rsqrt3A : vector<3216x1xf32> to vector<3216x128xf32>
    %mul3A_106 = arith.mulf %sub3A_101, %mul3A_105 : vector<3216x128xf32>
    %mul3A_107 = vector.broadcast %get3A_82 : vector<1x128xf32> to vector<3216x128xf32>
    %mul3A_108 = arith.mulf %mul3A_106, %mul3A_107 : vector<3216x128xf32>
    %add3A_109 = vector.broadcast %get3A_85 : vector<1x128xf32> to vector<3216x128xf32>
    %add3A_110 = arith.addf %mul3A_108, %add3A_109 : vector<3216x128xf32>
    %ge3A_111 = arith.constant 0.000000e+00 : f32
    %ge3A_112 = vector.broadcast %ge3A_111 : f32 to vector<3216x128xf32>
    %ge3A_113 = arith.cmpf oge, %add3A_110, %ge3A_112 : vector<3216x128xf32>
    %mul3A_114 = vector.broadcast %get3A_88 : vector<1x1xf32> to vector<3216x128xf32>
    %mul3A_115 = arith.mulf %mul3A_114, %add3A_110 : vector<3216x128xf32>
    %select_n3A_116 = arith.select %ge3A_113, %add3A_110, %mul3A_115 : vector<3216x128xi1>, vector<3216x128xf32>
    %reshape3A_117 = vector.shape_cast %select_n3A_116 : vector<3216x128xf32> to vector<16x201x128xf32>
    %get3A_118 = arith.constant 0 : index
    %get3A_119 = arith.constant 0 : index
    %get3A_120 = vector.load %arg18[%get3A_118, %get3A_119] : memref<1x128xf32, #tpu.memory_space<vmem>>, vector<1x128xf32>
    %broadcast_in_dim3A_121 = vector.shape_cast %get3A_120 : vector<1x128xf32> to vector<1x1x128xf32>
    %mul3A_122 = vector.broadcast %broadcast_in_dim3A_121 : vector<1x1x128xf32> to vector<16x201x128xf32>
    %mul3A_123 = arith.mulf %reshape3A_117, %mul3A_122 : vector<16x201x128xf32>
    %reduce_sum3A_124 = arith.constant dense<0.000000e+00> : vector<16x201xf32>
    %reduce_sum3A_125 = vector.multi_reduction <add>, %mul3A_123, %reduce_sum3A_124 [2] : vector<16x201x128xf32> to vector<16x201xf32>
    %get3A_126 = arith.constant 0 : index
    %get3A_127 = arith.constant 0 : index
    %get3A_128 = vector.load %arg19[%get3A_126, %get3A_127] : memref<1x1xf32, #tpu.memory_space<vmem>>, vector<1x1xf32>
    %add3A_129 = vector.broadcast %get3A_128 : vector<1x1xf32> to vector<16x201xf32>
    %add3A_130 = arith.addf %reduce_sum3A_125, %add3A_129 : vector<16x201xf32>
    %swap3A = arith.constant 0 : index
    %swap3A_131 = arith.constant 0 : index
    %swap3A_132 = vector.load %arg23[%swap3A, %swap3A_131] : memref<16x201xf32, #tpu.memory_space<vmem>>, vector<16x201xf32>
    tpu.vector_store %arg23[%swap3A, %swap3A_131], %add3A_130 {strides = array<i32>} : memref<16x201xf32, #tpu.memory_space<vmem>>, vector<16x201xf32>,
    %get3A_133 = arith.constant 0 : index
    %get3A_134 = arith.constant 0 : index
    %get3A_135 = vector.load %arg20[%get3A_133, %get3A_134] : memref<1x128xf32, #tpu.memory_space<vmem>>, vector<1x128xf32>
    %mul3A_136 = vector.broadcast %get3A_135 : vector<1x128xf32> to vector<201x128xf32>
    %mul3A_137 = arith.mulf %get3A_59, %mul3A_136 : vector<201x128xf32>
    %reduce_sum3A_138 = arith.constant dense<0.000000e+00> : vector<201xf32>
    %reduce_sum3A_139 = vector.multi_reduction <add>, %mul3A_137, %reduce_sum3A_138 [1] : vector<201x128xf32> to vector<201xf32>
    %broadcast_in_dim3A_140 = vector.shape_cast %reduce_sum3A_139 : vector<201xf32> to vector<201x1xf32>
    %get3A_141 = arith.constant 0 : index
    %get3A_142 = arith.constant 0 : index
    %get3A_143 = vector.load %arg21[%get3A_141, %get3A_142] : memref<1x128xf32, #tpu.memory_space<vmem>>, vector<1x128xf32>
    %mul3A_144 = vector.broadcast %get3A_143 : vector<1x128xf32> to vector<201x128xf32>
    %mul3A_145 = arith.mulf %get3A_59, %mul3A_144 : vector<201x128xf32>
    %reduce_sum3A_146 = arith.constant dense<0.000000e+00> : vector<201xf32>
    %reduce_sum3A_147 = vector.multi_reduction <add>, %mul3A_145, %reduce_sum3A_146 [1] : vector<201x128xf32> to vector<201xf32>
    %broadcast_in_dim3A_148 = vector.shape_cast %reduce_sum3A_147 : vector<201xf32> to vector<201x1xf32>
    %slice3A_149 = vector.extract_strided_slice %broadcast_in_dim3A_140 {offsets = [1, 0], sizes = [200, 1], strides = [1, 1]} : vector<201x1xf32> to vector<200x1xf32>
    %slice3A_150 = vector.extract_strided_slice %broadcast_in_dim3A_148 {offsets = [0, 0], sizes = [200, 1], strides = [1, 1]} : vector<201x1xf32> to vector<200x1xf32>
    %add3A_151 = arith.addf %slice3A_149, %slice3A_150 : vector<200x1xf32>
    %get3A_152 = arith.constant 0 : index
    %get3A_153 = arith.constant 0 : index
    %get3A_154 = vector.load %arg22[%get3A_152, %get3A_153] : memref<1x1xf32, #tpu.memory_space<vmem>>, vector<1x1xf32>
    %add3A_155 = vector.broadcast %get3A_154 : vector<1x1xf32> to vector<200x1xf32>
    %add3A_156 = arith.addf %add3A_151, %add3A_155 : vector<200x1xf32>
    %logistic3A = arith.negf %add3A_156 : vector<200x1xf32>
    %logistic3A_157 = math.exp %logistic3A : vector<200x1xf32>
    %logistic3A_158 = arith.constant 1.000000e+00 : f32
    %logistic3A_159 = vector.broadcast %logistic3A_158 : f32 to vector<200x1xf32>
    %logistic3A_160 = arith.addf %logistic3A_159, %logistic3A_157 : vector<200x1xf32>
    %logistic3A_161 = arith.divf %logistic3A_159, %logistic3A_160 : vector<200x1xf32>
    %broadcast_in_dim3A_162 = vector.shape_cast %logistic3A_161 : vector<200x1xf32> to vector<200x1xf32>
    %broadcast_in_dim3A_163 = vector.broadcast %broadcast_in_dim3A_162 : vector<200x1xf32> to vector<200x16xf32>
    %swap3A_164 = arith.constant 0 : index
    %swap3A_165 = arith.constant 0 : index
    %swap3A_166 = vector.load %arg24[%swap3A_164, %swap3A_165] : memref<200x16xf32, #tpu.memory_space<vmem>>, vector<200x16xf32>
    tpu.vector_store %arg24[%swap3A_164, %swap3A_165], %broadcast_in_dim3A_163 {strides = array<i32>} : memref<200x16xf32, #tpu.memory_space<vmem>>, vector<200x16xf32>,
    return
  }
}

</mosaic_0001>

<sc_bundles>
// kernel: kernel.17.cloned.1.call-start
scs
__scs_entry_jumppad:
0x0: {  	(pc) =	sbr.rel $0x88, $3  }
0x1: {  	(tag) =	ssettag $0x0;
	lr =	simm.s32 $0x1  }
0x2: {  	[smem:$0x3F56] =	sst lr;
	_ =	strace $0xD0000000  }
0x3: {  	_ = 	snop  }
0x4: {  	_ = 	snop  }
0x5: {  	_ = 	snop  }
0x6: {  	_ = 	snop  }
0x7: {  	_ = 	snop  }
__scs_overlays_trampoline_lowered:
0x8: {  	[smem:$0x3F65] =	sst s0  }
0x9: {  	[smem:$0x3F66] =	sst s1  }
0xa: {  	[smem:$0x3F67] =	sst s2  }
0xb: {  	[smem:$0x3F68] =	sst s3  }
0xc: {  	[smem:$0x3F69] =	sst s4  }
0xd: {  	[smem:$0x3F6A] =	sst s5  }
0xe: {  	[smem:$0x3F6B] =	sst s6  }
0xf: {  	[smem:$0x3F6C] =	sst s7  }
0x10: {  	[smem:$0x3F6D] =	sst s8  }
0x11: {  	[smem:$0x3F6E] =	sst s9;
	s0 =	simm.s32 @!p0 $0x0  }
0x12: {  	s1 =	sld [smem:$0x3F54];
	s0 =	simm.s32 @p0 $0x1  }
0x13: {  	[smem:$0x3F6F] =	sst s0;
	s0 =	simm.s32 @!p1 $0x0  }
0x14: {  	s2 =	sld [smem:$0x3F53];
	s0 =	simm.s32 @p1 $0x1  }
0x15: {  	[smem:$0x3F70] =	sst s0;
	s0 =	simm.s32 @!p2 $0x0  }
0x16: {  	s3 =	sld [smem:$0x3FDB];
	s0 =	simm.s32 @p2 $0x1  }
0x17: {  	s4 =	simm.s32 $0x1BF5;
	[smem:$0x3F72] =	sst s0  }
0x18: {  	s0 =	sld [smem:$0x3F55];
	_ =	swait.ge [sflag:s4], $0x0  }
0x19: {  	s7 =	sld [smem:$0x3F56]  }
0x1a: {  	s8 =	sadd.s32 $0xFFFFE003, lr  }
0x1b: {  	s9 =	sadd.s32 $0xFFFFFEF7, lr;
	s5 =	simm.s32 $0xFFFFFFFF;
	p2 =	slt.u32 s8, $0xFFFFF086  }
0x1c: {  	p1 =	slt.u32 s9, $0xF7A;
	s5 =	simm.s32 @!p2 $0x0  }
0x1d: {  	s5 =	simm.s32 @p1 $0x1;
	p0 =	seq.s32 s7, s2  }
0x1e: {  	s7 =	smul.u32 @!p0 $0xF7A, s2;
	p2 =	seq.s32 @!p0 s5, $0x0  }
0x1f: {  	s9 =	smul.u32 $0xF7A, s1;
	s8 =	simm.s32 @!p0 $0x1BF5;
	p2 =	por !p2, p0  }
0x20: {  	[sflag:s8] =	ssyncset.s32 @!p0 $0xFFFFF086;
	s6 =	sadd.s32 @!p0 s3, s7;
	s7 =	simm.s32 @!p0 $0x108  }
0x21: {  	s3 =	sadd.s32 s3, s9;
	s6 =	sadd.s32 @!p0 $0x88, s6;
	s7 =	simm.s32 @p2 $0x1082  }
0x22: {  	[simem:s7], [sflag:s8] =	dma.local @!p0 [hbm:s6], $0xF7A  }
0x23: {  	s9 =	sor.u32 $0xD0000000, s2;
	s6 =	simm.s32 $0x108;
	_ =	swait.ge @!p0 [sflag:s8], $0x0  }
0x24: {  	s3 =	sadd.s32 $0x88, s3;
	s6 =	simm.s32 @!p1 $0x1082;
	[sflag:s4] =	ssyncset.s32 $0xFFFFF086  }
0x25: {  	[simem:s6], [sflag:s4] =	dma.local [hbm:s3], $0xF7A  }
0x26: {  	[smem:$0x3F56] =	sst s1;
	(tag) =	ssettag s2;
	_ =	strace s9  }
0x27: {  	s1 =	sld [smem:$0x3F66]  }
0x28: {  	s2 =	sld [smem:$0x3F67]  }
0x29: {  	s4 =	sld [smem:$0x3F69]  }
0x2a: {  	p0 =	seq.s32 s5, $0x0;
	s5 =	sld [smem:$0x3F6A]  }
0x2b: {  	s6 =	sld [smem:$0x3F6B]  }
0x2c: {  	s7 =	sld [smem:$0x3F6C]  }
0x2d: {  	s3 =	simm.s32 $0x108;
	s8 =	sld [smem:$0x3F6D]  }
0x2e: {  	s3 =	simm.s32 @!p0 $0x1082;
	s9 =	sld [smem:$0x3F6E]  }
0x2f: {  	lr =	sadd.s32 s0, s3;
	s0 =	sld [smem:$0x3F65]  }
0x30: {  	s3 =	sld [smem:$0x3F68]  }
0x31: {  	[smem:$0x3F71] =	sst s10  }
0x32: {  	s10 =	sld [smem:$0x3F6F];
	_ =	sdelay $0x3  }
0x33: {  	p0 =	seq.s32 s10, $0x1;
	s10 =	sld [smem:$0x3F71];
	_ =	sdelay $0x3  }
0x34: {  	[smem:$0x3F71] =	sst s10  }
0x35: {  	s10 =	sld [smem:$0x3F70];
	_ =	sdelay $0x3  }
0x36: {  	p1 =	seq.s32 s10, $0x1;
	s10 =	sld [smem:$0x3F71];
	_ =	sdelay $0x3  }
0x37: {  	[smem:$0x3F71] =	sst s10  }
0x38: {  	s10 =	sld [smem:$0x3F72]  }
0x39: {  	_ = 	snop;
	(pc) =	sbr.ind lr, $3  }
0x3a: {  	_ = 	snop  }
0x3b: {  	_ = 	snop  }
0x3c: {  	p2 =	seq.s32 s10, $0x1;
	s10 =	sld [smem:$0x3F71]  }
0x3d: {  	_ =	shalt  }
0x3e: {  	_ =	shalt  }
0x3f: {  	_ =	shalt  }
0x40: {  	_ =	shalt  }
0x41: {  	_ =	shalt  }
0x42: {  	_ =	shalt  }
0x43: {  	_ =	shalt  }
0x44: {  	_ =	shalt  }
0x45: {  	_ =	shalt  }
0x46: {  	_ =	shalt  }
0x47: {  	_ =	shalt  }
0x48: {  	_ =	shalt  }
0x49: {  	_ =	shalt  }
0x4a: {  	_ =	shalt  }
0x4b: {  	_ =	shalt  }
0x4c: {  	_ =	shalt  }
0x4d: {  	_ =	shalt  }
0x4e: {  	_ =	shalt  }
0x4f: {  	_ =	shalt  }
0x50: {  	_ =	shalt  }
0x51: {  	_ =	shalt  }
0x52: {  	_ =	shalt  }
0x53: {  	_ =	shalt  }
0x54: {  	_ =	shalt  }
0x55: {  	_ =	shalt  }
0x56: {  	_ =	shalt  }
0x57: {  	_ =	shalt  }
0x58: {  	_ =	shalt  }
0x59: {  	_ =	shalt  }
0x5a: {  	_ =	shalt  }
0x5b: {  	_ =	shalt  }
0x5c: {  	_ =	shalt  }
0x5d: {  	_ =	shalt  }
0x5e: {  	_ =	shalt  }
0x5f: {  	_ =	shalt  }
0x60: {  	_ =	shalt  }
0x61: {  	_ =	shalt  }
0x62: {  	_ =	shalt  }
0x63: {  	_ =	shalt  }
0x64: {  	_ =	shalt  }
0x65: {  	_ =	shalt  }
0x66: {  	_ =	shalt  }
0x67: {  	_ =	shalt  }
0x68: {  	_ =	shalt  }
0x69: {  	_ =	shalt  }
0x6a: {  	_ =	shalt  }
0x6b: {  	_ =	shalt  }
0x6c: {  	_ =	shalt  }
0x6d: {  	_ =	shalt  }
0x6e: {  	_ =	shalt  }
0x6f: {  	_ =	shalt  }
0x70: {  	_ =	shalt  }
0x71: {  	_ =	shalt  }
0x72: {  	_ =	shalt  }
0x73: {  	_ =	shalt  }
0x74: {  	_ =	shalt  }
0x75: {  	_ =	shalt  }
0x76: {  	_ =	shalt  }
0x77: {  	_ =	shalt  }
0x78: {  	_ =	shalt  }
0x79: {  	_ =	shalt  }
0x7a: {  	_ =	shalt  }
0x7b: {  	_ =	shalt  }
0x7c: {  	_ =	shalt  }
0x7d: {  	_ =	shalt  }
0x7e: {  	_ =	shalt  }
0x7f: {  	_ =	shalt  }
0x80: {  	_ =	shalt  }
0x81: {  	_ =	shalt  }
0x82: {  	_ =	shalt  }
0x83: {  	_ =	shalt  }
0x84: {  	_ =	shalt  }
0x85: {  	_ =	shalt  }
0x86: {  	_ =	shalt  }
0x87: {  	_ =	shalt  }
.Lfunc_end0:
.L_simem_size_0:
called_computation_lowered:
.L_overlay_start_0:
0x88: {  	s2 =	sld [smem:$0x3FD9]  }
0x89: {  	s3 =	sld [smem:$0x3FFE];
	_ =	sdelay $0x1  }
0x8a: {  	s1 =	srdreg.scid  }
0x8b: {  	s0 =	sand.u32 $0x1, s1  }
0x8c: {  	s14 =	sshll.u32 s0, $0xA;
	s2 =	sadd.s32 s3, s2  }
0x8d: {  	s2 =	sadd.s32 s2, s14  }
0x8e: {  	[smem:$0x3F7D] =	sst s2  }
0x8f: {  	_ = 	snop  }
0x90: {  	s2 =	sld [smem:$0x3FD0];
	_ =	sdelay $0x2  }
0x91: {  	s15 =	simm.s32 $0xA;
	s4 =	simm.s32 $0x10  }
0x92: {  	[smem:s4], [sflag:s15] =	dma.local [hbm:s2], $0x1  }
0x93: {  	_ =	swait.eq [sflag:s15], $0x1  }
0x94: {  	[sflag:s15] =	ssyncset.done $0x0  }
0x95: {  	[sflag:s15] =	ssyncadd.s32 $0xFFFFFFFF  }
0x96: {  	s16 =	sld [smem:$0x11];
	(tm) =	ssettm $0x1  }
0x97: {  	s17 =	sld [smem:$0x3FFB];
	_ =	sdelay $0x3  }
0x98: {  	_ =	strace s17  }
0x99: {  	s3 =	sld [smem:$0x3FFC];
	_ =	sdelay $0x3  }
0x9a: {  	_ =	strace s3  }
0x9b: {  	s3 =	sld [smem:$0x3FFD];
	_ =	sdelay $0x3  }
0x9c: {  	_ =	strace s3  }
0x9d: {  	_ =	strace $0x8FFFFFFF  }
0x9e: {  	s18 =	sld [smem:$0x3FDB];
	_ =	sdelay $0x1  }
0x9f: {  	s19 =	simm.s32 $_scs_section_size  }
0xa0: {  	s5 =	simm.s32 $_size__tile_overlayer_lowered;
	s6 =	simm.s32 $_tile_overlayer_lowered  }
0xa1: {  	s22 =	simm.s32 $0x1BFF;
	s21 =	sshll.u32 s6, $0x1;
	s3 =	sadd.s32 s19, s18  }
0xa2: {  	s7 =	simm.s32 $0x0;
	s20 =	sshll.u32 s5, $0x1;
	s5 =	sadd.s32 s21, s3  }
0xa3: {  	[timem:s7], [sflag:s22] =	dma.local [hbm:s5], s20  }
0xa4: {  	_ =	swait.ge [sflag:s22], s20  }
0xa5: {  	s4 =	ssub.s32 $0x0, s20;
	[sflag:s22] =	ssyncset.done $0x0  }
0xa6: {  	[sflag:s22] =	ssyncadd.s32 s4;
	_ =	sdelay $0x1  }
0xa7: {  	s23 =	simm.s32 $0x1B8B  }
0xa8: {  	_ =	swait.ge [sflag:s23], $0x1  }
0xa9: {  	[sflag:s23] =	ssyncset.done $0x0  }
0xaa: {  	s25 =	simm.s32 $0x1B8E;
	s24 =	sld [smem:$0x3FFE];
	[sflag:s23] =	ssyncadd.s32 $0xFFFFFFFF  }
0xab: {  	s26 =	simm.s32 $execute0_lowered;
	[smem:$0x3FD2] =	sst s25  }
0xac: {  	s5 =	sshll.u32 s26, $0x1;
	_ =	strace $0x80000046;
	[dreg:$0x1] =	wrdreg $0xFFFFFFFF  }
0xad: {  	s28 =	simm.s32 $_size_execute0_lowered;
	s3 =	sadd.s32 s3, s5;
	[dreg:$0x0] =	wrdreg $0x0  }
0xae: {  	s5 =	sshll.u32 s28, $0x1;
	[dreg:$0x2] =	wrdreg s3  }
0xaf: {  	[dreg:$0x3] =	wrdreg s5  }
0xb0: {  	[dreg:$0x4] =	wrdreg $0xC0  }
0xb1: {  	_ =	task [dreg:s7], $0x5FFFF  }
0xb2: {  	[dreg:$0x1] =	wrdreg $0xFFFFFFFF  }
0xb3: {  	[dreg:$0x0] =	wrdreg $0x60  }
0xb4: {  	[dreg:$0x2] =	wrdreg s16  }
0xb5: {  	[dreg:$0x3] =	wrdreg s24  }
0xb6: {  	[dreg:$0x4] =	wrdreg $0x9  }
0xb7: {  	_ =	task.clear_ibuf [dreg:s7], $0x5FFFF;
	_ =	strace $0x90000046  }
0xb8: {  	s29 =	simm.s32 $0x9;
	_ =	strace $0x80000048  }
0xb9: {  	_ =	swait.ge [sflag:s29], $0x1  }
0xba: {  	[sflag:s29] =	ssyncadd.s32 $0xFFFFFFFF  }
0xbb: {  	_ =	strace $0x90000048  }
0xbc: {  	_ =	sfence  }
0xbd: {  	s30 =	sld [smem:$0x0];
	_ =	sdelay $0x2  }
0xbe: {  	s31 =	sshll.u32 s1, $0xD;
	s1 =	sshrl.u32 s1, $0x2  }
0xbf: {  	s3 =	sand.u32 $0x4000, s31;
	s1 =	sadd.s32 s1, s30  }
0xc0: {  	s0 =	sor.u32 s3, s0;
	s1 =	sshll.u32 s1, $0x11  }
0xc1: {  	s0 =	sor.u32 s1, s0  }
0xc2: {  	s0 =	sadd.s32 $0x8F2B, s0  }
0xc3: {  	[sflag:s0] =	ssyncadd.remote.s32 $0x1  }
0xc4: {  	_ =	sfence.sel $0xFFFF  }
0xc5: {  	[dreg:$0x0] =	wrdreg $0xFFFFFFFF;
	(pc) =	sbr.abs _section_cstart, $3  }
0xc6: {  	[dreg:$0x1] =	wrdreg $0xFFFFFFFF  }
0xc7: {  	_ =	task.clear_ibuf [dreg:s7], $0x2FFFF;
	_ =	strace $0x9FFFFFFF  }
0xc8: {  	(tm) =	ssettm $0x7FFFFFFF  }
0xc9: {  	_ =	shalt  }
tec
execute0_lowered:
.L_overlay_start_1:
0x0: {  	(tag) =	ssettag $0x1  }
0x1: {  	s1 =	rddreg [dreg:$0x0]  }
0x2: {  	s4 =	rddreg [dreg:$0x1]  }
0x3: {  	s0 =	rddreg [dreg:$0x2]  }
0x4: {  	s5 =	srdreg.scid;
	s3 =	simm.s32 $0x0;
	s2 =	stileid.u32  }
0x5: {  	s9 =	sand.u32 $0x1, s5;
	[smem:$0x7FF] =	sst s3;
	s29 =	sshll.u32 s2, $0x5  }
0x6: {  	s7 =	sshll.u32 s2, $0xC;
	s10 =	sshll.u32 s2, $0x1;
	s6 =	sshll.u32 s9, $0x4  }
0x7: {  	_ =	strace $0x80000047;
	s8 =	ssub.s32 $0x2, s9;
	s7 =	sadd.s32 s7, s4  }
0x8: {  	s31 =	sshll.u32 s9, $0xB;
	s9 =	sor.u32 s9, s10;
	s5 =	sor.u32 s6, s29  }
0x9: {  	s30 =	sshrl.u32 s8, $0x1;
	s6 =	sand.u32 $0x180, s5;
	s5 =	sand.u32 $0x70, s5  }
0xa: {  	s6 =	sadd.s32 s6, s4;
	s4 =	ssub.s32 s8, s30;
	s8 =	sadd.s32 s31, s7  }
0xb: {  	s4 =	smax.u32 s4, $0x1;
	s6 =	sadd.s32 s5, s6;
	s7 =	sadd.s32 $0x502E00, s8  }
0xc: {  	s8 =	sadd.s32 $0x20E00, s8;
	s5 =	sadd.s32 $0xD200, s6;
	s6 =	sadd.s32 $0x17000, s6  }
.LBB2_1:
0xd: {  	p0 =	sgt.u32 s9, $0x9C3  }
0xe: {  	s10 =	sadd.s32 @!p0 $0x0, s5;
	s11 =	simm.s32 @!p0 $0x0;
	s14 =	simm.s32 @!p0 $0x4  }
0xf: {  	[tilespmem:s11], [sflag:$0x4] =	stream.linear.gather @!p0 [hbm4b:s10+s11], $0x80, $0x38;
	[tilespmem:$0x8100] =	vst v63  }
0x10: {  	_ =	swait.ge @!p0 [sflag:s14], $0x80;
	p0 =	por p0, p0  }
0x11: {  	[sflag:s14] =	ssyncset.done @!p0 $0x0  }
0x12: {  	s10 =	sadd.s32 @!p0 $0x0, s6;
	s12 =	simm.s32 @!p0 $0x80;
	[sflag:s14] =	ssyncadd.s32 @!p0 $0xFFFFFF80  }
0x13: {  	[tilespmem:s12], [sflag:$0x4] =	stream.linear.gather @!p0 [hbm4b:s10+s11], $0x80, $0x38;
	[tilespmem:$0x8100] =	vst v63  }
0x14: {  	_ =	swait.ge @!p0 [sflag:s14], $0x80  }
0x15: {  	[sflag:s14] =	ssyncset.done @!p0 $0x0  }
0x16: {  	s10 =	simm.s32 @!p0 $0x100;
	[sflag:s14] =	ssyncadd.s32 @!p0 $0xFFFFFF80  }
0x17: {  	[tilespmem:s10], [sflag:$0x1] =	stream.indirect.gather @!p0 [hbm4b:s1+s12], $0x80, s11, s12, $0xb8;
	[tilespmem:$0x8100] =	vst v63  }
0x18: {  	s15 =	simm.s32 @!p0 $0x4100;
	s13 =	simm.s32 @!p0 $0x1  }
0x19: {  	[tilespmem:s15], [sflag:$0x2] =	stream.indirect.gather @!p0 [hbm4b:s1+s12], $0x80, s12, s12, $0xb8;
	[tilespmem:$0x8100] =	vst v63  }
0x1a: {  	_ =	swait.ge @!p0 [sflag:s13], $0x4000  }
0x1b: {  	[sflag:s13] =	ssyncset.done @!p0 $0x0  }
0x1c: {  	s12 =	simm.s32 @!p0 $0x2;
	[sflag:s13] =	ssyncadd.s32 @!p0 $0xFFFFC000  }
0x1d: {  	_ =	swait.ge @!p0 [sflag:s12], $0x4000  }
0x1e: {  	[sflag:s12] =	ssyncset.done @!p0 $0x0  }
0x1f: {  	[sflag:s12] =	ssyncadd.s32 @!p0 $0xFFFFC000  }
0x20: {  	[hbm4b:s8+s11] =	stream.linear.scatter @!p0 [tilespmem:s10], [sflag:$0x4], $0x4000, $0x38;
	[tilespmem:$0x8100] =	vst v63  }
0x21: {  	_ =	swait.ge @!p0 [sflag:s14], $0x4000  }
0x22: {  	[sflag:s14] =	ssyncset.done @!p0 $0x0  }
0x23: {  	s13 =	simm.s32 $0x400;
	s12 =	simm.s32 $0x200;
	[sflag:s14] =	ssyncadd.s32 @!p0 $0xFFFFC000  }
0x24: {  	[hbm4b:s7+s11] =	stream.linear.scatter @!p0 [tilespmem:s15], [sflag:$0x3], $0x4000, $0x38;
	[tilespmem:$0x8100] =	vst v63  }
0x25: {  	s10 =	sadd.s32 $0x10000, s8;
	s14 =	sadd.s32 $0x20, s9;
	s15 =	simm.s32 @!p0 $0x3  }
0x26: {  	p2 =	sgt.u32 s14, $0x9C3;
	s11 =	sadd.s32 $0x10000, s7;
	_ =	swait.ge @!p0 [sflag:s15], $0x4000  }
.LBB2_2:
0x27: {  	s16 =	sadd.s32 @!p2 s12, s5  }
0x28: {  	s17 =	simm.s32 @!p2 $0x0;
	[sflag:s15] =	ssyncset.done @!p0 $0x0;
	s18 =	smov.u32 s13  }
0x29: {  	s13 =	sadd.s32 $0x200, s13;
	s19 =	simm.s32 @!p2 $0x4;
	[sflag:s15] =	ssyncadd.s32 @!p0 $0xFFFFC000  }
0x2a: {  	[tilespmem:s17], [sflag:$0x4] =	stream.linear.gather @!p2 [hbm4b:s16+s17], $0x80, $0x38;
	[tilespmem:$0x8100] =	vst v63  }
0x2b: {  	p1 =	sne.s32 s13, $0x9E00;
	p0 =	por p2, p2;
	_ =	swait.ge @!p2 [sflag:s19], $0x80  }
0x2c: {  	[sflag:s19] =	ssyncset.done @!p0 $0x0  }
0x2d: {  	s12 =	sadd.s32 @!p0 s12, s6;
	s15 =	simm.s32 @!p0 $0x80;
	[sflag:s19] =	ssyncadd.s32 @!p0 $0xFFFFFF80  }
0x2e: {  	[tilespmem:s15], [sflag:$0x4] =	stream.linear.gather @!p0 [hbm4b:s12+s17], $0x80, $0x38;
	[tilespmem:$0x8100] =	vst v63  }
0x2f: {  	s12 =	smov.u32 s18;
	_ =	swait.ge @!p0 [sflag:s19], $0x80  }
0x30: {  	[sflag:s19] =	ssyncset.done @!p0 $0x0  }
0x31: {  	s16 =	simm.s32 @!p0 $0x100;
	[sflag:s19] =	ssyncadd.s32 @!p0 $0xFFFFFF80  }
0x32: {  	[tilespmem:s16], [sflag:$0x1] =	stream.indirect.gather @!p0 [hbm4b:s1+s15], $0x80, s17, s15, $0xb8;
	[tilespmem:$0x8100] =	vst v63  }
0x33: {  	s20 =	simm.s32 @!p0 $0x1;
	s18 =	simm.s32 @!p0 $0x4100  }
0x34: {  	[tilespmem:s18], [sflag:$0x2] =	stream.indirect.gather @!p0 [hbm4b:s1+s15], $0x80, s15, s15, $0xb8;
	[tilespmem:$0x8100] =	vst v63  }
0x35: {  	_ =	swait.ge @!p0 [sflag:s20], $0x4000  }
0x36: {  	[sflag:s20] =	ssyncset.done @!p0 $0x0  }
0x37: {  	s15 =	simm.s32 @!p0 $0x2;
	[sflag:s20] =	ssyncadd.s32 @!p0 $0xFFFFC000  }
0x38: {  	_ =	swait.ge @!p0 [sflag:s15], $0x4000  }
0x39: {  	[sflag:s15] =	ssyncset.done @!p0 $0x0  }
0x3a: {  	[sflag:s15] =	ssyncadd.s32 @!p0 $0xFFFFC000  }
0x3b: {  	[hbm4b:s10+s17] =	stream.linear.scatter @!p0 [tilespmem:s16], [sflag:$0x4], $0x4000, $0x38;
	[tilespmem:$0x8100] =	vst v63  }
.Ltmp0:
0x3c: {  	_ =	swait.ge @!p0 [sflag:s19], $0x4000;
	(pc) =	sbr.rel @p1 .LBB2_2-.Ltmp0, $4  }
0x3d: {  	s10 =	sadd.s32 $0x10000, s10;
	[sflag:s19] =	ssyncset.done @!p0 $0x0  }
0x3e: {  	s14 =	sadd.s32 $0x20, s14;
	s15 =	simm.s32 @!p0 $0x3;
	[sflag:s19] =	ssyncadd.s32 @!p0 $0xFFFFC000  }
0x3f: {  	[hbm4b:s11+s17] =	stream.linear.scatter @!p0 [tilespmem:s18], [sflag:$0x3], $0x4000, $0x38;
	[tilespmem:$0x8100] =	vst v63  }
0x40: {  	p2 =	sgt.u32 s14, $0x9C3;
	s11 =	sadd.s32 $0x10000, s11;
	_ =	swait.ge @!p0 [sflag:s15], $0x4000  }
0x41: {  	s13 =	sadd.s32 @!p2 s12, s5;
	[sflag:s15] =	ssyncset.done @!p0 $0x0  }
0x42: {  	s14 =	simm.s32 @!p2 $0x0;
	s16 =	simm.s32 @!p2 $0x4;
	[sflag:s15] =	ssyncadd.s32 @!p0 $0xFFFFC000  }
0x43: {  	[tilespmem:s14], [sflag:$0x4] =	stream.linear.gather @!p2 [hbm4b:s13+s14], $0x80, $0x38;
	[tilespmem:$0x8100] =	vst v63  }
0x44: {  	p0 =	por p2, p2;
	_ =	swait.ge @!p2 [sflag:s16], $0x80  }
0x45: {  	[sflag:s16] =	ssyncset.done @!p0 $0x0  }
0x46: {  	s12 =	sadd.s32 @!p0 s12, s6;
	s13 =	simm.s32 @!p0 $0x80;
	[sflag:s16] =	ssyncadd.s32 @!p0 $0xFFFFFF80  }
0x47: {  	[tilespmem:s13], [sflag:$0x4] =	stream.linear.gather @!p0 [hbm4b:s12+s14], $0x80, $0x38;
	[tilespmem:$0x8100] =	vst v63  }
0x48: {  	_ =	swait.ge @!p0 [sflag:s16], $0x80  }
0x49: {  	[sflag:s16] =	ssyncset.done @!p0 $0x0  }
0x4a: {  	s12 =	simm.s32 @!p0 $0x100;
	[sflag:s16] =	ssyncadd.s32 @!p0 $0xFFFFFF80  }
0x4b: {  	[tilespmem:s12], [sflag:$0x1] =	stream.indirect.gather @!p0 [hbm4b:s1+s13], $0x80, s14, s13, $0xb8;
	[tilespmem:$0x8100] =	vst v63  }
0x4c: {  	s15 =	simm.s32 @!p0 $0x4100;
	s17 =	simm.s32 @!p0 $0x1  }
0x4d: {  	[tilespmem:s15], [sflag:$0x2] =	stream.indirect.gather @!p0 [hbm4b:s1+s13], $0x80, s13, s13, $0xb8;
	[tilespmem:$0x8100] =	vst v63  }
0x4e: {  	_ =	swait.ge @!p0 [sflag:s17], $0x4000  }
0x4f: {  	[sflag:s17] =	ssyncset.done @!p0 $0x0  }
0x50: {  	s13 =	simm.s32 @!p0 $0x2;
	[sflag:s17] =	ssyncadd.s32 @!p0 $0xFFFFC000  }
0x51: {  	_ =	swait.ge @!p0 [sflag:s13], $0x4000  }
0x52: {  	[sflag:s13] =	ssyncset.done @!p0 $0x0  }
0x53: {  	[sflag:s13] =	ssyncadd.s32 @!p0 $0xFFFFC000  }
0x54: {  	[hbm4b:s10+s14] =	stream.linear.scatter @!p0 [tilespmem:s12], [sflag:$0x4], $0x4000, $0x38;
	[tilespmem:$0x8100] =	vst v63  }
0x55: {  	s3 =	sadd.s32 $0x1, s3;
	_ =	swait.ge @!p0 [sflag:s16], $0x4000  }
0x56: {  	p1 =	sne.s32 s3, s4;
	[sflag:s16] =	ssyncset.done @!p0 $0x0  }
.Ltmp1:
0x57: {  	s10 =	simm.s32 @!p0 $0x3;
	[sflag:s16] =	ssyncadd.s32 @!p0 $0xFFFFC000;
	(pc) =	sbr.rel @p1 .LBB2_1-.Ltmp1, $4  }
0x58: {  	[hbm4b:s11+s14] =	stream.linear.scatter @!p0 [tilespmem:s15], [sflag:$0x3], $0x4000, $0x38;
	[tilespmem:$0x8100] =	vst v63  }
0x59: {  	_ =	swait.ge @!p0 [sflag:s10], $0x4000  }
0x5a: {  	[sflag:s10] =	ssyncset.done @!p0 $0x0  }
0x5b: {  	[sflag:s10] =	ssyncadd.s32 @!p0 $0xFFFFC000  }
0x5c: {  	_ =	sfence.sel $0x180000  }
0x5d: {  	[bflag:$0x0] =	sbarrier.arrive $0xFFFF  }
0x5e: {  	p0 =	sne.s32 s2, $0x0;
	_ =	strace $0x90000047  }
0x5f: {  	s0 =	sadd.s32 @!p0 $0x100000, s0;
	[bflag:$0x2] =	sbarrier.arrive $0xFFFF  }
0x60: {  	[sflag:s0] =	ssyncadd.tile.s32 @!p0 $0x1;
	_ =	shalt  }
.Lfunc_end2:
_tile_overlayer_lowered:
.L_overlay_start_2:
0x61: {  	(tag) =	ssettag $0x2  }
0x62: {  	s0 =	rddreg [dreg:$0x0];
	s2 =	stileid.u32  }
0x63: {  	s1 =	rddreg [dreg:$0x1];
	p0 =	sne.s32 s2, $0x0  }
0x64: {  	s3 =	rddreg [dreg:$0x2];
	[bflag:$0x3] =	sbarrier.arrive $0xFFFF;
	s2 =	simm.s32 @!p0 $0x1C03  }
0x65: {  	[timem:s3], [sflag:s2] =	dma.local @!p0 [hbm:s0], s1  }
0x66: {  	s0 =	simm.s32 @!p0 $0x3  }
0x67: {  	_ =	swait.ge @!p0 [sflag:s0], s1  }
0x68: {  	s1 =	ssub.s32 @!p0 $0x0, s1;
	[sflag:s0] =	ssyncset.done @!p0 $0x0  }
0x69: {  	[sflag:s0] =	ssyncadd.s32 @!p0 s1  }
0x6a: {  	[bflag:$0x3] =	sbarrier.arrive $0xFFFF  }
0x6b: {  	_ =	shalt  }

// kernel: kernel.20.cloned.1.call-start
scs
__scs_entry_jumppad:
0x0: {  	(pc) =	sbr.rel $0x88, $3  }
0x1: {  	(tag) =	ssettag $0x0;
	lr =	simm.s32 $0x1  }
0x2: {  	[smem:$0x3F56] =	sst lr;
	_ =	strace $0xD0000000  }
0x3: {  	_ = 	snop  }
0x4: {  	_ = 	snop  }
0x5: {  	_ = 	snop  }
0x6: {  	_ = 	snop  }
0x7: {  	_ = 	snop  }
__scs_overlays_trampoline_lowered:
0x8: {  	[smem:$0x3F65] =	sst s0  }
0x9: {  	[smem:$0x3F66] =	sst s1  }
0xa: {  	[smem:$0x3F67] =	sst s2  }
0xb: {  	[smem:$0x3F68] =	sst s3  }
0xc: {  	[smem:$0x3F69] =	sst s4  }
0xd: {  	[smem:$0x3F6A] =	sst s5  }
0xe: {  	[smem:$0x3F6B] =	sst s6  }
0xf: {  	[smem:$0x3F6C] =	sst s7  }
0x10: {  	[smem:$0x3F6D] =	sst s8  }
0x11: {  	[smem:$0x3F6E] =	sst s9;
	s0 =	simm.s32 @!p0 $0x0  }
0x12: {  	s1 =	sld [smem:$0x3F54];
	s0 =	simm.s32 @p0 $0x1  }
0x13: {  	[smem:$0x3F6F] =	sst s0;
	s0 =	simm.s32 @!p1 $0x0  }
0x14: {  	s2 =	sld [smem:$0x3F53];
	s0 =	simm.s32 @p1 $0x1  }
0x15: {  	[smem:$0x3F70] =	sst s0;
	s0 =	simm.s32 @!p2 $0x0  }
0x16: {  	s3 =	sld [smem:$0x3FDB];
	s0 =	simm.s32 @p2 $0x1  }
0x17: {  	s4 =	simm.s32 $0x1BF5;
	[smem:$0x3F72] =	sst s0  }
0x18: {  	s0 =	sld [smem:$0x3F55];
	_ =	swait.ge [sflag:s4], $0x0  }
0x19: {  	s7 =	sld [smem:$0x3F56]  }
0x1a: {  	s8 =	sadd.s32 $0xFFFFE003, lr  }
0x1b: {  	s9 =	sadd.s32 $0xFFFFFEF7, lr;
	s5 =	simm.s32 $0xFFFFFFFF;
	p2 =	slt.u32 s8, $0xFFFFF086  }
0x1c: {  	p1 =	slt.u32 s9, $0xF7A;
	s5 =	simm.s32 @!p2 $0x0  }
0x1d: {  	s5 =	simm.s32 @p1 $0x1;
	p0 =	seq.s32 s7, s2  }
0x1e: {  	s7 =	smul.u32 @!p0 $0xF7A, s2;
	p2 =	seq.s32 @!p0 s5, $0x0  }
0x1f: {  	s9 =	smul.u32 $0xF7A, s1;
	s8 =	simm.s32 @!p0 $0x1BF5;
	p2 =	por !p2, p0  }
0x20: {  	[sflag:s8] =	ssyncset.s32 @!p0 $0xFFFFF086;
	s6 =	sadd.s32 @!p0 s3, s7;
	s7 =	simm.s32 @!p0 $0x108  }
0x21: {  	s3 =	sadd.s32 s3, s9;
	s6 =	sadd.s32 @!p0 $0x88, s6;
	s7 =	simm.s32 @p2 $0x1082  }
0x22: {  	[simem:s7], [sflag:s8] =	dma.local @!p0 [hbm:s6], $0xF7A  }
0x23: {  	s9 =	sor.u32 $0xD0000000, s2;
	s6 =	simm.s32 $0x108;
	_ =	swait.ge @!p0 [sflag:s8], $0x0  }
0x24: {  	s3 =	sadd.s32 $0x88, s3;
	s6 =	simm.s32 @!p1 $0x1082;
	[sflag:s4] =	ssyncset.s32 $0xFFFFF086  }
0x25: {  	[simem:s6], [sflag:s4] =	dma.local [hbm:s3], $0xF7A  }
0x26: {  	[smem:$0x3F56] =	sst s1;
	(tag) =	ssettag s2;
	_ =	strace s9  }
0x27: {  	s1 =	sld [smem:$0x3F66]  }
0x28: {  	s2 =	sld [smem:$0x3F67]  }
0x29: {  	s4 =	sld [smem:$0x3F69]  }
0x2a: {  	p0 =	seq.s32 s5, $0x0;
	s5 =	sld [smem:$0x3F6A]  }
0x2b: {  	s6 =	sld [smem:$0x3F6B]  }
0x2c: {  	s7 =	sld [smem:$0x3F6C]  }
0x2d: {  	s3 =	simm.s32 $0x108;
	s8 =	sld [smem:$0x3F6D]  }
0x2e: {  	s3 =	simm.s32 @!p0 $0x1082;
	s9 =	sld [smem:$0x3F6E]  }
0x2f: {  	lr =	sadd.s32 s0, s3;
	s0 =	sld [smem:$0x3F65]  }
0x30: {  	s3 =	sld [smem:$0x3F68]  }
0x31: {  	[smem:$0x3F71] =	sst s10  }
0x32: {  	s10 =	sld [smem:$0x3F6F];
	_ =	sdelay $0x3  }
0x33: {  	p0 =	seq.s32 s10, $0x1;
	s10 =	sld [smem:$0x3F71];
	_ =	sdelay $0x3  }
0x34: {  	[smem:$0x3F71] =	sst s10  }
0x35: {  	s10 =	sld [smem:$0x3F70];
	_ =	sdelay $0x3  }
0x36: {  	p1 =	seq.s32 s10, $0x1;
	s10 =	sld [smem:$0x3F71];
	_ =	sdelay $0x3  }
0x37: {  	[smem:$0x3F71] =	sst s10  }
0x38: {  	s10 =	sld [smem:$0x3F72]  }
0x39: {  	_ = 	snop;
	(pc) =	sbr.ind lr, $3  }
0x3a: {  	_ = 	snop  }
0x3b: {  	_ = 	snop  }
0x3c: {  	p2 =	seq.s32 s10, $0x1;
	s10 =	sld [smem:$0x3F71]  }
0x3d: {  	_ =	shalt  }
0x3e: {  	_ =	shalt  }
0x3f: {  	_ =	shalt  }
0x40: {  	_ =	shalt  }
0x41: {  	_ =	shalt  }
0x42: {  	_ =	shalt  }
0x43: {  	_ =	shalt  }
0x44: {  	_ =	shalt  }
0x45: {  	_ =	shalt  }
0x46: {  	_ =	shalt  }
0x47: {  	_ =	shalt  }
0x48: {  	_ =	shalt  }
0x49: {  	_ =	shalt  }
0x4a: {  	_ =	shalt  }
0x4b: {  	_ =	shalt  }
0x4c: {  	_ =	shalt  }
0x4d: {  	_ =	shalt  }
0x4e: {  	_ =	shalt  }
0x4f: {  	_ =	shalt  }
0x50: {  	_ =	shalt  }
0x51: {  	_ =	shalt  }
0x52: {  	_ =	shalt  }
0x53: {  	_ =	shalt  }
0x54: {  	_ =	shalt  }
0x55: {  	_ =	shalt  }
0x56: {  	_ =	shalt  }
0x57: {  	_ =	shalt  }
0x58: {  	_ =	shalt  }
0x59: {  	_ =	shalt  }
0x5a: {  	_ =	shalt  }
0x5b: {  	_ =	shalt  }
0x5c: {  	_ =	shalt  }
0x5d: {  	_ =	shalt  }
0x5e: {  	_ =	shalt  }
0x5f: {  	_ =	shalt  }
0x60: {  	_ =	shalt  }
0x61: {  	_ =	shalt  }
0x62: {  	_ =	shalt  }
0x63: {  	_ =	shalt  }
0x64: {  	_ =	shalt  }
0x65: {  	_ =	shalt  }
0x66: {  	_ =	shalt  }
0x67: {  	_ =	shalt  }
0x68: {  	_ =	shalt  }
0x69: {  	_ =	shalt  }
0x6a: {  	_ =	shalt  }
0x6b: {  	_ =	shalt  }
0x6c: {  	_ =	shalt  }
0x6d: {  	_ =	shalt  }
0x6e: {  	_ =	shalt  }
0x6f: {  	_ =	shalt  }
0x70: {  	_ =	shalt  }
0x71: {  	_ =	shalt  }
0x72: {  	_ =	shalt  }
0x73: {  	_ =	shalt  }
0x74: {  	_ =	shalt  }
0x75: {  	_ =	shalt  }
0x76: {  	_ =	shalt  }
0x77: {  	_ =	shalt  }
0x78: {  	_ =	shalt  }
0x79: {  	_ =	shalt  }
0x7a: {  	_ =	shalt  }
0x7b: {  	_ =	shalt  }
0x7c: {  	_ =	shalt  }
0x7d: {  	_ =	shalt  }
0x7e: {  	_ =	shalt  }
0x7f: {  	_ =	shalt  }
0x80: {  	_ =	shalt  }
0x81: {  	_ =	shalt  }
0x82: {  	_ =	shalt  }
0x83: {  	_ =	shalt  }
0x84: {  	_ =	shalt  }
0x85: {  	_ =	shalt  }
0x86: {  	_ =	shalt  }
0x87: {  	_ =	shalt  }
.Lfunc_end0:
.L_simem_size_0:
called_computation.1_lowered:
.L_overlay_start_0:
0x88: {  	s2 =	sld [smem:$0x3FD9]  }
0x89: {  	s3 =	sld [smem:$0x3FFE];
	_ =	sdelay $0x1  }
0x8a: {  	s1 =	srdreg.scid  }
0x8b: {  	s0 =	sand.u32 $0x1, s1  }
0x8c: {  	s16 =	sshll.u32 s0, $0xA;
	s2 =	sadd.s32 s3, s2  }
0x8d: {  	s2 =	sadd.s32 s2, s16  }
0x8e: {  	[smem:$0x3F7D] =	sst s2  }
0x8f: {  	_ = 	snop  }
0x90: {  	(tm) =	ssettm $0x1  }
0x91: {  	s17 =	sld [smem:$0x3FFB];
	_ =	sdelay $0x3  }
0x92: {  	_ =	strace s17  }
0x93: {  	s2 =	sld [smem:$0x3FFC];
	_ =	sdelay $0x3  }
0x94: {  	_ =	strace s2  }
0x95: {  	s2 =	sld [smem:$0x3FFD];
	_ =	sdelay $0x3  }
0x96: {  	_ =	strace s2  }
0x97: {  	_ =	strace $0x8FFFFFFF  }
0x98: {  	s18 =	sld [smem:$0x3FDB];
	_ =	sdelay $0x1  }
0x99: {  	s19 =	simm.s32 $_scs_section_size  }
0x9a: {  	s4 =	simm.s32 $_size__tile_overlayer_lowered;
	s5 =	simm.s32 $_tile_overlayer_lowered  }
0x9b: {  	s22 =	simm.s32 $0x1BFF;
	s21 =	sshll.u32 s5, $0x1;
	s2 =	sadd.s32 s19, s18  }
0x9c: {  	s6 =	simm.s32 $0x0;
	s20 =	sshll.u32 s4, $0x1;
	s4 =	sadd.s32 s21, s2  }
0x9d: {  	[timem:s6], [sflag:s22] =	dma.local [hbm:s4], s20  }
0x9e: {  	_ =	swait.ge [sflag:s22], s20  }
0x9f: {  	s3 =	ssub.s32 $0x0, s20;
	[sflag:s22] =	ssyncset.done $0x0  }
0xa0: {  	[sflag:s22] =	ssyncadd.s32 s3;
	_ =	sdelay $0x1  }
0xa1: {  	s23 =	simm.s32 $0x1B8B  }
0xa2: {  	_ =	swait.ge [sflag:s23], $0x1  }
0xa3: {  	[sflag:s23] =	ssyncset.done $0x0  }
0xa4: {  	s25 =	simm.s32 $0x1B8E;
	s24 =	sld [smem:$0x3FFE];
	[sflag:s23] =	ssyncadd.s32 $0xFFFFFFFF  }
0xa5: {  	s26 =	simm.s32 $execute0_lowered;
	[smem:$0x3FD2] =	sst s25  }
0xa6: {  	s4 =	sshll.u32 s26, $0x1;
	_ =	strace $0x80000049;
	[dreg:$0x1] =	wrdreg $0xFFFFFFFF  }
0xa7: {  	s28 =	simm.s32 $_size_execute0_lowered;
	s2 =	sadd.s32 s2, s4;
	[dreg:$0x0] =	wrdreg $0x0  }
0xa8: {  	s4 =	sshll.u32 s28, $0x1;
	[dreg:$0x2] =	wrdreg s2  }
0xa9: {  	[dreg:$0x3] =	wrdreg s4  }
0xaa: {  	[dreg:$0x4] =	wrdreg $0xC0  }
0xab: {  	_ =	task [dreg:s6], $0x5FFFF  }
0xac: {  	[dreg:$0x1] =	wrdreg $0xFFFFFFFF  }
0xad: {  	[dreg:$0x0] =	wrdreg $0x60  }
0xae: {  	[dreg:$0x2] =	wrdreg s24  }
0xaf: {  	[dreg:$0x3] =	wrdreg $0x0  }
0xb0: {  	[dreg:$0x4] =	wrdreg $0x9  }
0xb1: {  	_ =	task.clear_ibuf [dreg:s6], $0x5FFFF;
	_ =	strace $0x90000049  }
0xb2: {  	s29 =	simm.s32 $0x9;
	_ =	strace $0x8000004B  }
0xb3: {  	_ =	swait.ge [sflag:s29], $0x1  }
0xb4: {  	[sflag:s29] =	ssyncadd.s32 $0xFFFFFFFF  }
0xb5: {  	_ =	strace $0x9000004B  }
0xb6: {  	_ =	sfence  }
0xb7: {  	s30 =	sld [smem:$0x0];
	_ =	sdelay $0x2  }
0xb8: {  	s31 =	sshll.u32 s1, $0xD;
	s1 =	sshrl.u32 s1, $0x2  }
0xb9: {  	s3 =	sand.u32 $0x4000, s31;
	s1 =	sadd.s32 s1, s30  }
0xba: {  	s0 =	sor.u32 s3, s0;
	s1 =	sshll.u32 s1, $0x11  }
0xbb: {  	s0 =	sor.u32 s1, s0  }
0xbc: {  	s0 =	sadd.s32 $0x8F2B, s0  }
0xbd: {  	[sflag:s0] =	ssyncadd.remote.s32 $0x1  }
0xbe: {  	_ =	sfence.sel $0xFFFF  }
0xbf: {  	[dreg:$0x0] =	wrdreg $0xFFFFFFFF;
	(pc) =	sbr.abs _section_cstart, $3  }
0xc0: {  	[dreg:$0x1] =	wrdreg $0xFFFFFFFF  }
0xc1: {  	_ =	task.clear_ibuf [dreg:s6], $0x2FFFF;
	_ =	strace $0x9FFFFFFF  }
0xc2: {  	(tm) =	ssettm $0x7FFFFFFF  }
0xc3: {  	_ =	shalt  }
tec
execute0_lowered:
.L_overlay_start_1:
0x0: {  	(tag) =	ssettag $0x1  }
0x1: {  	s4 =	rddreg [dreg:$0x0]  }
0x2: {  	s1 =	rddreg [dreg:$0x1]  }
0x3: {  	s0 =	rddreg [dreg:$0x2]  }
0x4: {  	s3 =	simm.s32 $0x0;
	s5 =	srdreg.scid;
	s2 =	stileid.u32  }
0x5: {  	[smem:$0x7FF] =	sst s3;
	s9 =	sand.u32 $0x1, s5;
	s12 =	smul.u32 $0x2780, s2  }
0x6: {  	s25 =	sshll.u32 s2, $0x5;
	s7 =	sshll.u32 s2, $0xC;
	s10 =	smul.u32 $0x4F000, s2  }
0x7: {  	s14 =	sshll.u32 s2, $0x1;
	s29 =	sshll.u32 s2, $0x6;
	_ =	strace $0x8000004A  }
0x8: {  	s6 =	sshll.u32 s9, $0x4;
	s26 =	smul.u32 $0x27800, s9;
	s7 =	sadd.s32 s7, s4  }
0x9: {  	s13 =	ssub.s32 $0x2, s9;
	s30 =	sshll.u32 s9, $0xB;
	s9 =	sor.u32 s9, s14  }
0xa: {  	s5 =	sor.u32 s6, s25;
	s11 =	sadd.s32 s12, s4;
	s28 =	sshrl.u32 s13, $0x1  }
0xb: {  	s10 =	sshrl.u32 s10, $0x2;
	s8 =	sand.u32 $0x180, s5;
	s6 =	sadd.s32 s26, s4  }
0xc: {  	s13 =	ssub.s32 s13, s28;
	s10 =	sadd.s32 s10, s1;
	s15 =	sand.u32 $0x70, s5  }
0xd: {  	s5 =	sor.u32 $0x1C01, s29;
	s8 =	sadd.s32 s8, s4;
	s4 =	sadd.s32 $0xEC6E00, s11  }
0xe: {  	s31 =	sadd.s32 $0xEEE600, s6;
	s6 =	smax.u32 s13, $0x1;
	s11 =	sadd.s32 s30, s7  }
0xf: {  	s10 =	sshrl.u32 s10, $0x3;
	s8 =	sadd.s32 s15, s8;
	s12 =	sadd.s32 s12, s31  }
0x10: {  	s7 =	sadd.s32 $0x17000, s8;
	s8 =	sadd.s32 $0x9E4E00, s11;
	s11 =	simm.s32 $0x1  }
.LBB2_1:
0x11: {  	[spmem:s10], [sflag:s5] =	dma.local [hbm:s4], $0x2780  }
0x12: {  	s13 =	sadd.s32 $0x0, s9;
	_ =	swait.ge [sflag:s11], $0x2780  }
0x13: {  	p0 =	sgt.u32 s13, $0x9C3;
	[sflag:s11] =	ssyncset.done $0x0  }
0x14: {  	s13 =	simm.s32 @!p0 $0x0;
	[sflag:s11] =	ssyncadd.s32 $0xFFFFD880  }
0x15: {  	s15 =	simm.s32 @!p0 $0x13C00;
	s16 =	simm.s32 @!p0 $0x2;
	[bflag:$0x0] =	sbarrier.arrive $0xFFFF  }
0x16: {  	[tilespmem:s15], [sflag:$0x2] =	stream.linear.gather @!p0 [hbm4b:s7+s13], $0x80, $0x38;
	[tilespmem:$0x17C80] =	vst v63  }
0x17: {  	_ =	swait.ge @!p0 [sflag:s16], $0x80;
	p0 =	por p0, p0  }
0x18: {  	[sflag:s16] =	ssyncset.done @!p0 $0x0  }
0x19: {  	s17 =	simm.s32 @!p0 $0x13C80;
	[sflag:s16] =	ssyncadd.s32 @!p0 $0xFFFFFF80  }
0x1a: {  	[tilespmem:s17], [sflag:$0x2] =	stream.linear.gather @!p0 [hbm4b:s8+s13], $0x4000, $0x38;
	[tilespmem:$0x17C80] =	vst v63  }
0x1b: {  	s31 =	sadd.s32 $0x20, s9;
	_ =	swait.ge @!p0 [sflag:s16], $0x4000  }
0x1c: {  	s14 =	simm.s32 $0x40;
	p1 =	sgt.u32 s31, $0x9C3;
	[sflag:s16] =	ssyncset.done @!p0 $0x0  }
0x1d: {  	s13 =	simm.s32 @!p0 $0x80;
	[sflag:s16] =	ssyncadd.s32 @!p0 $0xFFFFC000;
	s16 =	simm.s32 @!p0 $0x1  }
0x1e: {  	[spmem:s1] =	stream.indirect.scatter.add.f32 @!p0 [tilespmem:s17], [sflag:$0x1], $0x80, s15, s13, $0xb8;
	[tilespmem:$0x17C80] =	vst v63  }
0x1f: {  	s13 =	sadd.s32 $0x10000, s8;
	s15 =	sadd.s32 $0x200, s7;
	_ =	swait.ge @!p0 [sflag:s16], $0x4000  }
.LBB2_2:
0x20: {  	s17 =	simm.s32 @!p1 $0x0  }
0x21: {  	s18 =	simm.s32 @!p1 $0x13C00;
	[sflag:s16] =	ssyncset.done @!p0 $0x0;
	s19 =	smov.u32 s14  }
0x22: {  	s14 =	sadd.s32 $0x20, s14;
	s20 =	simm.s32 @!p1 $0x2;
	[sflag:s16] =	ssyncadd.s32 @!p0 $0xFFFFC000  }
0x23: {  	[tilespmem:s18], [sflag:$0x2] =	stream.linear.gather @!p1 [hbm4b:s15+s17], $0x80, $0x38;
	[tilespmem:$0x17C80] =	vst v63  }
0x24: {  	p2 =	sne.s32 s14, $0x9E0;
	p0 =	por p1, p1;
	_ =	swait.ge @!p1 [sflag:s20], $0x80  }
0x25: {  	[sflag:s20] =	ssyncset.done @!p0 $0x0  }
0x26: {  	s21 =	simm.s32 @!p0 $0x13C80;
	[sflag:s20] =	ssyncadd.s32 @!p0 $0xFFFFFF80  }
0x27: {  	[tilespmem:s21], [sflag:$0x2] =	stream.linear.gather @!p0 [hbm4b:s13+s17], $0x4000, $0x38;
	[tilespmem:$0x17C80] =	vst v63  }
.Ltmp0:
0x28: {  	_ =	swait.ge @!p0 [sflag:s20], $0x4000;
	(pc) =	sbr.rel @p2 .LBB2_2-.Ltmp0, $4  }
0x29: {  	s16 =	simm.s32 @!p0 $0x1;
	s13 =	sadd.s32 $0x10000, s13;
	[sflag:s20] =	ssyncset.done @!p0 $0x0  }
0x2a: {  	s17 =	sadd.s32 s19, s9;
	s19 =	simm.s32 @!p0 $0x80;
	[sflag:s20] =	ssyncadd.s32 @!p0 $0xFFFFC000  }
0x2b: {  	[spmem:s1] =	stream.indirect.scatter.add.f32 @!p0 [tilespmem:s21], [sflag:$0x1], $0x80, s18, s19, $0xb8;
	[tilespmem:$0x17C80] =	vst v63  }
0x2c: {  	s15 =	sadd.s32 $0x200, s15;
	p1 =	sgt.u32 s17, $0x9C3;
	_ =	swait.ge @!p0 [sflag:s16], $0x4000  }
0x2d: {  	s14 =	simm.s32 @!p1 $0x0;
	[sflag:s16] =	ssyncset.done @!p0 $0x0  }
0x2e: {  	s17 =	simm.s32 @!p1 $0x13C00;
	s18 =	simm.s32 @!p1 $0x2;
	[sflag:s16] =	ssyncadd.s32 @!p0 $0xFFFFC000  }
0x2f: {  	[tilespmem:s17], [sflag:$0x2] =	stream.linear.gather @!p1 [hbm4b:s15+s14], $0x80, $0x38;
	[tilespmem:$0x17C80] =	vst v63  }
0x30: {  	p0 =	por p1, p1;
	_ =	swait.ge @!p1 [sflag:s18], $0x80  }
0x31: {  	[sflag:s18] =	ssyncset.done @!p0 $0x0  }
0x32: {  	s15 =	simm.s32 @!p0 $0x13C80;
	[sflag:s18] =	ssyncadd.s32 @!p0 $0xFFFFFF80  }
0x33: {  	[tilespmem:s15], [sflag:$0x2] =	stream.linear.gather @!p0 [hbm4b:s13+s14], $0x4000, $0x38;
	[tilespmem:$0x17C80] =	vst v63  }
0x34: {  	_ =	swait.ge @!p0 [sflag:s18], $0x4000  }
0x35: {  	[sflag:s18] =	ssyncset.done @!p0 $0x0  }
0x36: {  	s13 =	simm.s32 @!p0 $0x1;
	s14 =	simm.s32 @!p0 $0x80;
	[sflag:s18] =	ssyncadd.s32 @!p0 $0xFFFFC000  }
0x37: {  	[spmem:s1] =	stream.indirect.scatter.add.f32 @!p0 [tilespmem:s15], [sflag:$0x1], $0x80, s17, s14, $0xb8;
	[tilespmem:$0x17C80] =	vst v63  }
0x38: {  	_ =	swait.ge @!p0 [sflag:s13], $0x4000  }
0x39: {  	s3 =	sadd.s32 $0x1, s3;
	[sflag:s13] =	ssyncset.done @!p0 $0x0  }
0x3a: {  	[sflag:s13] =	ssyncadd.s32 @!p0 $0xFFFFC000;
	p0 =	sne.s32 s3, s6  }
.Ltmp1:
0x3b: {  	[bflag:$0x0] =	sbarrier.arrive $0xFFFF;
	(pc) =	sbr.rel @p0 .LBB2_1-.Ltmp1, $4  }
0x3c: {  	[hbm:s12], [sflag:s5] =	dma.local [spmem:s10], $0x2780  }
0x3d: {  	_ =	swait.ge [sflag:s11], $0x2780  }
0x3e: {  	[sflag:s11] =	ssyncset.done $0x0  }
0x3f: {  	[sflag:s11] =	ssyncadd.s32 $0xFFFFD880  }
0x40: {  	_ =	sfence.sel $0x180000  }
0x41: {  	[bflag:$0x0] =	sbarrier.arrive $0xFFFF  }
0x42: {  	p0 =	sne.s32 s2, $0x0;
	_ =	strace $0x9000004A  }
0x43: {  	s0 =	sadd.s32 @!p0 $0x100000, s0;
	[bflag:$0x2] =	sbarrier.arrive $0xFFFF  }
0x44: {  	[sflag:s0] =	ssyncadd.tile.s32 @!p0 $0x1;
	_ =	shalt  }
.Lfunc_end2:
_tile_overlayer_lowered:
.L_overlay_start_2:
0x45: {  	(tag) =	ssettag $0x2  }
0x46: {  	s0 =	rddreg [dreg:$0x0];
	s2 =	stileid.u32  }
0x47: {  	s1 =	rddreg [dreg:$0x1];
	p0 =	sne.s32 s2, $0x0  }
0x48: {  	s3 =	rddreg [dreg:$0x2];
	[bflag:$0x3] =	sbarrier.arrive $0xFFFF;
	s2 =	simm.s32 @!p0 $0x1C01  }
0x49: {  	[timem:s3], [sflag:s2] =	dma.local @!p0 [hbm:s0], s1  }
0x4a: {  	s0 =	simm.s32 @!p0 $0x1  }
0x4b: {  	_ =	swait.ge @!p0 [sflag:s0], s1  }
0x4c: {  	s1 =	ssub.s32 @!p0 $0x0, s1;
	[sflag:s0] =	ssyncset.done @!p0 $0x0  }
0x4d: {  	[sflag:s0] =	ssyncadd.s32 @!p0 s1  }
0x4e: {  	[bflag:$0x3] =	sbarrier.arrive $0xFFFF  }
0x4f: {  	_ =	shalt  }

// kernel: kernel.23.cloned.1.call-start
scs
__scs_entry_jumppad:
0x0: {  	(pc) =	sbr.rel $0x88, $3  }
0x1: {  	(tag) =	ssettag $0x0;
	lr =	simm.s32 $0x1  }
0x2: {  	[smem:$0x3F56] =	sst lr;
	_ =	strace $0xD0000000  }
0x3: {  	_ = 	snop  }
0x4: {  	_ = 	snop  }
0x5: {  	_ = 	snop  }
0x6: {  	_ = 	snop  }
0x7: {  	_ = 	snop  }
__scs_overlays_trampoline_lowered:
0x8: {  	[smem:$0x3F65] =	sst s0  }
0x9: {  	[smem:$0x3F66] =	sst s1  }
0xa: {  	[smem:$0x3F67] =	sst s2  }
0xb: {  	[smem:$0x3F68] =	sst s3  }
0xc: {  	[smem:$0x3F69] =	sst s4  }
0xd: {  	[smem:$0x3F6A] =	sst s5  }
0xe: {  	[smem:$0x3F6B] =	sst s6  }
0xf: {  	[smem:$0x3F6C] =	sst s7  }
0x10: {  	[smem:$0x3F6D] =	sst s8  }
0x11: {  	[smem:$0x3F6E] =	sst s9;
	s0 =	simm.s32 @!p0 $0x0  }
0x12: {  	s1 =	sld [smem:$0x3F54];
	s0 =	simm.s32 @p0 $0x1  }
0x13: {  	[smem:$0x3F6F] =	sst s0;
	s0 =	simm.s32 @!p1 $0x0  }
0x14: {  	s2 =	sld [smem:$0x3F53];
	s0 =	simm.s32 @p1 $0x1  }
0x15: {  	[smem:$0x3F70] =	sst s0;
	s0 =	simm.s32 @!p2 $0x0  }
0x16: {  	s3 =	sld [smem:$0x3FDB];
	s0 =	simm.s32 @p2 $0x1  }
0x17: {  	s4 =	simm.s32 $0x1BF5;
	[smem:$0x3F72] =	sst s0  }
0x18: {  	s0 =	sld [smem:$0x3F55];
	_ =	swait.ge [sflag:s4], $0x0  }
0x19: {  	s7 =	sld [smem:$0x3F56]  }
0x1a: {  	s8 =	sadd.s32 $0xFFFFE003, lr  }
0x1b: {  	s9 =	sadd.s32 $0xFFFFFEF7, lr;
	s5 =	simm.s32 $0xFFFFFFFF;
	p2 =	slt.u32 s8, $0xFFFFF086  }
0x1c: {  	p1 =	slt.u32 s9, $0xF7A;
	s5 =	simm.s32 @!p2 $0x0  }
0x1d: {  	s5 =	simm.s32 @p1 $0x1;
	p0 =	seq.s32 s7, s2  }
0x1e: {  	s7 =	smul.u32 @!p0 $0xF7A, s2;
	p2 =	seq.s32 @!p0 s5, $0x0  }
0x1f: {  	s9 =	smul.u32 $0xF7A, s1;
	s8 =	simm.s32 @!p0 $0x1BF5;
	p2 =	por !p2, p0  }
0x20: {  	[sflag:s8] =	ssyncset.s32 @!p0 $0xFFFFF086;
	s6 =	sadd.s32 @!p0 s3, s7;
	s7 =	simm.s32 @!p0 $0x108  }
0x21: {  	s3 =	sadd.s32 s3, s9;
	s6 =	sadd.s32 @!p0 $0x88, s6;
	s7 =	simm.s32 @p2 $0x1082  }
0x22: {  	[simem:s7], [sflag:s8] =	dma.local @!p0 [hbm:s6], $0xF7A  }
0x23: {  	s9 =	sor.u32 $0xD0000000, s2;
	s6 =	simm.s32 $0x108;
	_ =	swait.ge @!p0 [sflag:s8], $0x0  }
0x24: {  	s3 =	sadd.s32 $0x88, s3;
	s6 =	simm.s32 @!p1 $0x1082;
	[sflag:s4] =	ssyncset.s32 $0xFFFFF086  }
0x25: {  	[simem:s6], [sflag:s4] =	dma.local [hbm:s3], $0xF7A  }
0x26: {  	[smem:$0x3F56] =	sst s1;
	(tag) =	ssettag s2;
	_ =	strace s9  }
0x27: {  	s1 =	sld [smem:$0x3F66]  }
0x28: {  	s2 =	sld [smem:$0x3F67]  }
0x29: {  	s4 =	sld [smem:$0x3F69]  }
0x2a: {  	p0 =	seq.s32 s5, $0x0;
	s5 =	sld [smem:$0x3F6A]  }
0x2b: {  	s6 =	sld [smem:$0x3F6B]  }
0x2c: {  	s7 =	sld [smem:$0x3F6C]  }
0x2d: {  	s3 =	simm.s32 $0x108;
	s8 =	sld [smem:$0x3F6D]  }
0x2e: {  	s3 =	simm.s32 @!p0 $0x1082;
	s9 =	sld [smem:$0x3F6E]  }
0x2f: {  	lr =	sadd.s32 s0, s3;
	s0 =	sld [smem:$0x3F65]  }
0x30: {  	s3 =	sld [smem:$0x3F68]  }
0x31: {  	[smem:$0x3F71] =	sst s10  }
0x32: {  	s10 =	sld [smem:$0x3F6F];
	_ =	sdelay $0x3  }
0x33: {  	p0 =	seq.s32 s10, $0x1;
	s10 =	sld [smem:$0x3F71];
	_ =	sdelay $0x3  }
0x34: {  	[smem:$0x3F71] =	sst s10  }
0x35: {  	s10 =	sld [smem:$0x3F70];
	_ =	sdelay $0x3  }
0x36: {  	p1 =	seq.s32 s10, $0x1;
	s10 =	sld [smem:$0x3F71];
	_ =	sdelay $0x3  }
0x37: {  	[smem:$0x3F71] =	sst s10  }
0x38: {  	s10 =	sld [smem:$0x3F72]  }
0x39: {  	_ = 	snop;
	(pc) =	sbr.ind lr, $3  }
0x3a: {  	_ = 	snop  }
0x3b: {  	_ = 	snop  }
0x3c: {  	p2 =	seq.s32 s10, $0x1;
	s10 =	sld [smem:$0x3F71]  }
0x3d: {  	_ =	shalt  }
0x3e: {  	_ =	shalt  }
0x3f: {  	_ =	shalt  }
0x40: {  	_ =	shalt  }
0x41: {  	_ =	shalt  }
0x42: {  	_ =	shalt  }
0x43: {  	_ =	shalt  }
0x44: {  	_ =	shalt  }
0x45: {  	_ =	shalt  }
0x46: {  	_ =	shalt  }
0x47: {  	_ =	shalt  }
0x48: {  	_ =	shalt  }
0x49: {  	_ =	shalt  }
0x4a: {  	_ =	shalt  }
0x4b: {  	_ =	shalt  }
0x4c: {  	_ =	shalt  }
0x4d: {  	_ =	shalt  }
0x4e: {  	_ =	shalt  }
0x4f: {  	_ =	shalt  }
0x50: {  	_ =	shalt  }
0x51: {  	_ =	shalt  }
0x52: {  	_ =	shalt  }
0x53: {  	_ =	shalt  }
0x54: {  	_ =	shalt  }
0x55: {  	_ =	shalt  }
0x56: {  	_ =	shalt  }
0x57: {  	_ =	shalt  }
0x58: {  	_ =	shalt  }
0x59: {  	_ =	shalt  }
0x5a: {  	_ =	shalt  }
0x5b: {  	_ =	shalt  }
0x5c: {  	_ =	shalt  }
0x5d: {  	_ =	shalt  }
0x5e: {  	_ =	shalt  }
0x5f: {  	_ =	shalt  }
0x60: {  	_ =	shalt  }
0x61: {  	_ =	shalt  }
0x62: {  	_ =	shalt  }
0x63: {  	_ =	shalt  }
0x64: {  	_ =	shalt  }
0x65: {  	_ =	shalt  }
0x66: {  	_ =	shalt  }
0x67: {  	_ =	shalt  }
0x68: {  	_ =	shalt  }
0x69: {  	_ =	shalt  }
0x6a: {  	_ =	shalt  }
0x6b: {  	_ =	shalt  }
0x6c: {  	_ =	shalt  }
0x6d: {  	_ =	shalt  }
0x6e: {  	_ =	shalt  }
0x6f: {  	_ =	shalt  }
0x70: {  	_ =	shalt  }
0x71: {  	_ =	shalt  }
0x72: {  	_ =	shalt  }
0x73: {  	_ =	shalt  }
0x74: {  	_ =	shalt  }
0x75: {  	_ =	shalt  }
0x76: {  	_ =	shalt  }
0x77: {  	_ =	shalt  }
0x78: {  	_ =	shalt  }
0x79: {  	_ =	shalt  }
0x7a: {  	_ =	shalt  }
0x7b: {  	_ =	shalt  }
0x7c: {  	_ =	shalt  }
0x7d: {  	_ =	shalt  }
0x7e: {  	_ =	shalt  }
0x7f: {  	_ =	shalt  }
0x80: {  	_ =	shalt  }
0x81: {  	_ =	shalt  }
0x82: {  	_ =	shalt  }
0x83: {  	_ =	shalt  }
0x84: {  	_ =	shalt  }
0x85: {  	_ =	shalt  }
0x86: {  	_ =	shalt  }
0x87: {  	_ =	shalt  }
.Lfunc_end0:
.L_simem_size_0:
called_computation.2_lowered:
.L_overlay_start_0:
0x88: {  	s2 =	sld [smem:$0x3FD9]  }
0x89: {  	s3 =	sld [smem:$0x3FFE];
	_ =	sdelay $0x1  }
0x8a: {  	s1 =	srdreg.scid  }
0x8b: {  	s0 =	sand.u32 $0x1, s1  }
0x8c: {  	s14 =	sshll.u32 s0, $0xA;
	s2 =	sadd.s32 s3, s2  }
0x8d: {  	s2 =	sadd.s32 s2, s14  }
0x8e: {  	[smem:$0x3F7D] =	sst s2  }
0x8f: {  	_ = 	snop  }
0x90: {  	s2 =	sld [smem:$0x3FD0];
	_ =	sdelay $0x2  }
0x91: {  	s15 =	simm.s32 $0xA;
	s4 =	simm.s32 $0x10  }
0x92: {  	[smem:s4], [sflag:s15] =	dma.local [hbm:s2], $0x1  }
0x93: {  	_ =	swait.eq [sflag:s15], $0x1  }
0x94: {  	[sflag:s15] =	ssyncset.done $0x0  }
0x95: {  	[sflag:s15] =	ssyncadd.s32 $0xFFFFFFFF  }
0x96: {  	s16 =	sld [smem:$0x11];
	(tm) =	ssettm $0x1  }
0x97: {  	s17 =	sld [smem:$0x3FFB];
	_ =	sdelay $0x3  }
0x98: {  	_ =	strace s17  }
0x99: {  	s3 =	sld [smem:$0x3FFC];
	_ =	sdelay $0x3  }
0x9a: {  	_ =	strace s3  }
0x9b: {  	s3 =	sld [smem:$0x3FFD];
	_ =	sdelay $0x3  }
0x9c: {  	_ =	strace s3  }
0x9d: {  	_ =	strace $0x8FFFFFFF  }
0x9e: {  	s18 =	sld [smem:$0x3FDB];
	_ =	sdelay $0x1  }
0x9f: {  	s19 =	simm.s32 $_scs_section_size  }
0xa0: {  	s5 =	simm.s32 $_size__tile_overlayer_lowered;
	s6 =	simm.s32 $_tile_overlayer_lowered  }
0xa1: {  	s22 =	simm.s32 $0x1BFF;
	s21 =	sshll.u32 s6, $0x1;
	s3 =	sadd.s32 s19, s18  }
0xa2: {  	s7 =	simm.s32 $0x0;
	s20 =	sshll.u32 s5, $0x1;
	s5 =	sadd.s32 s21, s3  }
0xa3: {  	[timem:s7], [sflag:s22] =	dma.local [hbm:s5], s20  }
0xa4: {  	_ =	swait.ge [sflag:s22], s20  }
0xa5: {  	s4 =	ssub.s32 $0x0, s20;
	[sflag:s22] =	ssyncset.done $0x0  }
0xa6: {  	[sflag:s22] =	ssyncadd.s32 s4;
	_ =	sdelay $0x1  }
0xa7: {  	s23 =	simm.s32 $0x1B8B  }
0xa8: {  	_ =	swait.ge [sflag:s23], $0x1  }
0xa9: {  	[sflag:s23] =	ssyncset.done $0x0  }
0xaa: {  	s25 =	simm.s32 $0x1B8E;
	s24 =	sld [smem:$0x3FFE];
	[sflag:s23] =	ssyncadd.s32 $0xFFFFFFFF  }
0xab: {  	s26 =	simm.s32 $execute0_lowered;
	[smem:$0x3FD2] =	sst s25  }
0xac: {  	s5 =	sshll.u32 s26, $0x1;
	_ =	strace $0x8000004C;
	[dreg:$0x1] =	wrdreg $0xFFFFFFFF  }
0xad: {  	s28 =	simm.s32 $_size_execute0_lowered;
	s3 =	sadd.s32 s3, s5;
	[dreg:$0x0] =	wrdreg $0x0  }
0xae: {  	s5 =	sshll.u32 s28, $0x1;
	[dreg:$0x2] =	wrdreg s3  }
0xaf: {  	[dreg:$0x3] =	wrdreg s5  }
0xb0: {  	[dreg:$0x4] =	wrdreg $0xC0  }
0xb1: {  	_ =	task [dreg:s7], $0x5FFFF  }
0xb2: {  	[dreg:$0x1] =	wrdreg $0xFFFFFFFF  }
0xb3: {  	[dreg:$0x0] =	wrdreg $0x60  }
0xb4: {  	[dreg:$0x2] =	wrdreg s16  }
0xb5: {  	[dreg:$0x3] =	wrdreg s24  }
0xb6: {  	[dreg:$0x4] =	wrdreg $0x9  }
0xb7: {  	_ =	task.clear_ibuf [dreg:s7], $0x5FFFF;
	_ =	strace $0x9000004C  }
0xb8: {  	s29 =	simm.s32 $0x9;
	_ =	strace $0x8000004E  }
0xb9: {  	_ =	swait.ge [sflag:s29], $0x1  }
0xba: {  	[sflag:s29] =	ssyncadd.s32 $0xFFFFFFFF  }
0xbb: {  	_ =	strace $0x9000004E  }
0xbc: {  	_ =	sfence  }
0xbd: {  	s30 =	sld [smem:$0x0];
	_ =	sdelay $0x2  }
0xbe: {  	s31 =	sshll.u32 s1, $0xD;
	s1 =	sshrl.u32 s1, $0x2  }
0xbf: {  	s3 =	sand.u32 $0x4000, s31;
	s1 =	sadd.s32 s1, s30  }
0xc0: {  	s0 =	sor.u32 s3, s0;
	s1 =	sshll.u32 s1, $0x11  }
0xc1: {  	s0 =	sor.u32 s1, s0  }
0xc2: {  	s0 =	sadd.s32 $0x8F2B, s0  }
0xc3: {  	[sflag:s0] =	ssyncadd.remote.s32 $0x1  }
0xc4: {  	_ =	sfence.sel $0xFFFF  }
0xc5: {  	[dreg:$0x0] =	wrdreg $0xFFFFFFFF;
	(pc) =	sbr.abs _section_cstart, $3  }
0xc6: {  	[dreg:$0x1] =	wrdreg $0xFFFFFFFF  }
0xc7: {  	_ =	task.clear_ibuf [dreg:s7], $0x2FFFF;
	_ =	strace $0x9FFFFFFF  }
0xc8: {  	(tm) =	ssettm $0x7FFFFFFF  }
0xc9: {  	_ =	shalt  }
tec
execute0_lowered:
.L_overlay_start_1:
0x0: {  	(tag) =	ssettag $0x1  }
0x1: {  	s1 =	rddreg [dreg:$0x0]  }
0x2: {  	s4 =	rddreg [dreg:$0x1]  }
0x3: {  	s0 =	rddreg [dreg:$0x2]  }
0x4: {  	s5 =	srdreg.scid;
	s3 =	simm.s32 $0x0;
	s2 =	stileid.u32  }
0x5: {  	s9 =	sand.u32 $0x1, s5;
	[smem:$0x7FF] =	sst s3;
	s29 =	sshll.u32 s2, $0x5  }
0x6: {  	s7 =	sshll.u32 s2, $0xC;
	s10 =	sshll.u32 s2, $0x1;
	s6 =	sshll.u32 s9, $0x4  }
0x7: {  	_ =	strace $0x8000004D;
	s8 =	ssub.s32 $0x2, s9;
	s7 =	sadd.s32 s7, s4  }
0x8: {  	s31 =	sshll.u32 s9, $0xB;
	s9 =	sor.u32 s9, s10;
	s5 =	sor.u32 s6, s29  }
0x9: {  	s30 =	sshrl.u32 s8, $0x1;
	s6 =	sand.u32 $0x180, s5;
	s5 =	sand.u32 $0x70, s5  }
0xa: {  	s6 =	sadd.s32 s6, s4;
	s4 =	ssub.s32 s8, s30;
	s8 =	sadd.s32 s31, s7  }
0xb: {  	s4 =	smax.u32 s4, $0x1;
	s6 =	sadd.s32 s5, s6;
	s7 =	sadd.s32 $0x502E00, s8  }
0xc: {  	s8 =	sadd.s32 $0x20E00, s8;
	s5 =	sadd.s32 $0xD200, s6;
	s6 =	sadd.s32 $0x17000, s6  }
.LBB2_1:
0xd: {  	p0 =	sgt.u32 s9, $0x9C3  }
0xe: {  	s10 =	sadd.s32 @!p0 $0x0, s5;
	s11 =	simm.s32 @!p0 $0x0;
	s14 =	simm.s32 @!p0 $0x4  }
0xf: {  	[tilespmem:s11], [sflag:$0x4] =	stream.linear.gather @!p0 [hbm4b:s10+s11], $0x80, $0x38;
	[tilespmem:$0x8100] =	vst v63  }
0x10: {  	_ =	swait.ge @!p0 [sflag:s14], $0x80;
	p0 =	por p0, p0  }
0x11: {  	[sflag:s14] =	ssyncset.done @!p0 $0x0  }
0x12: {  	s10 =	sadd.s32 @!p0 $0x0, s6;
	s12 =	simm.s32 @!p0 $0x80;
	[sflag:s14] =	ssyncadd.s32 @!p0 $0xFFFFFF80  }
0x13: {  	[tilespmem:s12], [sflag:$0x4] =	stream.linear.gather @!p0 [hbm4b:s10+s11], $0x80, $0x38;
	[tilespmem:$0x8100] =	vst v63  }
0x14: {  	_ =	swait.ge @!p0 [sflag:s14], $0x80  }
0x15: {  	[sflag:s14] =	ssyncset.done @!p0 $0x0  }
0x16: {  	s10 =	simm.s32 @!p0 $0x100;
	[sflag:s14] =	ssyncadd.s32 @!p0 $0xFFFFFF80  }
0x17: {  	[tilespmem:s10], [sflag:$0x1] =	stream.indirect.gather @!p0 [hbm4b:s1+s12], $0x80, s11, s12, $0xb8;
	[tilespmem:$0x8100] =	vst v63  }
0x18: {  	s15 =	simm.s32 @!p0 $0x4100;
	s13 =	simm.s32 @!p0 $0x1  }
0x19: {  	[tilespmem:s15], [sflag:$0x2] =	stream.indirect.gather @!p0 [hbm4b:s1+s12], $0x80, s12, s12, $0xb8;
	[tilespmem:$0x8100] =	vst v63  }
0x1a: {  	_ =	swait.ge @!p0 [sflag:s13], $0x4000  }
0x1b: {  	[sflag:s13] =	ssyncset.done @!p0 $0x0  }
0x1c: {  	s12 =	simm.s32 @!p0 $0x2;
	[sflag:s13] =	ssyncadd.s32 @!p0 $0xFFFFC000  }
0x1d: {  	_ =	swait.ge @!p0 [sflag:s12], $0x4000  }
0x1e: {  	[sflag:s12] =	ssyncset.done @!p0 $0x0  }
0x1f: {  	[sflag:s12] =	ssyncadd.s32 @!p0 $0xFFFFC000  }
0x20: {  	[hbm4b:s8+s11] =	stream.linear.scatter @!p0 [tilespmem:s10], [sflag:$0x4], $0x4000, $0x38;
	[tilespmem:$0x8100] =	vst v63  }
0x21: {  	_ =	swait.ge @!p0 [sflag:s14], $0x4000  }
0x22: {  	[sflag:s14] =	ssyncset.done @!p0 $0x0  }
0x23: {  	s13 =	simm.s32 $0x400;
	s12 =	simm.s32 $0x200;
	[sflag:s14] =	ssyncadd.s32 @!p0 $0xFFFFC000  }
0x24: {  	[hbm4b:s7+s11] =	stream.linear.scatter @!p0 [tilespmem:s15], [sflag:$0x3], $0x4000, $0x38;
	[tilespmem:$0x8100] =	vst v63  }
0x25: {  	s10 =	sadd.s32 $0x10000, s8;
	s14 =	sadd.s32 $0x20, s9;
	s15 =	simm.s32 @!p0 $0x3  }
0x26: {  	p2 =	sgt.u32 s14, $0x9C3;
	s11 =	sadd.s32 $0x10000, s7;
	_ =	swait.ge @!p0 [sflag:s15], $0x4000  }
.LBB2_2:
0x27: {  	s16 =	sadd.s32 @!p2 s12, s5  }
0x28: {  	s17 =	simm.s32 @!p2 $0x0;
	[sflag:s15] =	ssyncset.done @!p0 $0x0;
	s18 =	smov.u32 s13  }
0x29: {  	s13 =	sadd.s32 $0x200, s13;
	s19 =	simm.s32 @!p2 $0x4;
	[sflag:s15] =	ssyncadd.s32 @!p0 $0xFFFFC000  }
0x2a: {  	[tilespmem:s17], [sflag:$0x4] =	stream.linear.gather @!p2 [hbm4b:s16+s17], $0x80, $0x38;
	[tilespmem:$0x8100] =	vst v63  }
0x2b: {  	p1 =	sne.s32 s13, $0x9E00;
	p0 =	por p2, p2;
	_ =	swait.ge @!p2 [sflag:s19], $0x80  }
0x2c: {  	[sflag:s19] =	ssyncset.done @!p0 $0x0  }
0x2d: {  	s12 =	sadd.s32 @!p0 s12, s6;
	s15 =	simm.s32 @!p0 $0x80;
	[sflag:s19] =	ssyncadd.s32 @!p0 $0xFFFFFF80  }
0x2e: {  	[tilespmem:s15], [sflag:$0x4] =	stream.linear.gather @!p0 [hbm4b:s12+s17], $0x80, $0x38;
	[tilespmem:$0x8100] =	vst v63  }
0x2f: {  	s12 =	smov.u32 s18;
	_ =	swait.ge @!p0 [sflag:s19], $0x80  }
0x30: {  	[sflag:s19] =	ssyncset.done @!p0 $0x0  }
0x31: {  	s16 =	simm.s32 @!p0 $0x100;
	[sflag:s19] =	ssyncadd.s32 @!p0 $0xFFFFFF80  }
0x32: {  	[tilespmem:s16], [sflag:$0x1] =	stream.indirect.gather @!p0 [hbm4b:s1+s15], $0x80, s17, s15, $0xb8;
	[tilespmem:$0x8100] =	vst v63  }
0x33: {  	s20 =	simm.s32 @!p0 $0x1;
	s18 =	simm.s32 @!p0 $0x4100  }
0x34: {  	[tilespmem:s18], [sflag:$0x2] =	stream.indirect.gather @!p0 [hbm4b:s1+s15], $0x80, s15, s15, $0xb8;
	[tilespmem:$0x8100] =	vst v63  }
0x35: {  	_ =	swait.ge @!p0 [sflag:s20], $0x4000  }
0x36: {  	[sflag:s20] =	ssyncset.done @!p0 $0x0  }
0x37: {  	s15 =	simm.s32 @!p0 $0x2;
	[sflag:s20] =	ssyncadd.s32 @!p0 $0xFFFFC000  }
0x38: {  	_ =	swait.ge @!p0 [sflag:s15], $0x4000  }
0x39: {  	[sflag:s15] =	ssyncset.done @!p0 $0x0  }
0x3a: {  	[sflag:s15] =	ssyncadd.s32 @!p0 $0xFFFFC000  }
0x3b: {  	[hbm4b:s10+s17] =	stream.linear.scatter @!p0 [tilespmem:s16], [sflag:$0x4], $0x4000, $0x38;
	[tilespmem:$0x8100] =	vst v63  }
.Ltmp0:
0x3c: {  	_ =	swait.ge @!p0 [sflag:s19], $0x4000;
	(pc) =	sbr.rel @p1 .LBB2_2-.Ltmp0, $4  }
0x3d: {  	s10 =	sadd.s32 $0x10000, s10;
	[sflag:s19] =	ssyncset.done @!p0 $0x0  }
0x3e: {  	s14 =	sadd.s32 $0x20, s14;
	s15 =	simm.s32 @!p0 $0x3;
	[sflag:s19] =	ssyncadd.s32 @!p0 $0xFFFFC000  }
0x3f: {  	[hbm4b:s11+s17] =	stream.linear.scatter @!p0 [tilespmem:s18], [sflag:$0x3], $0x4000, $0x38;
	[tilespmem:$0x8100] =	vst v63  }
0x40: {  	p2 =	sgt.u32 s14, $0x9C3;
	s11 =	sadd.s32 $0x10000, s11;
	_ =	swait.ge @!p0 [sflag:s15], $0x4000  }
0x41: {  	s13 =	sadd.s32 @!p2 s12, s5;
	[sflag:s15] =	ssyncset.done @!p0 $0x0  }
0x42: {  	s14 =	simm.s32 @!p2 $0x0;
	s16 =	simm.s32 @!p2 $0x4;
	[sflag:s15] =	ssyncadd.s32 @!p0 $0xFFFFC000  }
0x43: {  	[tilespmem:s14], [sflag:$0x4] =	stream.linear.gather @!p2 [hbm4b:s13+s14], $0x80, $0x38;
	[tilespmem:$0x8100] =	vst v63  }
0x44: {  	p0 =	por p2, p2;
	_ =	swait.ge @!p2 [sflag:s16], $0x80  }
0x45: {  	[sflag:s16] =	ssyncset.done @!p0 $0x0  }
0x46: {  	s12 =	sadd.s32 @!p0 s12, s6;
	s13 =	simm.s32 @!p0 $0x80;
	[sflag:s16] =	ssyncadd.s32 @!p0 $0xFFFFFF80  }
0x47: {  	[tilespmem:s13], [sflag:$0x4] =	stream.linear.gather @!p0 [hbm4b:s12+s14], $0x80, $0x38;
	[tilespmem:$0x8100] =	vst v63  }
0x48: {  	_ =	swait.ge @!p0 [sflag:s16], $0x80  }
0x49: {  	[sflag:s16] =	ssyncset.done @!p0 $0x0  }
0x4a: {  	s12 =	simm.s32 @!p0 $0x100;
	[sflag:s16] =	ssyncadd.s32 @!p0 $0xFFFFFF80  }
0x4b: {  	[tilespmem:s12], [sflag:$0x1] =	stream.indirect.gather @!p0 [hbm4b:s1+s13], $0x80, s14, s13, $0xb8;
	[tilespmem:$0x8100] =	vst v63  }
0x4c: {  	s15 =	simm.s32 @!p0 $0x4100;
	s17 =	simm.s32 @!p0 $0x1  }
0x4d: {  	[tilespmem:s15], [sflag:$0x2] =	stream.indirect.gather @!p0 [hbm4b:s1+s13], $0x80, s13, s13, $0xb8;
	[tilespmem:$0x8100] =	vst v63  }
0x4e: {  	_ =	swait.ge @!p0 [sflag:s17], $0x4000  }
0x4f: {  	[sflag:s17] =	ssyncset.done @!p0 $0x0  }
0x50: {  	s13 =	simm.s32 @!p0 $0x2;
	[sflag:s17] =	ssyncadd.s32 @!p0 $0xFFFFC000  }
0x51: {  	_ =	swait.ge @!p0 [sflag:s13], $0x4000  }
0x52: {  	[sflag:s13] =	ssyncset.done @!p0 $0x0  }
0x53: {  	[sflag:s13] =	ssyncadd.s32 @!p0 $0xFFFFC000  }
0x54: {  	[hbm4b:s10+s14] =	stream.linear.scatter @!p0 [tilespmem:s12], [sflag:$0x4], $0x4000, $0x38;
	[tilespmem:$0x8100] =	vst v63  }
0x55: {  	s3 =	sadd.s32 $0x1, s3;
	_ =	swait.ge @!p0 [sflag:s16], $0x4000  }
0x56: {  	p1 =	sne.s32 s3, s4;
	[sflag:s16] =	ssyncset.done @!p0 $0x0  }
.Ltmp1:
0x57: {  	s10 =	simm.s32 @!p0 $0x3;
	[sflag:s16] =	ssyncadd.s32 @!p0 $0xFFFFC000;
	(pc) =	sbr.rel @p1 .LBB2_1-.Ltmp1, $4  }
0x58: {  	[hbm4b:s11+s14] =	stream.linear.scatter @!p0 [tilespmem:s15], [sflag:$0x3], $0x4000, $0x38;
	[tilespmem:$0x8100] =	vst v63  }
0x59: {  	_ =	swait.ge @!p0 [sflag:s10], $0x4000  }
0x5a: {  	[sflag:s10] =	ssyncset.done @!p0 $0x0  }
0x5b: {  	[sflag:s10] =	ssyncadd.s32 @!p0 $0xFFFFC000  }
0x5c: {  	_ =	sfence.sel $0x180000  }
0x5d: {  	[bflag:$0x0] =	sbarrier.arrive $0xFFFF  }
0x5e: {  	p0 =	sne.s32 s2, $0x0;
	_ =	strace $0x9000004D  }
0x5f: {  	s0 =	sadd.s32 @!p0 $0x100000, s0;
	[bflag:$0x2] =	sbarrier.arrive $0xFFFF  }
0x60: {  	[sflag:s0] =	ssyncadd.tile.s32 @!p0 $0x1;
	_ =	shalt  }
.Lfunc_end2:
_tile_overlayer_lowered:
.L_overlay_start_2:
0x61: {  	(tag) =	ssettag $0x2  }
0x62: {  	s0 =	rddreg [dreg:$0x0];
	s2 =	stileid.u32  }
0x63: {  	s1 =	rddreg [dreg:$0x1];
	p0 =	sne.s32 s2, $0x0  }
0x64: {  	s3 =	rddreg [dreg:$0x2];
	[bflag:$0x3] =	sbarrier.arrive $0xFFFF;
	s2 =	simm.s32 @!p0 $0x1C03  }
0x65: {  	[timem:s3], [sflag:s2] =	dma.local @!p0 [hbm:s0], s1  }
0x66: {  	s0 =	simm.s32 @!p0 $0x3  }
0x67: {  	_ =	swait.ge @!p0 [sflag:s0], s1  }
0x68: {  	s1 =	ssub.s32 @!p0 $0x0, s1;
	[sflag:s0] =	ssyncset.done @!p0 $0x0  }
0x69: {  	[sflag:s0] =	ssyncadd.s32 @!p0 s1  }
0x6a: {  	[bflag:$0x3] =	sbarrier.arrive $0xFFFF  }
0x6b: {  	_ =	shalt  }

// kernel: kernel.26.cloned.1.call-start
scs
__scs_entry_jumppad:
0x0: {  	(pc) =	sbr.rel $0x88, $3  }
0x1: {  	(tag) =	ssettag $0x0;
	lr =	simm.s32 $0x1  }
0x2: {  	[smem:$0x3F56] =	sst lr;
	_ =	strace $0xD0000000  }
0x3: {  	_ = 	snop  }
0x4: {  	_ = 	snop  }
0x5: {  	_ = 	snop  }
0x6: {  	_ = 	snop  }
0x7: {  	_ = 	snop  }
__scs_overlays_trampoline_lowered:
0x8: {  	[smem:$0x3F65] =	sst s0  }
0x9: {  	[smem:$0x3F66] =	sst s1  }
0xa: {  	[smem:$0x3F67] =	sst s2  }
0xb: {  	[smem:$0x3F68] =	sst s3  }
0xc: {  	[smem:$0x3F69] =	sst s4  }
0xd: {  	[smem:$0x3F6A] =	sst s5  }
0xe: {  	[smem:$0x3F6B] =	sst s6  }
0xf: {  	[smem:$0x3F6C] =	sst s7  }
0x10: {  	[smem:$0x3F6D] =	sst s8  }
0x11: {  	[smem:$0x3F6E] =	sst s9;
	s0 =	simm.s32 @!p0 $0x0  }
0x12: {  	s1 =	sld [smem:$0x3F54];
	s0 =	simm.s32 @p0 $0x1  }
0x13: {  	[smem:$0x3F6F] =	sst s0;
	s0 =	simm.s32 @!p1 $0x0  }
0x14: {  	s2 =	sld [smem:$0x3F53];
	s0 =	simm.s32 @p1 $0x1  }
0x15: {  	[smem:$0x3F70] =	sst s0;
	s0 =	simm.s32 @!p2 $0x0  }
0x16: {  	s3 =	sld [smem:$0x3FDB];
	s0 =	simm.s32 @p2 $0x1  }
0x17: {  	s4 =	simm.s32 $0x1BF5;
	[smem:$0x3F72] =	sst s0  }
0x18: {  	s0 =	sld [smem:$0x3F55];
	_ =	swait.ge [sflag:s4], $0x0  }
0x19: {  	s7 =	sld [smem:$0x3F56]  }
0x1a: {  	s8 =	sadd.s32 $0xFFFFE003, lr  }
0x1b: {  	s9 =	sadd.s32 $0xFFFFFEF7, lr;
	s5 =	simm.s32 $0xFFFFFFFF;
	p2 =	slt.u32 s8, $0xFFFFF086  }
0x1c: {  	p1 =	slt.u32 s9, $0xF7A;
	s5 =	simm.s32 @!p2 $0x0  }
0x1d: {  	s5 =	simm.s32 @p1 $0x1;
	p0 =	seq.s32 s7, s2  }
0x1e: {  	s7 =	smul.u32 @!p0 $0xF7A, s2;
	p2 =	seq.s32 @!p0 s5, $0x0  }
0x1f: {  	s9 =	smul.u32 $0xF7A, s1;
	s8 =	simm.s32 @!p0 $0x1BF5;
	p2 =	por !p2, p0  }
0x20: {  	[sflag:s8] =	ssyncset.s32 @!p0 $0xFFFFF086;
	s6 =	sadd.s32 @!p0 s3, s7;
	s7 =	simm.s32 @!p0 $0x108  }
0x21: {  	s3 =	sadd.s32 s3, s9;
	s6 =	sadd.s32 @!p0 $0x88, s6;
	s7 =	simm.s32 @p2 $0x1082  }
0x22: {  	[simem:s7], [sflag:s8] =	dma.local @!p0 [hbm:s6], $0xF7A  }
0x23: {  	s9 =	sor.u32 $0xD0000000, s2;
	s6 =	simm.s32 $0x108;
	_ =	swait.ge @!p0 [sflag:s8], $0x0  }
0x24: {  	s3 =	sadd.s32 $0x88, s3;
	s6 =	simm.s32 @!p1 $0x1082;
	[sflag:s4] =	ssyncset.s32 $0xFFFFF086  }
0x25: {  	[simem:s6], [sflag:s4] =	dma.local [hbm:s3], $0xF7A  }
0x26: {  	[smem:$0x3F56] =	sst s1;
	(tag) =	ssettag s2;
	_ =	strace s9  }
0x27: {  	s1 =	sld [smem:$0x3F66]  }
0x28: {  	s2 =	sld [smem:$0x3F67]  }
0x29: {  	s4 =	sld [smem:$0x3F69]  }
0x2a: {  	p0 =	seq.s32 s5, $0x0;
	s5 =	sld [smem:$0x3F6A]  }
0x2b: {  	s6 =	sld [smem:$0x3F6B]  }
0x2c: {  	s7 =	sld [smem:$0x3F6C]  }
0x2d: {  	s3 =	simm.s32 $0x108;
	s8 =	sld [smem:$0x3F6D]  }
0x2e: {  	s3 =	simm.s32 @!p0 $0x1082;
	s9 =	sld [smem:$0x3F6E]  }
0x2f: {  	lr =	sadd.s32 s0, s3;
	s0 =	sld [smem:$0x3F65]  }
0x30: {  	s3 =	sld [smem:$0x3F68]  }
0x31: {  	[smem:$0x3F71] =	sst s10  }
0x32: {  	s10 =	sld [smem:$0x3F6F];
	_ =	sdelay $0x3  }
0x33: {  	p0 =	seq.s32 s10, $0x1;
	s10 =	sld [smem:$0x3F71];
	_ =	sdelay $0x3  }
0x34: {  	[smem:$0x3F71] =	sst s10  }
0x35: {  	s10 =	sld [smem:$0x3F70];
	_ =	sdelay $0x3  }
0x36: {  	p1 =	seq.s32 s10, $0x1;
	s10 =	sld [smem:$0x3F71];
	_ =	sdelay $0x3  }
0x37: {  	[smem:$0x3F71] =	sst s10  }
0x38: {  	s10 =	sld [smem:$0x3F72]  }
0x39: {  	_ = 	snop;
	(pc) =	sbr.ind lr, $3  }
0x3a: {  	_ = 	snop  }
0x3b: {  	_ = 	snop  }
0x3c: {  	p2 =	seq.s32 s10, $0x1;
	s10 =	sld [smem:$0x3F71]  }
0x3d: {  	_ =	shalt  }
0x3e: {  	_ =	shalt  }
0x3f: {  	_ =	shalt  }
0x40: {  	_ =	shalt  }
0x41: {  	_ =	shalt  }
0x42: {  	_ =	shalt  }
0x43: {  	_ =	shalt  }
0x44: {  	_ =	shalt  }
0x45: {  	_ =	shalt  }
0x46: {  	_ =	shalt  }
0x47: {  	_ =	shalt  }
0x48: {  	_ =	shalt  }
0x49: {  	_ =	shalt  }
0x4a: {  	_ =	shalt  }
0x4b: {  	_ =	shalt  }
0x4c: {  	_ =	shalt  }
0x4d: {  	_ =	shalt  }
0x4e: {  	_ =	shalt  }
0x4f: {  	_ =	shalt  }
0x50: {  	_ =	shalt  }
0x51: {  	_ =	shalt  }
0x52: {  	_ =	shalt  }
0x53: {  	_ =	shalt  }
0x54: {  	_ =	shalt  }
0x55: {  	_ =	shalt  }
0x56: {  	_ =	shalt  }
0x57: {  	_ =	shalt  }
0x58: {  	_ =	shalt  }
0x59: {  	_ =	shalt  }
0x5a: {  	_ =	shalt  }
0x5b: {  	_ =	shalt  }
0x5c: {  	_ =	shalt  }
0x5d: {  	_ =	shalt  }
0x5e: {  	_ =	shalt  }
0x5f: {  	_ =	shalt  }
0x60: {  	_ =	shalt  }
0x61: {  	_ =	shalt  }
0x62: {  	_ =	shalt  }
0x63: {  	_ =	shalt  }
0x64: {  	_ =	shalt  }
0x65: {  	_ =	shalt  }
0x66: {  	_ =	shalt  }
0x67: {  	_ =	shalt  }
0x68: {  	_ =	shalt  }
0x69: {  	_ =	shalt  }
0x6a: {  	_ =	shalt  }
0x6b: {  	_ =	shalt  }
0x6c: {  	_ =	shalt  }
0x6d: {  	_ =	shalt  }
0x6e: {  	_ =	shalt  }
0x6f: {  	_ =	shalt  }
0x70: {  	_ =	shalt  }
0x71: {  	_ =	shalt  }
0x72: {  	_ =	shalt  }
0x73: {  	_ =	shalt  }
0x74: {  	_ =	shalt  }
0x75: {  	_ =	shalt  }
0x76: {  	_ =	shalt  }
0x77: {  	_ =	shalt  }
0x78: {  	_ =	shalt  }
0x79: {  	_ =	shalt  }
0x7a: {  	_ =	shalt  }
0x7b: {  	_ =	shalt  }
0x7c: {  	_ =	shalt  }
0x7d: {  	_ =	shalt  }
0x7e: {  	_ =	shalt  }
0x7f: {  	_ =	shalt  }
0x80: {  	_ =	shalt  }
0x81: {  	_ =	shalt  }
0x82: {  	_ =	shalt  }
0x83: {  	_ =	shalt  }
0x84: {  	_ =	shalt  }
0x85: {  	_ =	shalt  }
0x86: {  	_ =	shalt  }
0x87: {  	_ =	shalt  }
.Lfunc_end0:
.L_simem_size_0:
called_computation.3_lowered:
.L_overlay_start_0:
0x88: {  	s2 =	sld [smem:$0x3FD9]  }
0x89: {  	s3 =	sld [smem:$0x3FFE];
	_ =	sdelay $0x1  }
0x8a: {  	s1 =	srdreg.scid  }
0x8b: {  	s0 =	sand.u32 $0x1, s1  }
0x8c: {  	s16 =	sshll.u32 s0, $0xA;
	s2 =	sadd.s32 s3, s2  }
0x8d: {  	s2 =	sadd.s32 s2, s16  }
0x8e: {  	[smem:$0x3F7D] =	sst s2  }
0x8f: {  	_ = 	snop  }
0x90: {  	(tm) =	ssettm $0x1  }
0x91: {  	s17 =	sld [smem:$0x3FFB];
	_ =	sdelay $0x3  }
0x92: {  	_ =	strace s17  }
0x93: {  	s2 =	sld [smem:$0x3FFC];
	_ =	sdelay $0x3  }
0x94: {  	_ =	strace s2  }
0x95: {  	s2 =	sld [smem:$0x3FFD];
	_ =	sdelay $0x3  }
0x96: {  	_ =	strace s2  }
0x97: {  	_ =	strace $0x8FFFFFFF  }
0x98: {  	s18 =	sld [smem:$0x3FDB];
	_ =	sdelay $0x1  }
0x99: {  	s19 =	simm.s32 $_scs_section_size  }
0x9a: {  	s4 =	simm.s32 $_size__tile_overlayer_lowered;
	s5 =	simm.s32 $_tile_overlayer_lowered  }
0x9b: {  	s22 =	simm.s32 $0x1BFF;
	s21 =	sshll.u32 s5, $0x1;
	s2 =	sadd.s32 s19, s18  }
0x9c: {  	s6 =	simm.s32 $0x0;
	s20 =	sshll.u32 s4, $0x1;
	s4 =	sadd.s32 s21, s2  }
0x9d: {  	[timem:s6], [sflag:s22] =	dma.local [hbm:s4], s20  }
0x9e: {  	_ =	swait.ge [sflag:s22], s20  }
0x9f: {  	s3 =	ssub.s32 $0x0, s20;
	[sflag:s22] =	ssyncset.done $0x0  }
0xa0: {  	[sflag:s22] =	ssyncadd.s32 s3;
	_ =	sdelay $0x1  }
0xa1: {  	s23 =	simm.s32 $0x1B8B  }
0xa2: {  	_ =	swait.ge [sflag:s23], $0x1  }
0xa3: {  	[sflag:s23] =	ssyncset.done $0x0  }
0xa4: {  	s25 =	simm.s32 $0x1B8E;
	s24 =	sld [smem:$0x3FFE];
	[sflag:s23] =	ssyncadd.s32 $0xFFFFFFFF  }
0xa5: {  	s26 =	simm.s32 $execute0_lowered;
	[smem:$0x3FD2] =	sst s25  }
0xa6: {  	s4 =	sshll.u32 s26, $0x1;
	_ =	strace $0x8000004F;
	[dreg:$0x1] =	wrdreg $0xFFFFFFFF  }
0xa7: {  	s28 =	simm.s32 $_size_execute0_lowered;
	s2 =	sadd.s32 s2, s4;
	[dreg:$0x0] =	wrdreg $0x0  }
0xa8: {  	s4 =	sshll.u32 s28, $0x1;
	[dreg:$0x2] =	wrdreg s2  }
0xa9: {  	[dreg:$0x3] =	wrdreg s4  }
0xaa: {  	[dreg:$0x4] =	wrdreg $0xC0  }
0xab: {  	_ =	task [dreg:s6], $0x5FFFF  }
0xac: {  	[dreg:$0x1] =	wrdreg $0xFFFFFFFF  }
0xad: {  	[dreg:$0x0] =	wrdreg $0x60  }
0xae: {  	[dreg:$0x2] =	wrdreg s24  }
0xaf: {  	[dreg:$0x3] =	wrdreg $0x0  }
0xb0: {  	[dreg:$0x4] =	wrdreg $0x9  }
0xb1: {  	_ =	task.clear_ibuf [dreg:s6], $0x5FFFF;
	_ =	strace $0x9000004F  }
0xb2: {  	s29 =	simm.s32 $0x9;
	_ =	strace $0x80000051  }
0xb3: {  	_ =	swait.ge [sflag:s29], $0x1  }
0xb4: {  	[sflag:s29] =	ssyncadd.s32 $0xFFFFFFFF  }
0xb5: {  	_ =	strace $0x90000051  }
0xb6: {  	_ =	sfence  }
0xb7: {  	s30 =	sld [smem:$0x0];
	_ =	sdelay $0x2  }
0xb8: {  	s31 =	sshll.u32 s1, $0xD;
	s1 =	sshrl.u32 s1, $0x2  }
0xb9: {  	s3 =	sand.u32 $0x4000, s31;
	s1 =	sadd.s32 s1, s30  }
0xba: {  	s0 =	sor.u32 s3, s0;
	s1 =	sshll.u32 s1, $0x11  }
0xbb: {  	s0 =	sor.u32 s1, s0  }
0xbc: {  	s0 =	sadd.s32 $0x8F2B, s0  }
0xbd: {  	[sflag:s0] =	ssyncadd.remote.s32 $0x1  }
0xbe: {  	_ =	sfence.sel $0xFFFF  }
0xbf: {  	[dreg:$0x0] =	wrdreg $0xFFFFFFFF;
	(pc) =	sbr.abs _section_cstart, $3  }
0xc0: {  	[dreg:$0x1] =	wrdreg $0xFFFFFFFF  }
0xc1: {  	_ =	task.clear_ibuf [dreg:s6], $0x2FFFF;
	_ =	strace $0x9FFFFFFF  }
0xc2: {  	(tm) =	ssettm $0x7FFFFFFF  }
0xc3: {  	_ =	shalt  }
tec
execute0_lowered:
.L_overlay_start_1:
0x0: {  	(tag) =	ssettag $0x1  }
0x1: {  	s4 =	rddreg [dreg:$0x0]  }
0x2: {  	s1 =	rddreg [dreg:$0x1]  }
0x3: {  	s0 =	rddreg [dreg:$0x2]  }
0x4: {  	s3 =	simm.s32 $0x0;
	s5 =	srdreg.scid;
	s2 =	stileid.u32  }
0x5: {  	[smem:$0x7FF] =	sst s3;
	s9 =	sand.u32 $0x1, s5;
	s12 =	smul.u32 $0x2780, s2  }
0x6: {  	s25 =	sshll.u32 s2, $0x5;
	s7 =	sshll.u32 s2, $0xC;
	s10 =	smul.u32 $0x4F000, s2  }
0x7: {  	s14 =	sshll.u32 s2, $0x1;
	s29 =	sshll.u32 s2, $0x6;
	_ =	strace $0x80000050  }
0x8: {  	s6 =	sshll.u32 s9, $0x4;
	s26 =	smul.u32 $0x27800, s9;
	s7 =	sadd.s32 s7, s4  }
0x9: {  	s13 =	ssub.s32 $0x2, s9;
	s30 =	sshll.u32 s9, $0xB;
	s9 =	sor.u32 s9, s14  }
0xa: {  	s5 =	sor.u32 s6, s25;
	s11 =	sadd.s32 s12, s4;
	s28 =	sshrl.u32 s13, $0x1  }
0xb: {  	s10 =	sshrl.u32 s10, $0x2;
	s8 =	sand.u32 $0x180, s5;
	s6 =	sadd.s32 s26, s4  }
0xc: {  	s13 =	ssub.s32 s13, s28;
	s10 =	sadd.s32 s10, s1;
	s15 =	sand.u32 $0x70, s5  }
0xd: {  	s5 =	sor.u32 $0x1C01, s29;
	s8 =	sadd.s32 s8, s4;
	s4 =	sadd.s32 $0xEC6E00, s11  }
0xe: {  	s31 =	sadd.s32 $0xEEE600, s6;
	s6 =	smax.u32 s13, $0x1;
	s11 =	sadd.s32 s30, s7  }
0xf: {  	s10 =	sshrl.u32 s10, $0x3;
	s8 =	sadd.s32 s15, s8;
	s12 =	sadd.s32 s12, s31  }
0x10: {  	s7 =	sadd.s32 $0x17000, s8;
	s8 =	sadd.s32 $0x9E4E00, s11;
	s11 =	simm.s32 $0x1  }
.LBB2_1:
0x11: {  	[spmem:s10], [sflag:s5] =	dma.local [hbm:s4], $0x2780  }
0x12: {  	s13 =	sadd.s32 $0x0, s9;
	_ =	swait.ge [sflag:s11], $0x2780  }
0x13: {  	p0 =	sgt.u32 s13, $0x9C3;
	[sflag:s11] =	ssyncset.done $0x0  }
0x14: {  	s13 =	simm.s32 @!p0 $0x0;
	[sflag:s11] =	ssyncadd.s32 $0xFFFFD880  }
0x15: {  	s15 =	simm.s32 @!p0 $0x13C00;
	s16 =	simm.s32 @!p0 $0x2;
	[bflag:$0x0] =	sbarrier.arrive $0xFFFF  }
0x16: {  	[tilespmem:s15], [sflag:$0x2] =	stream.linear.gather @!p0 [hbm4b:s7+s13], $0x80, $0x38;
	[tilespmem:$0x17C80] =	vst v63  }
0x17: {  	_ =	swait.ge @!p0 [sflag:s16], $0x80;
	p0 =	por p0, p0  }
0x18: {  	[sflag:s16] =	ssyncset.done @!p0 $0x0  }
0x19: {  	s17 =	simm.s32 @!p0 $0x13C80;
	[sflag:s16] =	ssyncadd.s32 @!p0 $0xFFFFFF80  }
0x1a: {  	[tilespmem:s17], [sflag:$0x2] =	stream.linear.gather @!p0 [hbm4b:s8+s13], $0x4000, $0x38;
	[tilespmem:$0x17C80] =	vst v63  }
0x1b: {  	s31 =	sadd.s32 $0x20, s9;
	_ =	swait.ge @!p0 [sflag:s16], $0x4000  }
0x1c: {  	s14 =	simm.s32 $0x40;
	p1 =	sgt.u32 s31, $0x9C3;
	[sflag:s16] =	ssyncset.done @!p0 $0x0  }
0x1d: {  	s13 =	simm.s32 @!p0 $0x80;
	[sflag:s16] =	ssyncadd.s32 @!p0 $0xFFFFC000;
	s16 =	simm.s32 @!p0 $0x1  }
0x1e: {  	[spmem:s1] =	stream.indirect.scatter.add.f32 @!p0 [tilespmem:s17], [sflag:$0x1], $0x80, s15, s13, $0xb8;
	[tilespmem:$0x17C80] =	vst v63  }
0x1f: {  	s13 =	sadd.s32 $0x10000, s8;
	s15 =	sadd.s32 $0x200, s7;
	_ =	swait.ge @!p0 [sflag:s16], $0x4000  }
.LBB2_2:
0x20: {  	s17 =	simm.s32 @!p1 $0x0  }
0x21: {  	s18 =	simm.s32 @!p1 $0x13C00;
	[sflag:s16] =	ssyncset.done @!p0 $0x0;
	s19 =	smov.u32 s14  }
0x22: {  	s14 =	sadd.s32 $0x20, s14;
	s20 =	simm.s32 @!p1 $0x2;
	[sflag:s16] =	ssyncadd.s32 @!p0 $0xFFFFC000  }
0x23: {  	[tilespmem:s18], [sflag:$0x2] =	stream.linear.gather @!p1 [hbm4b:s15+s17], $0x80, $0x38;
	[tilespmem:$0x17C80] =	vst v63  }
0x24: {  	p2 =	sne.s32 s14, $0x9E0;
	p0 =	por p1, p1;
	_ =	swait.ge @!p1 [sflag:s20], $0x80  }
0x25: {  	[sflag:s20] =	ssyncset.done @!p0 $0x0  }
0x26: {  	s21 =	simm.s32 @!p0 $0x13C80;
	[sflag:s20] =	ssyncadd.s32 @!p0 $0xFFFFFF80  }
0x27: {  	[tilespmem:s21], [sflag:$0x2] =	stream.linear.gather @!p0 [hbm4b:s13+s17], $0x4000, $0x38;
	[tilespmem:$0x17C80] =	vst v63  }
.Ltmp0:
0x28: {  	_ =	swait.ge @!p0 [sflag:s20], $0x4000;
	(pc) =	sbr.rel @p2 .LBB2_2-.Ltmp0, $4  }
0x29: {  	s16 =	simm.s32 @!p0 $0x1;
	s13 =	sadd.s32 $0x10000, s13;
	[sflag:s20] =	ssyncset.done @!p0 $0x0  }
0x2a: {  	s17 =	sadd.s32 s19, s9;
	s19 =	simm.s32 @!p0 $0x80;
	[sflag:s20] =	ssyncadd.s32 @!p0 $0xFFFFC000  }
0x2b: {  	[spmem:s1] =	stream.indirect.scatter.add.f32 @!p0 [tilespmem:s21], [sflag:$0x1], $0x80, s18, s19, $0xb8;
	[tilespmem:$0x17C80] =	vst v63  }
0x2c: {  	s15 =	sadd.s32 $0x200, s15;
	p1 =	sgt.u32 s17, $0x9C3;
	_ =	swait.ge @!p0 [sflag:s16], $0x4000  }
0x2d: {  	s14 =	simm.s32 @!p1 $0x0;
	[sflag:s16] =	ssyncset.done @!p0 $0x0  }
0x2e: {  	s17 =	simm.s32 @!p1 $0x13C00;
	s18 =	simm.s32 @!p1 $0x2;
	[sflag:s16] =	ssyncadd.s32 @!p0 $0xFFFFC000  }
0x2f: {  	[tilespmem:s17], [sflag:$0x2] =	stream.linear.gather @!p1 [hbm4b:s15+s14], $0x80, $0x38;
	[tilespmem:$0x17C80] =	vst v63  }
0x30: {  	p0 =	por p1, p1;
	_ =	swait.ge @!p1 [sflag:s18], $0x80  }
0x31: {  	[sflag:s18] =	ssyncset.done @!p0 $0x0  }
0x32: {  	s15 =	simm.s32 @!p0 $0x13C80;
	[sflag:s18] =	ssyncadd.s32 @!p0 $0xFFFFFF80  }
0x33: {  	[tilespmem:s15], [sflag:$0x2] =	stream.linear.gather @!p0 [hbm4b:s13+s14], $0x4000, $0x38;
	[tilespmem:$0x17C80] =	vst v63  }
0x34: {  	_ =	swait.ge @!p0 [sflag:s18], $0x4000  }
0x35: {  	[sflag:s18] =	ssyncset.done @!p0 $0x0  }
0x36: {  	s13 =	simm.s32 @!p0 $0x1;
	s14 =	simm.s32 @!p0 $0x80;
	[sflag:s18] =	ssyncadd.s32 @!p0 $0xFFFFC000  }
0x37: {  	[spmem:s1] =	stream.indirect.scatter.add.f32 @!p0 [tilespmem:s15], [sflag:$0x1], $0x80, s17, s14, $0xb8;
	[tilespmem:$0x17C80] =	vst v63  }
0x38: {  	_ =	swait.ge @!p0 [sflag:s13], $0x4000  }
0x39: {  	s3 =	sadd.s32 $0x1, s3;
	[sflag:s13] =	ssyncset.done @!p0 $0x0  }
0x3a: {  	[sflag:s13] =	ssyncadd.s32 @!p0 $0xFFFFC000;
	p0 =	sne.s32 s3, s6  }
.Ltmp1:
0x3b: {  	[bflag:$0x0] =	sbarrier.arrive $0xFFFF;
	(pc) =	sbr.rel @p0 .LBB2_1-.Ltmp1, $4  }
0x3c: {  	[hbm:s12], [sflag:s5] =	dma.local [spmem:s10], $0x2780  }
0x3d: {  	_ =	swait.ge [sflag:s11], $0x2780  }
0x3e: {  	[sflag:s11] =	ssyncset.done $0x0  }
0x3f: {  	[sflag:s11] =	ssyncadd.s32 $0xFFFFD880  }
0x40: {  	_ =	sfence.sel $0x180000  }
0x41: {  	[bflag:$0x0] =	sbarrier.arrive $0xFFFF  }
0x42: {  	p0 =	sne.s32 s2, $0x0;
	_ =	strace $0x90000050  }
0x43: {  	s0 =	sadd.s32 @!p0 $0x100000, s0;
	[bflag:$0x2] =	sbarrier.arrive $0xFFFF  }
0x44: {  	[sflag:s0] =	ssyncadd.tile.s32 @!p0 $0x1;
	_ =	shalt  }
.Lfunc_end2:
_tile_overlayer_lowered:
.L_overlay_start_2:
0x45: {  	(tag) =	ssettag $0x2  }
0x46: {  	s0 =	rddreg [dreg:$0x0];
	s2 =	stileid.u32  }
0x47: {  	s1 =	rddreg [dreg:$0x1];
	p0 =	sne.s32 s2, $0x0  }
0x48: {  	s3 =	rddreg [dreg:$0x2];
	[bflag:$0x3] =	sbarrier.arrive $0xFFFF;
	s2 =	simm.s32 @!p0 $0x1C01  }
0x49: {  	[timem:s3], [sflag:s2] =	dma.local @!p0 [hbm:s0], s1  }
0x4a: {  	s0 =	simm.s32 @!p0 $0x1  }
0x4b: {  	_ =	swait.ge @!p0 [sflag:s0], s1  }
0x4c: {  	s1 =	ssub.s32 @!p0 $0x0, s1;
	[sflag:s0] =	ssyncset.done @!p0 $0x0  }
0x4d: {  	[sflag:s0] =	ssyncadd.s32 @!p0 s1  }
0x4e: {  	[bflag:$0x3] =	sbarrier.arrive $0xFFFF  }
0x4f: {  	_ =	shalt  }

// kernel: kernel.29.cloned.1.call-start
scs
__scs_entry_jumppad:
0x0: {  	(pc) =	sbr.rel $0x88, $3  }
0x1: {  	(tag) =	ssettag $0x0;
	lr =	simm.s32 $0x1  }
0x2: {  	[smem:$0x3F56] =	sst lr;
	_ =	strace $0xD0000000  }
0x3: {  	_ = 	snop  }
0x4: {  	_ = 	snop  }
0x5: {  	_ = 	snop  }
0x6: {  	_ = 	snop  }
0x7: {  	_ = 	snop  }
__scs_overlays_trampoline_lowered:
0x8: {  	[smem:$0x3F65] =	sst s0  }
0x9: {  	[smem:$0x3F66] =	sst s1  }
0xa: {  	[smem:$0x3F67] =	sst s2  }
0xb: {  	[smem:$0x3F68] =	sst s3  }
0xc: {  	[smem:$0x3F69] =	sst s4  }
0xd: {  	[smem:$0x3F6A] =	sst s5  }
0xe: {  	[smem:$0x3F6B] =	sst s6  }
0xf: {  	[smem:$0x3F6C] =	sst s7  }
0x10: {  	[smem:$0x3F6D] =	sst s8  }
0x11: {  	[smem:$0x3F6E] =	sst s9;
	s0 =	simm.s32 @!p0 $0x0  }
0x12: {  	s1 =	sld [smem:$0x3F54];
	s0 =	simm.s32 @p0 $0x1  }
0x13: {  	[smem:$0x3F6F] =	sst s0;
	s0 =	simm.s32 @!p1 $0x0  }
0x14: {  	s2 =	sld [smem:$0x3F53];
	s0 =	simm.s32 @p1 $0x1  }
0x15: {  	[smem:$0x3F70] =	sst s0;
	s0 =	simm.s32 @!p2 $0x0  }
0x16: {  	s3 =	sld [smem:$0x3FDB];
	s0 =	simm.s32 @p2 $0x1  }
0x17: {  	s4 =	simm.s32 $0x1BF5;
	[smem:$0x3F72] =	sst s0  }
0x18: {  	s0 =	sld [smem:$0x3F55];
	_ =	swait.ge [sflag:s4], $0x0  }
0x19: {  	s7 =	sld [smem:$0x3F56]  }
0x1a: {  	s8 =	sadd.s32 $0xFFFFE003, lr  }
0x1b: {  	s9 =	sadd.s32 $0xFFFFFEF7, lr;
	s5 =	simm.s32 $0xFFFFFFFF;
	p2 =	slt.u32 s8, $0xFFFFF086  }
0x1c: {  	p1 =	slt.u32 s9, $0xF7A;
	s5 =	simm.s32 @!p2 $0x0  }
0x1d: {  	s5 =	simm.s32 @p1 $0x1;
	p0 =	seq.s32 s7, s2  }
0x1e: {  	s7 =	smul.u32 @!p0 $0xF7A, s2;
	p2 =	seq.s32 @!p0 s5, $0x0  }
0x1f: {  	s9 =	smul.u32 $0xF7A, s1;
	s8 =	simm.s32 @!p0 $0x1BF5;
	p2 =	por !p2, p0  }
0x20: {  	[sflag:s8] =	ssyncset.s32 @!p0 $0xFFFFF086;
	s6 =	sadd.s32 @!p0 s3, s7;
	s7 =	simm.s32 @!p0 $0x108  }
0x21: {  	s3 =	sadd.s32 s3, s9;
	s6 =	sadd.s32 @!p0 $0x88, s6;
	s7 =	simm.s32 @p2 $0x1082  }
0x22: {  	[simem:s7], [sflag:s8] =	dma.local @!p0 [hbm:s6], $0xF7A  }
0x23: {  	s9 =	sor.u32 $0xD0000000, s2;
	s6 =	simm.s32 $0x108;
	_ =	swait.ge @!p0 [sflag:s8], $0x0  }
0x24: {  	s3 =	sadd.s32 $0x88, s3;
	s6 =	simm.s32 @!p1 $0x1082;
	[sflag:s4] =	ssyncset.s32 $0xFFFFF086  }
0x25: {  	[simem:s6], [sflag:s4] =	dma.local [hbm:s3], $0xF7A  }
0x26: {  	[smem:$0x3F56] =	sst s1;
	(tag) =	ssettag s2;
	_ =	strace s9  }
0x27: {  	s1 =	sld [smem:$0x3F66]  }
0x28: {  	s2 =	sld [smem:$0x3F67]  }
0x29: {  	s4 =	sld [smem:$0x3F69]  }
0x2a: {  	p0 =	seq.s32 s5, $0x0;
	s5 =	sld [smem:$0x3F6A]  }
0x2b: {  	s6 =	sld [smem:$0x3F6B]  }
0x2c: {  	s7 =	sld [smem:$0x3F6C]  }
0x2d: {  	s3 =	simm.s32 $0x108;
	s8 =	sld [smem:$0x3F6D]  }
0x2e: {  	s3 =	simm.s32 @!p0 $0x1082;
	s9 =	sld [smem:$0x3F6E]  }
0x2f: {  	lr =	sadd.s32 s0, s3;
	s0 =	sld [smem:$0x3F65]  }
0x30: {  	s3 =	sld [smem:$0x3F68]  }
0x31: {  	[smem:$0x3F71] =	sst s10  }
0x32: {  	s10 =	sld [smem:$0x3F6F];
	_ =	sdelay $0x3  }
0x33: {  	p0 =	seq.s32 s10, $0x1;
	s10 =	sld [smem:$0x3F71];
	_ =	sdelay $0x3  }
0x34: {  	[smem:$0x3F71] =	sst s10  }
0x35: {  	s10 =	sld [smem:$0x3F70];
	_ =	sdelay $0x3  }
0x36: {  	p1 =	seq.s32 s10, $0x1;
	s10 =	sld [smem:$0x3F71];
	_ =	sdelay $0x3  }
0x37: {  	[smem:$0x3F71] =	sst s10  }
0x38: {  	s10 =	sld [smem:$0x3F72]  }
0x39: {  	_ = 	snop;
	(pc) =	sbr.ind lr, $3  }
0x3a: {  	_ = 	snop  }
0x3b: {  	_ = 	snop  }
0x3c: {  	p2 =	seq.s32 s10, $0x1;
	s10 =	sld [smem:$0x3F71]  }
0x3d: {  	_ =	shalt  }
0x3e: {  	_ =	shalt  }
0x3f: {  	_ =	shalt  }
0x40: {  	_ =	shalt  }
0x41: {  	_ =	shalt  }
0x42: {  	_ =	shalt  }
0x43: {  	_ =	shalt  }
0x44: {  	_ =	shalt  }
0x45: {  	_ =	shalt  }
0x46: {  	_ =	shalt  }
0x47: {  	_ =	shalt  }
0x48: {  	_ =	shalt  }
0x49: {  	_ =	shalt  }
0x4a: {  	_ =	shalt  }
0x4b: {  	_ =	shalt  }
0x4c: {  	_ =	shalt  }
0x4d: {  	_ =	shalt  }
0x4e: {  	_ =	shalt  }
0x4f: {  	_ =	shalt  }
0x50: {  	_ =	shalt  }
0x51: {  	_ =	shalt  }
0x52: {  	_ =	shalt  }
0x53: {  	_ =	shalt  }
0x54: {  	_ =	shalt  }
0x55: {  	_ =	shalt  }
0x56: {  	_ =	shalt  }
0x57: {  	_ =	shalt  }
0x58: {  	_ =	shalt  }
0x59: {  	_ =	shalt  }
0x5a: {  	_ =	shalt  }
0x5b: {  	_ =	shalt  }
0x5c: {  	_ =	shalt  }
0x5d: {  	_ =	shalt  }
0x5e: {  	_ =	shalt  }
0x5f: {  	_ =	shalt  }
0x60: {  	_ =	shalt  }
0x61: {  	_ =	shalt  }
0x62: {  	_ =	shalt  }
0x63: {  	_ =	shalt  }
0x64: {  	_ =	shalt  }
0x65: {  	_ =	shalt  }
0x66: {  	_ =	shalt  }
0x67: {  	_ =	shalt  }
0x68: {  	_ =	shalt  }
0x69: {  	_ =	shalt  }
0x6a: {  	_ =	shalt  }
0x6b: {  	_ =	shalt  }
0x6c: {  	_ =	shalt  }
0x6d: {  	_ =	shalt  }
0x6e: {  	_ =	shalt  }
0x6f: {  	_ =	shalt  }
0x70: {  	_ =	shalt  }
0x71: {  	_ =	shalt  }
0x72: {  	_ =	shalt  }
0x73: {  	_ =	shalt  }
0x74: {  	_ =	shalt  }
0x75: {  	_ =	shalt  }
0x76: {  	_ =	shalt  }
0x77: {  	_ =	shalt  }
0x78: {  	_ =	shalt  }
0x79: {  	_ =	shalt  }
0x7a: {  	_ =	shalt  }
0x7b: {  	_ =	shalt  }
0x7c: {  	_ =	shalt  }
0x7d: {  	_ =	shalt  }
0x7e: {  	_ =	shalt  }
0x7f: {  	_ =	shalt  }
0x80: {  	_ =	shalt  }
0x81: {  	_ =	shalt  }
0x82: {  	_ =	shalt  }
0x83: {  	_ =	shalt  }
0x84: {  	_ =	shalt  }
0x85: {  	_ =	shalt  }
0x86: {  	_ =	shalt  }
0x87: {  	_ =	shalt  }
.Lfunc_end0:
.L_simem_size_0:
called_computation.4_lowered:
.L_overlay_start_0:
0x88: {  	s2 =	sld [smem:$0x3FD9]  }
0x89: {  	s3 =	sld [smem:$0x3FFE];
	_ =	sdelay $0x1  }
0x8a: {  	s1 =	srdreg.scid  }
0x8b: {  	s0 =	sand.u32 $0x1, s1  }
0x8c: {  	s14 =	sshll.u32 s0, $0xA;
	s2 =	sadd.s32 s3, s2  }
0x8d: {  	s2 =	sadd.s32 s2, s14  }
0x8e: {  	[smem:$0x3F7D] =	sst s2  }
0x8f: {  	_ = 	snop  }
0x90: {  	s2 =	sld [smem:$0x3FD0];
	_ =	sdelay $0x2  }
0x91: {  	s15 =	simm.s32 $0xA;
	s4 =	simm.s32 $0x10  }
0x92: {  	[smem:s4], [sflag:s15] =	dma.local [hbm:s2], $0x1  }
0x93: {  	_ =	swait.eq [sflag:s15], $0x1  }
0x94: {  	[sflag:s15] =	ssyncset.done $0x0  }
0x95: {  	[sflag:s15] =	ssyncadd.s32 $0xFFFFFFFF  }
0x96: {  	s16 =	sld [smem:$0x11];
	(tm) =	ssettm $0x1  }
0x97: {  	s17 =	sld [smem:$0x3FFB];
	_ =	sdelay $0x3  }
0x98: {  	_ =	strace s17  }
0x99: {  	s3 =	sld [smem:$0x3FFC];
	_ =	sdelay $0x3  }
0x9a: {  	_ =	strace s3  }
0x9b: {  	s3 =	sld [smem:$0x3FFD];
	_ =	sdelay $0x3  }
0x9c: {  	_ =	strace s3  }
0x9d: {  	_ =	strace $0x8FFFFFFF  }
0x9e: {  	s18 =	sld [smem:$0x3FDB];
	_ =	sdelay $0x1  }
0x9f: {  	s19 =	simm.s32 $_scs_section_size  }
0xa0: {  	s5 =	simm.s32 $_size__tile_overlayer_lowered;
	s6 =	simm.s32 $_tile_overlayer_lowered  }
0xa1: {  	s22 =	simm.s32 $0x1BFF;
	s21 =	sshll.u32 s6, $0x1;
	s3 =	sadd.s32 s19, s18  }
0xa2: {  	s7 =	simm.s32 $0x0;
	s20 =	sshll.u32 s5, $0x1;
	s5 =	sadd.s32 s21, s3  }
0xa3: {  	[timem:s7], [sflag:s22] =	dma.local [hbm:s5], s20  }
0xa4: {  	_ =	swait.ge [sflag:s22], s20  }
0xa5: {  	s4 =	ssub.s32 $0x0, s20;
	[sflag:s22] =	ssyncset.done $0x0  }
0xa6: {  	[sflag:s22] =	ssyncadd.s32 s4;
	_ =	sdelay $0x1  }
0xa7: {  	s23 =	simm.s32 $0x1B8B  }
0xa8: {  	_ =	swait.ge [sflag:s23], $0x1  }
0xa9: {  	[sflag:s23] =	ssyncset.done $0x0  }
0xaa: {  	s25 =	simm.s32 $0x1B8E;
	s24 =	sld [smem:$0x3FFE];
	[sflag:s23] =	ssyncadd.s32 $0xFFFFFFFF  }
0xab: {  	s26 =	simm.s32 $execute0_lowered;
	[smem:$0x3FD2] =	sst s25  }
0xac: {  	s5 =	sshll.u32 s26, $0x1;
	_ =	strace $0x80000052;
	[dreg:$0x1] =	wrdreg $0xFFFFFFFF  }
0xad: {  	s28 =	simm.s32 $_size_execute0_lowered;
	s3 =	sadd.s32 s3, s5;
	[dreg:$0x0] =	wrdreg $0x0  }
0xae: {  	s5 =	sshll.u32 s28, $0x1;
	[dreg:$0x2] =	wrdreg s3  }
0xaf: {  	[dreg:$0x3] =	wrdreg s5  }
0xb0: {  	[dreg:$0x4] =	wrdreg $0xC0  }
0xb1: {  	_ =	task [dreg:s7], $0x5FFFF  }
0xb2: {  	[dreg:$0x1] =	wrdreg $0xFFFFFFFF  }
0xb3: {  	[dreg:$0x0] =	wrdreg $0x60  }
0xb4: {  	[dreg:$0x2] =	wrdreg s16  }
0xb5: {  	[dreg:$0x3] =	wrdreg s24  }
0xb6: {  	[dreg:$0x4] =	wrdreg $0x9  }
0xb7: {  	_ =	task.clear_ibuf [dreg:s7], $0x5FFFF;
	_ =	strace $0x90000052  }
0xb8: {  	s29 =	simm.s32 $0x9;
	_ =	strace $0x80000054  }
0xb9: {  	_ =	swait.ge [sflag:s29], $0x1  }
0xba: {  	[sflag:s29] =	ssyncadd.s32 $0xFFFFFFFF  }
0xbb: {  	_ =	strace $0x90000054  }
0xbc: {  	_ =	sfence  }
0xbd: {  	s30 =	sld [smem:$0x0];
	_ =	sdelay $0x2  }
0xbe: {  	s31 =	sshll.u32 s1, $0xD;
	s1 =	sshrl.u32 s1, $0x2  }
0xbf: {  	s3 =	sand.u32 $0x4000, s31;
	s1 =	sadd.s32 s1, s30  }
0xc0: {  	s0 =	sor.u32 s3, s0;
	s1 =	sshll.u32 s1, $0x11  }
0xc1: {  	s0 =	sor.u32 s1, s0  }
0xc2: {  	s0 =	sadd.s32 $0x8F2B, s0  }
0xc3: {  	[sflag:s0] =	ssyncadd.remote.s32 $0x1  }
0xc4: {  	_ =	sfence.sel $0xFFFF  }
0xc5: {  	[dreg:$0x0] =	wrdreg $0xFFFFFFFF;
	(pc) =	sbr.abs _section_cstart, $3  }
0xc6: {  	[dreg:$0x1] =	wrdreg $0xFFFFFFFF  }
0xc7: {  	_ =	task.clear_ibuf [dreg:s7], $0x2FFFF;
	_ =	strace $0x9FFFFFFF  }
0xc8: {  	(tm) =	ssettm $0x7FFFFFFF  }
0xc9: {  	_ =	shalt  }
tec
execute0_lowered:
.L_overlay_start_1:
0x0: {  	(tag) =	ssettag $0x1  }
0x1: {  	s1 =	rddreg [dreg:$0x0]  }
0x2: {  	s4 =	rddreg [dreg:$0x1]  }
0x3: {  	s0 =	rddreg [dreg:$0x2]  }
0x4: {  	s5 =	srdreg.scid;
	s3 =	simm.s32 $0x0;
	s2 =	stileid.u32  }
0x5: {  	s9 =	sand.u32 $0x1, s5;
	[smem:$0x7FF] =	sst s3;
	s29 =	sshll.u32 s2, $0x5  }
0x6: {  	s7 =	sshll.u32 s2, $0xC;
	s10 =	sshll.u32 s2, $0x1;
	s6 =	sshll.u32 s9, $0x4  }
0x7: {  	_ =	strace $0x80000053;
	s8 =	ssub.s32 $0x2, s9;
	s7 =	sadd.s32 s7, s4  }
0x8: {  	s31 =	sshll.u32 s9, $0xB;
	s9 =	sor.u32 s9, s10;
	s5 =	sor.u32 s6, s29  }
0x9: {  	s30 =	sshrl.u32 s8, $0x1;
	s6 =	sand.u32 $0x180, s5;
	s5 =	sand.u32 $0x70, s5  }
0xa: {  	s6 =	sadd.s32 s6, s4;
	s4 =	ssub.s32 s8, s30;
	s8 =	sadd.s32 s31, s7  }
0xb: {  	s4 =	smax.u32 s4, $0x1;
	s6 =	sadd.s32 s5, s6;
	s7 =	sadd.s32 $0x20E00, s8  }
0xc: {  	s8 =	sadd.s32 $0xEEE600, s8;
	s5 =	sadd.s32 $0xD200, s6;
	s6 =	sadd.s32 $0x17000, s6  }
.LBB2_1:
0xd: {  	p0 =	sgt.u32 s9, $0x9C3  }
0xe: {  	s10 =	sadd.s32 @!p0 $0x0, s5;
	s11 =	simm.s32 @!p0 $0x0;
	s14 =	simm.s32 @!p0 $0x4  }
0xf: {  	[tilespmem:s11], [sflag:$0x4] =	stream.linear.gather @!p0 [hbm4b:s10+s11], $0x80, $0x38;
	[tilespmem:$0x8100] =	vst v63  }
0x10: {  	_ =	swait.ge @!p0 [sflag:s14], $0x80;
	p0 =	por p0, p0  }
0x11: {  	[sflag:s14] =	ssyncset.done @!p0 $0x0  }
0x12: {  	s10 =	sadd.s32 @!p0 $0x0, s6;
	s12 =	simm.s32 @!p0 $0x80;
	[sflag:s14] =	ssyncadd.s32 @!p0 $0xFFFFFF80  }
0x13: {  	[tilespmem:s12], [sflag:$0x4] =	stream.linear.gather @!p0 [hbm4b:s10+s11], $0x80, $0x38;
	[tilespmem:$0x8100] =	vst v63  }
0x14: {  	_ =	swait.ge @!p0 [sflag:s14], $0x80  }
0x15: {  	[sflag:s14] =	ssyncset.done @!p0 $0x0  }
0x16: {  	s10 =	simm.s32 @!p0 $0x100;
	[sflag:s14] =	ssyncadd.s32 @!p0 $0xFFFFFF80  }
0x17: {  	[tilespmem:s10], [sflag:$0x1] =	stream.indirect.gather @!p0 [hbm4b:s1+s12], $0x80, s11, s12, $0xb8;
	[tilespmem:$0x8100] =	vst v63  }
0x18: {  	s15 =	simm.s32 @!p0 $0x4100;
	s13 =	simm.s32 @!p0 $0x1  }
0x19: {  	[tilespmem:s15], [sflag:$0x2] =	stream.indirect.gather @!p0 [hbm4b:s1+s12], $0x80, s12, s12, $0xb8;
	[tilespmem:$0x8100] =	vst v63  }
0x1a: {  	_ =	swait.ge @!p0 [sflag:s13], $0x4000  }
0x1b: {  	[sflag:s13] =	ssyncset.done @!p0 $0x0  }
0x1c: {  	s12 =	simm.s32 @!p0 $0x2;
	[sflag:s13] =	ssyncadd.s32 @!p0 $0xFFFFC000  }
0x1d: {  	_ =	swait.ge @!p0 [sflag:s12], $0x4000  }
0x1e: {  	[sflag:s12] =	ssyncset.done @!p0 $0x0  }
0x1f: {  	[sflag:s12] =	ssyncadd.s32 @!p0 $0xFFFFC000  }
0x20: {  	[hbm4b:s8+s11] =	stream.linear.scatter @!p0 [tilespmem:s10], [sflag:$0x4], $0x4000, $0x38;
	[tilespmem:$0x8100] =	vst v63  }
0x21: {  	_ =	swait.ge @!p0 [sflag:s14], $0x4000  }
0x22: {  	[sflag:s14] =	ssyncset.done @!p0 $0x0  }
0x23: {  	s13 =	simm.s32 $0x400;
	s12 =	simm.s32 $0x200;
	[sflag:s14] =	ssyncadd.s32 @!p0 $0xFFFFC000  }
0x24: {  	[hbm4b:s7+s11] =	stream.linear.scatter @!p0 [tilespmem:s15], [sflag:$0x3], $0x4000, $0x38;
	[tilespmem:$0x8100] =	vst v63  }
0x25: {  	s10 =	sadd.s32 $0x10000, s8;
	s14 =	sadd.s32 $0x20, s9;
	s15 =	simm.s32 @!p0 $0x3  }
0x26: {  	p2 =	sgt.u32 s14, $0x9C3;
	s11 =	sadd.s32 $0x10000, s7;
	_ =	swait.ge @!p0 [sflag:s15], $0x4000  }
.LBB2_2:
0x27: {  	s16 =	sadd.s32 @!p2 s12, s5  }
0x28: {  	s17 =	simm.s32 @!p2 $0x0;
	[sflag:s15] =	ssyncset.done @!p0 $0x0;
	s18 =	smov.u32 s13  }
0x29: {  	s13 =	sadd.s32 $0x200, s13;
	s19 =	simm.s32 @!p2 $0x4;
	[sflag:s15] =	ssyncadd.s32 @!p0 $0xFFFFC000  }
0x2a: {  	[tilespmem:s17], [sflag:$0x4] =	stream.linear.gather @!p2 [hbm4b:s16+s17], $0x80, $0x38;
	[tilespmem:$0x8100] =	vst v63  }
0x2b: {  	p1 =	sne.s32 s13, $0x9E00;
	p0 =	por p2, p2;
	_ =	swait.ge @!p2 [sflag:s19], $0x80  }
0x2c: {  	[sflag:s19] =	ssyncset.done @!p0 $0x0  }
0x2d: {  	s12 =	sadd.s32 @!p0 s12, s6;
	s15 =	simm.s32 @!p0 $0x80;
	[sflag:s19] =	ssyncadd.s32 @!p0 $0xFFFFFF80  }
0x2e: {  	[tilespmem:s15], [sflag:$0x4] =	stream.linear.gather @!p0 [hbm4b:s12+s17], $0x80, $0x38;
	[tilespmem:$0x8100] =	vst v63  }
0x2f: {  	s12 =	smov.u32 s18;
	_ =	swait.ge @!p0 [sflag:s19], $0x80  }
0x30: {  	[sflag:s19] =	ssyncset.done @!p0 $0x0  }
0x31: {  	s16 =	simm.s32 @!p0 $0x100;
	[sflag:s19] =	ssyncadd.s32 @!p0 $0xFFFFFF80  }
0x32: {  	[tilespmem:s16], [sflag:$0x1] =	stream.indirect.gather @!p0 [hbm4b:s1+s15], $0x80, s17, s15, $0xb8;
	[tilespmem:$0x8100] =	vst v63  }
0x33: {  	s20 =	simm.s32 @!p0 $0x1;
	s18 =	simm.s32 @!p0 $0x4100  }
0x34: {  	[tilespmem:s18], [sflag:$0x2] =	stream.indirect.gather @!p0 [hbm4b:s1+s15], $0x80, s15, s15, $0xb8;
	[tilespmem:$0x8100] =	vst v63  }
0x35: {  	_ =	swait.ge @!p0 [sflag:s20], $0x4000  }
0x36: {  	[sflag:s20] =	ssyncset.done @!p0 $0x0  }
0x37: {  	s15 =	simm.s32 @!p0 $0x2;
	[sflag:s20] =	ssyncadd.s32 @!p0 $0xFFFFC000  }
0x38: {  	_ =	swait.ge @!p0 [sflag:s15], $0x4000  }
0x39: {  	[sflag:s15] =	ssyncset.done @!p0 $0x0  }
0x3a: {  	[sflag:s15] =	ssyncadd.s32 @!p0 $0xFFFFC000  }
0x3b: {  	[hbm4b:s10+s17] =	stream.linear.scatter @!p0 [tilespmem:s16], [sflag:$0x4], $0x4000, $0x38;
	[tilespmem:$0x8100] =	vst v63  }
.Ltmp0:
0x3c: {  	_ =	swait.ge @!p0 [sflag:s19], $0x4000;
	(pc) =	sbr.rel @p1 .LBB2_2-.Ltmp0, $4  }
0x3d: {  	s10 =	sadd.s32 $0x10000, s10;
	[sflag:s19] =	ssyncset.done @!p0 $0x0  }
0x3e: {  	s14 =	sadd.s32 $0x20, s14;
	s15 =	simm.s32 @!p0 $0x3;
	[sflag:s19] =	ssyncadd.s32 @!p0 $0xFFFFC000  }
0x3f: {  	[hbm4b:s11+s17] =	stream.linear.scatter @!p0 [tilespmem:s18], [sflag:$0x3], $0x4000, $0x38;
	[tilespmem:$0x8100] =	vst v63  }
0x40: {  	p2 =	sgt.u32 s14, $0x9C3;
	s11 =	sadd.s32 $0x10000, s11;
	_ =	swait.ge @!p0 [sflag:s15], $0x4000  }
0x41: {  	s13 =	sadd.s32 @!p2 s12, s5;
	[sflag:s15] =	ssyncset.done @!p0 $0x0  }
0x42: {  	s14 =	simm.s32 @!p2 $0x0;
	s16 =	simm.s32 @!p2 $0x4;
	[sflag:s15] =	ssyncadd.s32 @!p0 $0xFFFFC000  }
0x43: {  	[tilespmem:s14], [sflag:$0x4] =	stream.linear.gather @!p2 [hbm4b:s13+s14], $0x80, $0x38;
	[tilespmem:$0x8100] =	vst v63  }
0x44: {  	p0 =	por p2, p2;
	_ =	swait.ge @!p2 [sflag:s16], $0x80  }
0x45: {  	[sflag:s16] =	ssyncset.done @!p0 $0x0  }
0x46: {  	s12 =	sadd.s32 @!p0 s12, s6;
	s13 =	simm.s32 @!p0 $0x80;
	[sflag:s16] =	ssyncadd.s32 @!p0 $0xFFFFFF80  }
0x47: {  	[tilespmem:s13], [sflag:$0x4] =	stream.linear.gather @!p0 [hbm4b:s12+s14], $0x80, $0x38;
	[tilespmem:$0x8100] =	vst v63  }
0x48: {  	_ =	swait.ge @!p0 [sflag:s16], $0x80  }
0x49: {  	[sflag:s16] =	ssyncset.done @!p0 $0x0  }
0x4a: {  	s12 =	simm.s32 @!p0 $0x100;
	[sflag:s16] =	ssyncadd.s32 @!p0 $0xFFFFFF80  }
0x4b: {  	[tilespmem:s12], [sflag:$0x1] =	stream.indirect.gather @!p0 [hbm4b:s1+s13], $0x80, s14, s13, $0xb8;
	[tilespmem:$0x8100] =	vst v63  }
0x4c: {  	s15 =	simm.s32 @!p0 $0x4100;
	s17 =	simm.s32 @!p0 $0x1  }
0x4d: {  	[tilespmem:s15], [sflag:$0x2] =	stream.indirect.gather @!p0 [hbm4b:s1+s13], $0x80, s13, s13, $0xb8;
	[tilespmem:$0x8100] =	vst v63  }
0x4e: {  	_ =	swait.ge @!p0 [sflag:s17], $0x4000  }
0x4f: {  	[sflag:s17] =	ssyncset.done @!p0 $0x0  }
0x50: {  	s13 =	simm.s32 @!p0 $0x2;
	[sflag:s17] =	ssyncadd.s32 @!p0 $0xFFFFC000  }
0x51: {  	_ =	swait.ge @!p0 [sflag:s13], $0x4000  }
0x52: {  	[sflag:s13] =	ssyncset.done @!p0 $0x0  }
0x53: {  	[sflag:s13] =	ssyncadd.s32 @!p0 $0xFFFFC000  }
0x54: {  	[hbm4b:s10+s14] =	stream.linear.scatter @!p0 [tilespmem:s12], [sflag:$0x4], $0x4000, $0x38;
	[tilespmem:$0x8100] =	vst v63  }
0x55: {  	s3 =	sadd.s32 $0x1, s3;
	_ =	swait.ge @!p0 [sflag:s16], $0x4000  }
0x56: {  	p1 =	sne.s32 s3, s4;
	[sflag:s16] =	ssyncset.done @!p0 $0x0  }
.Ltmp1:
0x57: {  	s10 =	simm.s32 @!p0 $0x3;
	[sflag:s16] =	ssyncadd.s32 @!p0 $0xFFFFC000;
	(pc) =	sbr.rel @p1 .LBB2_1-.Ltmp1, $4  }
0x58: {  	[hbm4b:s11+s14] =	stream.linear.scatter @!p0 [tilespmem:s15], [sflag:$0x3], $0x4000, $0x38;
	[tilespmem:$0x8100] =	vst v63  }
0x59: {  	_ =	swait.ge @!p0 [sflag:s10], $0x4000  }
0x5a: {  	[sflag:s10] =	ssyncset.done @!p0 $0x0  }
0x5b: {  	[sflag:s10] =	ssyncadd.s32 @!p0 $0xFFFFC000  }
0x5c: {  	_ =	sfence.sel $0x180000  }
0x5d: {  	[bflag:$0x0] =	sbarrier.arrive $0xFFFF  }
0x5e: {  	p0 =	sne.s32 s2, $0x0;
	_ =	strace $0x90000053  }
0x5f: {  	s0 =	sadd.s32 @!p0 $0x100000, s0;
	[bflag:$0x2] =	sbarrier.arrive $0xFFFF  }
0x60: {  	[sflag:s0] =	ssyncadd.tile.s32 @!p0 $0x1;
	_ =	shalt  }
.Lfunc_end2:
_tile_overlayer_lowered:
.L_overlay_start_2:
0x61: {  	(tag) =	ssettag $0x2  }
0x62: {  	s0 =	rddreg [dreg:$0x0];
	s2 =	stileid.u32  }
0x63: {  	s1 =	rddreg [dreg:$0x1];
	p0 =	sne.s32 s2, $0x0  }
0x64: {  	s3 =	rddreg [dreg:$0x2];
	[bflag:$0x3] =	sbarrier.arrive $0xFFFF;
	s2 =	simm.s32 @!p0 $0x1C03  }
0x65: {  	[timem:s3], [sflag:s2] =	dma.local @!p0 [hbm:s0], s1  }
0x66: {  	s0 =	simm.s32 @!p0 $0x3  }
0x67: {  	_ =	swait.ge @!p0 [sflag:s0], s1  }
0x68: {  	s1 =	ssub.s32 @!p0 $0x0, s1;
	[sflag:s0] =	ssyncset.done @!p0 $0x0  }
0x69: {  	[sflag:s0] =	ssyncadd.s32 @!p0 s1  }
0x6a: {  	[bflag:$0x3] =	sbarrier.arrive $0xFFFF  }
0x6b: {  	_ =	shalt  }

// kernel: kernel.32.cloned.1.call-start
scs
__scs_entry_jumppad:
0x0: {  	(pc) =	sbr.rel $0x88, $3  }
0x1: {  	(tag) =	ssettag $0x0;
	lr =	simm.s32 $0x1  }
0x2: {  	[smem:$0x3F56] =	sst lr;
	_ =	strace $0xD0000000  }
0x3: {  	_ = 	snop  }
0x4: {  	_ = 	snop  }
0x5: {  	_ = 	snop  }
0x6: {  	_ = 	snop  }
0x7: {  	_ = 	snop  }
__scs_overlays_trampoline_lowered:
0x8: {  	[smem:$0x3F65] =	sst s0  }
0x9: {  	[smem:$0x3F66] =	sst s1  }
0xa: {  	[smem:$0x3F67] =	sst s2  }
0xb: {  	[smem:$0x3F68] =	sst s3  }
0xc: {  	[smem:$0x3F69] =	sst s4  }
0xd: {  	[smem:$0x3F6A] =	sst s5  }
0xe: {  	[smem:$0x3F6B] =	sst s6  }
0xf: {  	[smem:$0x3F6C] =	sst s7  }
0x10: {  	[smem:$0x3F6D] =	sst s8  }
0x11: {  	[smem:$0x3F6E] =	sst s9;
	s0 =	simm.s32 @!p0 $0x0  }
0x12: {  	s1 =	sld [smem:$0x3F54];
	s0 =	simm.s32 @p0 $0x1  }
0x13: {  	[smem:$0x3F6F] =	sst s0;
	s0 =	simm.s32 @!p1 $0x0  }
0x14: {  	s2 =	sld [smem:$0x3F53];
	s0 =	simm.s32 @p1 $0x1  }
0x15: {  	[smem:$0x3F70] =	sst s0;
	s0 =	simm.s32 @!p2 $0x0  }
0x16: {  	s3 =	sld [smem:$0x3FDB];
	s0 =	simm.s32 @p2 $0x1  }
0x17: {  	s4 =	simm.s32 $0x1BF5;
	[smem:$0x3F72] =	sst s0  }
0x18: {  	s0 =	sld [smem:$0x3F55];
	_ =	swait.ge [sflag:s4], $0x0  }
0x19: {  	s7 =	sld [smem:$0x3F56]  }
0x1a: {  	s8 =	sadd.s32 $0xFFFFE003, lr  }
0x1b: {  	s9 =	sadd.s32 $0xFFFFFEF7, lr;
	s5 =	simm.s32 $0xFFFFFFFF;
	p2 =	slt.u32 s8, $0xFFFFF086  }
0x1c: {  	p1 =	slt.u32 s9, $0xF7A;
	s5 =	simm.s32 @!p2 $0x0  }
0x1d: {  	s5 =	simm.s32 @p1 $0x1;
	p0 =	seq.s32 s7, s2  }
0x1e: {  	s7 =	smul.u32 @!p0 $0xF7A, s2;
	p2 =	seq.s32 @!p0 s5, $0x0  }
0x1f: {  	s9 =	smul.u32 $0xF7A, s1;
	s8 =	simm.s32 @!p0 $0x1BF5;
	p2 =	por !p2, p0  }
0x20: {  	[sflag:s8] =	ssyncset.s32 @!p0 $0xFFFFF086;
	s6 =	sadd.s32 @!p0 s3, s7;
	s7 =	simm.s32 @!p0 $0x108  }
0x21: {  	s3 =	sadd.s32 s3, s9;
	s6 =	sadd.s32 @!p0 $0x88, s6;
	s7 =	simm.s32 @p2 $0x1082  }
0x22: {  	[simem:s7], [sflag:s8] =	dma.local @!p0 [hbm:s6], $0xF7A  }
0x23: {  	s9 =	sor.u32 $0xD0000000, s2;
	s6 =	simm.s32 $0x108;
	_ =	swait.ge @!p0 [sflag:s8], $0x0  }
0x24: {  	s3 =	sadd.s32 $0x88, s3;
	s6 =	simm.s32 @!p1 $0x1082;
	[sflag:s4] =	ssyncset.s32 $0xFFFFF086  }
0x25: {  	[simem:s6], [sflag:s4] =	dma.local [hbm:s3], $0xF7A  }
0x26: {  	[smem:$0x3F56] =	sst s1;
	(tag) =	ssettag s2;
	_ =	strace s9  }
0x27: {  	s1 =	sld [smem:$0x3F66]  }
0x28: {  	s2 =	sld [smem:$0x3F67]  }
0x29: {  	s4 =	sld [smem:$0x3F69]  }
0x2a: {  	p0 =	seq.s32 s5, $0x0;
	s5 =	sld [smem:$0x3F6A]  }
0x2b: {  	s6 =	sld [smem:$0x3F6B]  }
0x2c: {  	s7 =	sld [smem:$0x3F6C]  }
0x2d: {  	s3 =	simm.s32 $0x108;
	s8 =	sld [smem:$0x3F6D]  }
0x2e: {  	s3 =	simm.s32 @!p0 $0x1082;
	s9 =	sld [smem:$0x3F6E]  }
0x2f: {  	lr =	sadd.s32 s0, s3;
	s0 =	sld [smem:$0x3F65]  }
0x30: {  	s3 =	sld [smem:$0x3F68]  }
0x31: {  	[smem:$0x3F71] =	sst s10  }
0x32: {  	s10 =	sld [smem:$0x3F6F];
	_ =	sdelay $0x3  }
0x33: {  	p0 =	seq.s32 s10, $0x1;
	s10 =	sld [smem:$0x3F71];
	_ =	sdelay $0x3  }
0x34: {  	[smem:$0x3F71] =	sst s10  }
0x35: {  	s10 =	sld [smem:$0x3F70];
	_ =	sdelay $0x3  }
0x36: {  	p1 =	seq.s32 s10, $0x1;
	s10 =	sld [smem:$0x3F71];
	_ =	sdelay $0x3  }
0x37: {  	[smem:$0x3F71] =	sst s10  }
0x38: {  	s10 =	sld [smem:$0x3F72]  }
0x39: {  	_ = 	snop;
	(pc) =	sbr.ind lr, $3  }
0x3a: {  	_ = 	snop  }
0x3b: {  	_ = 	snop  }
0x3c: {  	p2 =	seq.s32 s10, $0x1;
	s10 =	sld [smem:$0x3F71]  }
0x3d: {  	_ =	shalt  }
0x3e: {  	_ =	shalt  }
0x3f: {  	_ =	shalt  }
0x40: {  	_ =	shalt  }
0x41: {  	_ =	shalt  }
0x42: {  	_ =	shalt  }
0x43: {  	_ =	shalt  }
0x44: {  	_ =	shalt  }
0x45: {  	_ =	shalt  }
0x46: {  	_ =	shalt  }
0x47: {  	_ =	shalt  }
0x48: {  	_ =	shalt  }
0x49: {  	_ =	shalt  }
0x4a: {  	_ =	shalt  }
0x4b: {  	_ =	shalt  }
0x4c: {  	_ =	shalt  }
0x4d: {  	_ =	shalt  }
0x4e: {  	_ =	shalt  }
0x4f: {  	_ =	shalt  }
0x50: {  	_ =	shalt  }
0x51: {  	_ =	shalt  }
0x52: {  	_ =	shalt  }
0x53: {  	_ =	shalt  }
0x54: {  	_ =	shalt  }
0x55: {  	_ =	shalt  }
0x56: {  	_ =	shalt  }
0x57: {  	_ =	shalt  }
0x58: {  	_ =	shalt  }
0x59: {  	_ =	shalt  }
0x5a: {  	_ =	shalt  }
0x5b: {  	_ =	shalt  }
0x5c: {  	_ =	shalt  }
0x5d: {  	_ =	shalt  }
0x5e: {  	_ =	shalt  }
0x5f: {  	_ =	shalt  }
0x60: {  	_ =	shalt  }
0x61: {  	_ =	shalt  }
0x62: {  	_ =	shalt  }
0x63: {  	_ =	shalt  }
0x64: {  	_ =	shalt  }
0x65: {  	_ =	shalt  }
0x66: {  	_ =	shalt  }
0x67: {  	_ =	shalt  }
0x68: {  	_ =	shalt  }
0x69: {  	_ =	shalt  }
0x6a: {  	_ =	shalt  }
0x6b: {  	_ =	shalt  }
0x6c: {  	_ =	shalt  }
0x6d: {  	_ =	shalt  }
0x6e: {  	_ =	shalt  }
0x6f: {  	_ =	shalt  }
0x70: {  	_ =	shalt  }
0x71: {  	_ =	shalt  }
0x72: {  	_ =	shalt  }
0x73: {  	_ =	shalt  }
0x74: {  	_ =	shalt  }
0x75: {  	_ =	shalt  }
0x76: {  	_ =	shalt  }
0x77: {  	_ =	shalt  }
0x78: {  	_ =	shalt  }
0x79: {  	_ =	shalt  }
0x7a: {  	_ =	shalt  }
0x7b: {  	_ =	shalt  }
0x7c: {  	_ =	shalt  }
0x7d: {  	_ =	shalt  }
0x7e: {  	_ =	shalt  }
0x7f: {  	_ =	shalt  }
0x80: {  	_ =	shalt  }
0x81: {  	_ =	shalt  }
0x82: {  	_ =	shalt  }
0x83: {  	_ =	shalt  }
0x84: {  	_ =	shalt  }
0x85: {  	_ =	shalt  }
0x86: {  	_ =	shalt  }
0x87: {  	_ =	shalt  }
.Lfunc_end0:
.L_simem_size_0:
called_computation.5_lowered:
.L_overlay_start_0:
0x88: {  	s2 =	sld [smem:$0x3FD9]  }
0x89: {  	s3 =	sld [smem:$0x3FFE];
	_ =	sdelay $0x1  }
0x8a: {  	s1 =	srdreg.scid  }
0x8b: {  	s0 =	sand.u32 $0x1, s1  }
0x8c: {  	s16 =	sshll.u32 s0, $0xA;
	s2 =	sadd.s32 s3, s2  }
0x8d: {  	s2 =	sadd.s32 s2, s16  }
0x8e: {  	[smem:$0x3F7D] =	sst s2  }
0x8f: {  	_ = 	snop  }
0x90: {  	(tm) =	ssettm $0x1  }
0x91: {  	s17 =	sld [smem:$0x3FFB];
	_ =	sdelay $0x3  }
0x92: {  	_ =	strace s17  }
0x93: {  	s2 =	sld [smem:$0x3FFC];
	_ =	sdelay $0x3  }
0x94: {  	_ =	strace s2  }
0x95: {  	s2 =	sld [smem:$0x3FFD];
	_ =	sdelay $0x3  }
0x96: {  	_ =	strace s2  }
0x97: {  	_ =	strace $0x8FFFFFFF  }
0x98: {  	s18 =	sld [smem:$0x3FDB];
	_ =	sdelay $0x1  }
0x99: {  	s19 =	simm.s32 $_scs_section_size  }
0x9a: {  	s4 =	simm.s32 $_size__tile_overlayer_lowered;
	s5 =	simm.s32 $_tile_overlayer_lowered  }
0x9b: {  	s22 =	simm.s32 $0x1BFF;
	s21 =	sshll.u32 s5, $0x1;
	s2 =	sadd.s32 s19, s18  }
0x9c: {  	s6 =	simm.s32 $0x0;
	s20 =	sshll.u32 s4, $0x1;
	s4 =	sadd.s32 s21, s2  }
0x9d: {  	[timem:s6], [sflag:s22] =	dma.local [hbm:s4], s20  }
0x9e: {  	_ =	swait.ge [sflag:s22], s20  }
0x9f: {  	s3 =	ssub.s32 $0x0, s20;
	[sflag:s22] =	ssyncset.done $0x0  }
0xa0: {  	[sflag:s22] =	ssyncadd.s32 s3;
	_ =	sdelay $0x1  }
0xa1: {  	s23 =	simm.s32 $0x1B8B  }
0xa2: {  	_ =	swait.ge [sflag:s23], $0x1  }
0xa3: {  	[sflag:s23] =	ssyncset.done $0x0  }
0xa4: {  	s25 =	simm.s32 $0x1B8E;
	s24 =	sld [smem:$0x3FFE];
	[sflag:s23] =	ssyncadd.s32 $0xFFFFFFFF  }
0xa5: {  	s26 =	simm.s32 $execute0_lowered;
	[smem:$0x3FD2] =	sst s25  }
0xa6: {  	s4 =	sshll.u32 s26, $0x1;
	_ =	strace $0x80000055;
	[dreg:$0x1] =	wrdreg $0xFFFFFFFF  }
0xa7: {  	s28 =	simm.s32 $_size_execute0_lowered;
	s2 =	sadd.s32 s2, s4;
	[dreg:$0x0] =	wrdreg $0x0  }
0xa8: {  	s4 =	sshll.u32 s28, $0x1;
	[dreg:$0x2] =	wrdreg s2  }
0xa9: {  	[dreg:$0x3] =	wrdreg s4  }
0xaa: {  	[dreg:$0x4] =	wrdreg $0xC0  }
0xab: {  	_ =	task [dreg:s6], $0x5FFFF  }
0xac: {  	[dreg:$0x1] =	wrdreg $0xFFFFFFFF  }
0xad: {  	[dreg:$0x0] =	wrdreg $0x60  }
0xae: {  	[dreg:$0x2] =	wrdreg s24  }
0xaf: {  	[dreg:$0x3] =	wrdreg $0x0  }
0xb0: {  	[dreg:$0x4] =	wrdreg $0x9  }
0xb1: {  	_ =	task.clear_ibuf [dreg:s6], $0x5FFFF;
	_ =	strace $0x90000055  }
0xb2: {  	s29 =	simm.s32 $0x9;
	_ =	strace $0x80000057  }
0xb3: {  	_ =	swait.ge [sflag:s29], $0x1  }
0xb4: {  	[sflag:s29] =	ssyncadd.s32 $0xFFFFFFFF  }
0xb5: {  	_ =	strace $0x90000057  }
0xb6: {  	_ =	sfence  }
0xb7: {  	s30 =	sld [smem:$0x0];
	_ =	sdelay $0x2  }
0xb8: {  	s31 =	sshll.u32 s1, $0xD;
	s1 =	sshrl.u32 s1, $0x2  }
0xb9: {  	s3 =	sand.u32 $0x4000, s31;
	s1 =	sadd.s32 s1, s30  }
0xba: {  	s0 =	sor.u32 s3, s0;
	s1 =	sshll.u32 s1, $0x11  }
0xbb: {  	s0 =	sor.u32 s1, s0  }
0xbc: {  	s0 =	sadd.s32 $0x8F2B, s0  }
0xbd: {  	[sflag:s0] =	ssyncadd.remote.s32 $0x1  }
0xbe: {  	_ =	sfence.sel $0xFFFF  }
0xbf: {  	[dreg:$0x0] =	wrdreg $0xFFFFFFFF;
	(pc) =	sbr.abs _section_cstart, $3  }
0xc0: {  	[dreg:$0x1] =	wrdreg $0xFFFFFFFF  }
0xc1: {  	_ =	task.clear_ibuf [dreg:s6], $0x2FFFF;
	_ =	strace $0x9FFFFFFF  }
0xc2: {  	(tm) =	ssettm $0x7FFFFFFF  }
0xc3: {  	_ =	shalt  }
tec
execute0_lowered:
.L_overlay_start_1:
0x0: {  	(tag) =	ssettag $0x1  }
0x1: {  	s4 =	rddreg [dreg:$0x0]  }
0x2: {  	s1 =	rddreg [dreg:$0x1]  }
0x3: {  	s0 =	rddreg [dreg:$0x2]  }
0x4: {  	s3 =	simm.s32 $0x0;
	s5 =	srdreg.scid;
	s2 =	stileid.u32  }
0x5: {  	[smem:$0x7FF] =	sst s3;
	s9 =	sand.u32 $0x1, s5;
	s12 =	smul.u32 $0x2780, s2  }
0x6: {  	s25 =	sshll.u32 s2, $0x5;
	s7 =	sshll.u32 s2, $0xC;
	s10 =	smul.u32 $0x4F000, s2  }
0x7: {  	s14 =	sshll.u32 s2, $0x1;
	s29 =	sshll.u32 s2, $0x6;
	_ =	strace $0x80000056  }
0x8: {  	s6 =	sshll.u32 s9, $0x4;
	s26 =	smul.u32 $0x27800, s9;
	s7 =	sadd.s32 s7, s4  }
0x9: {  	s13 =	ssub.s32 $0x2, s9;
	s30 =	sshll.u32 s9, $0xB;
	s9 =	sor.u32 s9, s14  }
0xa: {  	s5 =	sor.u32 s6, s25;
	s11 =	sadd.s32 s12, s4;
	s28 =	sshrl.u32 s13, $0x1  }
0xb: {  	s10 =	sshrl.u32 s10, $0x2;
	s8 =	sand.u32 $0x180, s5;
	s6 =	sadd.s32 s26, s4  }
0xc: {  	s13 =	ssub.s32 s13, s28;
	s10 =	sadd.s32 s10, s1;
	s15 =	sand.u32 $0x70, s5  }
0xd: {  	s5 =	sor.u32 $0x1C01, s29;
	s8 =	sadd.s32 s8, s4;
	s4 =	sadd.s32 $0xEC6E00, s11  }
0xe: {  	s31 =	sadd.s32 $0x20E00, s6;
	s6 =	smax.u32 s13, $0x1;
	s11 =	sadd.s32 s30, s7  }
0xf: {  	s10 =	sshrl.u32 s10, $0x3;
	s8 =	sadd.s32 s15, s8;
	s12 =	sadd.s32 s12, s31  }
0x10: {  	s7 =	sadd.s32 $0x17000, s8;
	s8 =	sadd.s32 $0x9E4E00, s11;
	s11 =	simm.s32 $0x1  }
.LBB2_1:
0x11: {  	[spmem:s10], [sflag:s5] =	dma.local [hbm:s4], $0x2780  }
0x12: {  	s13 =	sadd.s32 $0x0, s9;
	_ =	swait.ge [sflag:s11], $0x2780  }
0x13: {  	p0 =	sgt.u32 s13, $0x9C3;
	[sflag:s11] =	ssyncset.done $0x0  }
0x14: {  	s13 =	simm.s32 @!p0 $0x0;
	[sflag:s11] =	ssyncadd.s32 $0xFFFFD880  }
0x15: {  	s15 =	simm.s32 @!p0 $0x13C00;
	s16 =	simm.s32 @!p0 $0x2;
	[bflag:$0x0] =	sbarrier.arrive $0xFFFF  }
0x16: {  	[tilespmem:s15], [sflag:$0x2] =	stream.linear.gather @!p0 [hbm4b:s7+s13], $0x80, $0x38;
	[tilespmem:$0x17C80] =	vst v63  }
0x17: {  	_ =	swait.ge @!p0 [sflag:s16], $0x80;
	p0 =	por p0, p0  }
0x18: {  	[sflag:s16] =	ssyncset.done @!p0 $0x0  }
0x19: {  	s17 =	simm.s32 @!p0 $0x13C80;
	[sflag:s16] =	ssyncadd.s32 @!p0 $0xFFFFFF80  }
0x1a: {  	[tilespmem:s17], [sflag:$0x2] =	stream.linear.gather @!p0 [hbm4b:s8+s13], $0x4000, $0x38;
	[tilespmem:$0x17C80] =	vst v63  }
0x1b: {  	s31 =	sadd.s32 $0x20, s9;
	_ =	swait.ge @!p0 [sflag:s16], $0x4000  }
0x1c: {  	s14 =	simm.s32 $0x40;
	p1 =	sgt.u32 s31, $0x9C3;
	[sflag:s16] =	ssyncset.done @!p0 $0x0  }
0x1d: {  	s13 =	simm.s32 @!p0 $0x80;
	[sflag:s16] =	ssyncadd.s32 @!p0 $0xFFFFC000;
	s16 =	simm.s32 @!p0 $0x1  }
0x1e: {  	[spmem:s1] =	stream.indirect.scatter.add.f32 @!p0 [tilespmem:s17], [sflag:$0x1], $0x80, s15, s13, $0xb8;
	[tilespmem:$0x17C80] =	vst v63  }
0x1f: {  	s13 =	sadd.s32 $0x10000, s8;
	s15 =	sadd.s32 $0x200, s7;
	_ =	swait.ge @!p0 [sflag:s16], $0x4000  }
.LBB2_2:
0x20: {  	s17 =	simm.s32 @!p1 $0x0  }
0x21: {  	s18 =	simm.s32 @!p1 $0x13C00;
	[sflag:s16] =	ssyncset.done @!p0 $0x0;
	s19 =	smov.u32 s14  }
0x22: {  	s14 =	sadd.s32 $0x20, s14;
	s20 =	simm.s32 @!p1 $0x2;
	[sflag:s16] =	ssyncadd.s32 @!p0 $0xFFFFC000  }
0x23: {  	[tilespmem:s18], [sflag:$0x2] =	stream.linear.gather @!p1 [hbm4b:s15+s17], $0x80, $0x38;
	[tilespmem:$0x17C80] =	vst v63  }
0x24: {  	p2 =	sne.s32 s14, $0x9E0;
	p0 =	por p1, p1;
	_ =	swait.ge @!p1 [sflag:s20], $0x80  }
0x25: {  	[sflag:s20] =	ssyncset.done @!p0 $0x0  }
0x26: {  	s21 =	simm.s32 @!p0 $0x13C80;
	[sflag:s20] =	ssyncadd.s32 @!p0 $0xFFFFFF80  }
0x27: {  	[tilespmem:s21], [sflag:$0x2] =	stream.linear.gather @!p0 [hbm4b:s13+s17], $0x4000, $0x38;
	[tilespmem:$0x17C80] =	vst v63  }
.Ltmp0:
0x28: {  	_ =	swait.ge @!p0 [sflag:s20], $0x4000;
	(pc) =	sbr.rel @p2 .LBB2_2-.Ltmp0, $4  }
0x29: {  	s16 =	simm.s32 @!p0 $0x1;
	s13 =	sadd.s32 $0x10000, s13;
	[sflag:s20] =	ssyncset.done @!p0 $0x0  }
0x2a: {  	s17 =	sadd.s32 s19, s9;
	s19 =	simm.s32 @!p0 $0x80;
	[sflag:s20] =	ssyncadd.s32 @!p0 $0xFFFFC000  }
0x2b: {  	[spmem:s1] =	stream.indirect.scatter.add.f32 @!p0 [tilespmem:s21], [sflag:$0x1], $0x80, s18, s19, $0xb8;
	[tilespmem:$0x17C80] =	vst v63  }
0x2c: {  	s15 =	sadd.s32 $0x200, s15;
	p1 =	sgt.u32 s17, $0x9C3;
	_ =	swait.ge @!p0 [sflag:s16], $0x4000  }
0x2d: {  	s14 =	simm.s32 @!p1 $0x0;
	[sflag:s16] =	ssyncset.done @!p0 $0x0  }
0x2e: {  	s17 =	simm.s32 @!p1 $0x13C00;
	s18 =	simm.s32 @!p1 $0x2;
	[sflag:s16] =	ssyncadd.s32 @!p0 $0xFFFFC000  }
0x2f: {  	[tilespmem:s17], [sflag:$0x2] =	stream.linear.gather @!p1 [hbm4b:s15+s14], $0x80, $0x38;
	[tilespmem:$0x17C80] =	vst v63  }
0x30: {  	p0 =	por p1, p1;
	_ =	swait.ge @!p1 [sflag:s18], $0x80  }
0x31: {  	[sflag:s18] =	ssyncset.done @!p0 $0x0  }
0x32: {  	s15 =	simm.s32 @!p0 $0x13C80;
	[sflag:s18] =	ssyncadd.s32 @!p0 $0xFFFFFF80  }
0x33: {  	[tilespmem:s15], [sflag:$0x2] =	stream.linear.gather @!p0 [hbm4b:s13+s14], $0x4000, $0x38;
	[tilespmem:$0x17C80] =	vst v63  }
0x34: {  	_ =	swait.ge @!p0 [sflag:s18], $0x4000  }
0x35: {  	[sflag:s18] =	ssyncset.done @!p0 $0x0  }
0x36: {  	s13 =	simm.s32 @!p0 $0x1;
	s14 =	simm.s32 @!p0 $0x80;
	[sflag:s18] =	ssyncadd.s32 @!p0 $0xFFFFC000  }
0x37: {  	[spmem:s1] =	stream.indirect.scatter.add.f32 @!p0 [tilespmem:s15], [sflag:$0x1], $0x80, s17, s14, $0xb8;
	[tilespmem:$0x17C80] =	vst v63  }
0x38: {  	_ =	swait.ge @!p0 [sflag:s13], $0x4000  }
0x39: {  	s3 =	sadd.s32 $0x1, s3;
	[sflag:s13] =	ssyncset.done @!p0 $0x0  }
0x3a: {  	[sflag:s13] =	ssyncadd.s32 @!p0 $0xFFFFC000;
	p0 =	sne.s32 s3, s6  }
.Ltmp1:
0x3b: {  	[bflag:$0x0] =	sbarrier.arrive $0xFFFF;
	(pc) =	sbr.rel @p0 .LBB2_1-.Ltmp1, $4  }
0x3c: {  	[hbm:s12], [sflag:s5] =	dma.local [spmem:s10], $0x2780  }
0x3d: {  	_ =	swait.ge [sflag:s11], $0x2780  }
0x3e: {  	[sflag:s11] =	ssyncset.done $0x0  }
0x3f: {  	[sflag:s11] =	ssyncadd.s32 $0xFFFFD880  }
0x40: {  	_ =	sfence.sel $0x180000  }
0x41: {  	[bflag:$0x0] =	sbarrier.arrive $0xFFFF  }
0x42: {  	p0 =	sne.s32 s2, $0x0;
	_ =	strace $0x90000056  }
0x43: {  	s0 =	sadd.s32 @!p0 $0x100000, s0;
	[bflag:$0x2] =	sbarrier.arrive $0xFFFF  }
0x44: {  	[sflag:s0] =	ssyncadd.tile.s32 @!p0 $0x1;
	_ =	shalt  }
.Lfunc_end2:
_tile_overlayer_lowered:
.L_overlay_start_2:
0x45: {  	(tag) =	ssettag $0x2  }
0x46: {  	s0 =	rddreg [dreg:$0x0];
	s2 =	stileid.u32  }
0x47: {  	s1 =	rddreg [dreg:$0x1];
	p0 =	sne.s32 s2, $0x0  }
0x48: {  	s3 =	rddreg [dreg:$0x2];
	[bflag:$0x3] =	sbarrier.arrive $0xFFFF;
	s2 =	simm.s32 @!p0 $0x1C01  }
0x49: {  	[timem:s3], [sflag:s2] =	dma.local @!p0 [hbm:s0], s1  }
0x4a: {  	s0 =	simm.s32 @!p0 $0x1  }
0x4b: {  	_ =	swait.ge @!p0 [sflag:s0], s1  }
0x4c: {  	s1 =	ssub.s32 @!p0 $0x0, s1;
	[sflag:s0] =	ssyncset.done @!p0 $0x0  }
0x4d: {  	[sflag:s0] =	ssyncadd.s32 @!p0 s1  }
0x4e: {  	[bflag:$0x3] =	sbarrier.arrive $0xFFFF  }
0x4f: {  	_ =	shalt  }

</sc_bundles>
